<compile_context>
chip_gen: v7x
topology: tpu7x:2x2x1
jax: 0.10.2.dev20260603
libtpu: 0.0.44.dev20260713+nightly
codegen_flags: <defaults>
</compile_context>

<pallas_src>
import functools

import jax
import jax.numpy as jnp
from jax import lax
from jax.experimental import pallas as pl
from jax.experimental.pallas import tpu as pltpu
from jax.experimental.pallas import tpu_sc as plsc

_B, _P, _N, _K, _D = 1024, 20, 20, 20, 32
_W1, _W2, _W3 = 0.5, 0.1, 0.5
_NC, _NS = 2, 16
_NW = _NC * _NS
_UPW = _B // _NW
_IPW = _B * _P // _NW
_GCH = 128
_NCHK = _IPW // _GCH
_MG = 16
_NV = 100000

_scA_out_type = (
    jax.ShapeDtypeStruct((_B, _D), jnp.float32),
    jax.ShapeDtypeStruct((_B * _K, _D), jnp.float32),
    jax.ShapeDtypeStruct((_B * _K, _D), jnp.float32),
    jax.ShapeDtypeStruct((_B, _MG), jnp.float32),
    jax.ShapeDtypeStruct((_B, _MG), jnp.float32),
)

_scA_scratch = (
    pltpu.VMEM((_UPW,), jnp.int32),
    pltpu.VMEM((_IPW,), jnp.int32),
    pltpu.VMEM((_IPW,), jnp.int32),
    pltpu.VMEM((_UPW,), jnp.int32),
    pltpu.VMEM((_UPW, _D), jnp.float32),
    pltpu.VMEM((_IPW, _D), jnp.float32),
    pltpu.VMEM((_IPW, _D), jnp.float32),
    pltpu.VMEM((_UPW, _MG), jnp.float32),
    pltpu.VMEM((_UPW, _MG), jnp.float32),
    pltpu.SemaphoreType.DMA,
)

_scB_out_type = (
    jax.ShapeDtypeStruct((_B * _P, _D), jnp.float32),
    jax.ShapeDtypeStruct((_B * _N, _D), jnp.float32),
    jax.ShapeDtypeStruct((_B * _P, _MG), jnp.float32),
)

_scB_scratch = (
    pltpu.VMEM((_IPW,), jnp.int32),
    pltpu.VMEM((_IPW,), jnp.int32),
    pltpu.VMEM((_IPW,), jnp.int32),
    pltpu.VMEM((_IPW, _D), jnp.float32),
    pltpu.VMEM((_IPW, _D), jnp.float32),
    pltpu.VMEM((_IPW, _MG), jnp.float32),
    pltpu.SemaphoreType.DMA,
)


@functools.cache
def _make_sc_gathers():
    mesh = plsc.VectorSubcoreMesh(core_axis_name="c", subcore_axis_name="s")
    params = pltpu.CompilerParams(use_tc_tiling_on_sc=False)
    ka = functools.partial(pl.kernel, mesh=mesh, out_type=_scA_out_type,
                           scratch_types=list(_scA_scratch),
                           compiler_params=params)(_scA_body)
    kb = functools.partial(pl.kernel, mesh=mesh, out_type=_scB_out_type,
                           scratch_types=list(_scB_scratch),
                           compiler_params=params)(_scB_body)
    return ka, kb


def _scA_body(tu_h, nb_h, nnb_h, u2e_h, muv_h, muu_h,
              u_o, nb_o, nnb_o, mu_o, ms_o,
              iu, inb, innb, iur, ru, rnb, rnnb, rmu, rms, sem):
    wid = lax.axis_index("s") * _NC + lax.axis_index("c")
    bu = wid * _UPW
    bi = wid * _IPW

    pltpu.sync_copy(tu_h.at[pl.ds(bu, _UPW)], iu)
    pltpu.sync_copy(nb_h.at[pl.ds(bi, _IPW)], inb)
    pltpu.sync_copy(nnb_h.at[pl.ds(bi, _IPW)], innb)

    for t in range(_UPW // 16):
        sl = pl.ds(t * 16, 16)
        iur[sl] = lax.shift_right_logical(iu[sl], 4)

    copies = [
        pltpu.async_copy(u2e_h.at[iu], ru, sem),
        pltpu.async_copy(muv_h.at[iur], rmu, sem),
        pltpu.async_copy(muu_h.at[iur], rms, sem),
    ]
    for k in range(_NCHK):
        sl = pl.ds(k * _GCH, _GCH)
        copies.append(pltpu.async_copy(u2e_h.at[inb.at[sl]], rnb.at[sl], sem))
        copies.append(pltpu.async_copy(u2e_h.at[innb.at[sl]], rnnb.at[sl], sem))
    for c in copies:
        c.wait()

    pltpu.sync_copy(ru, u_o.at[pl.ds(bu, _UPW)])
    pltpu.sync_copy(rnb, nb_o.at[pl.ds(bi, _IPW)])
    pltpu.sync_copy(rnnb, nnb_o.at[pl.ds(bi, _IPW)])
    pltpu.sync_copy(rmu, mu_o.at[pl.ds(bu, _UPW)])
    pltpu.sync_copy(rms, ms_o.at[pl.ds(bu, _UPW)])


def _scB_body(pos_h, neg_h, v2e_h, mvv_h,
              p_o, n_o, mv_o,
              ip, ineg, ipr, rp, rn, rmv, sem):
    wid = lax.axis_index("s") * _NC + lax.axis_index("c")
    bi = wid * _IPW

    pltpu.sync_copy(pos_h.at[pl.ds(bi, _IPW)], ip)
    pltpu.sync_copy(neg_h.at[pl.ds(bi, _IPW)], ineg)

    for t in range(_IPW // 16):
        sl = pl.ds(t * 16, 16)
        ipr[sl] = lax.shift_right_logical(ip[sl], 4)

    copies = []
    for k in range(_NCHK):
        sl = pl.ds(k * _GCH, _GCH)
        copies.append(pltpu.async_copy(v2e_h.at[ip.at[sl]], rp.at[sl], sem))
        copies.append(pltpu.async_copy(v2e_h.at[ineg.at[sl]], rn.at[sl], sem))
        copies.append(pltpu.async_copy(mvv_h.at[ipr.at[sl]], rmv.at[sl], sem))
    for c in copies:
        c.wait()

    pltpu.sync_copy(rp, p_o.at[pl.ds(bi, _IPW)])
    pltpu.sync_copy(rn, n_o.at[pl.ds(bi, _IPW)])
    pltpu.sync_copy(rmv, mv_o.at[pl.ds(bi, _IPW)])


_CHUNK = 256
_NSTEP = _B // _CHUNK


def _loss_body(u_ref, pos_ref, neg_ref, nb_ref, nnb_ref,
               mu_ref, mv_ref, ms_ref, tu_ref, pi_ref, out_ref, mv_s):
    i = pl.program_id(0)
    def _t3(x, a):
        return x.T.reshape(a, _D, _CHUNK)

    uT = u_ref[...].T
    posT = _t3(pos_ref[...], _P)
    negT = _t3(neg_ref[...], _N)
    nbT = _t3(nb_ref[...], _K)
    nnbT = _t3(nnb_ref[...], _K)
    tu = tu_ref[...].T
    pi = pi_ref[...].T

    colu = jnp.bitwise_and(tu, _MG - 1)
    iota_u = lax.broadcasted_iota(jnp.int32, (_MG, _CHUNK), 0)
    oh_u = iota_u == colu
    mu = jnp.sum(jnp.where(oh_u, mu_ref[...].T, 0.0), axis=0, keepdims=True)
    ms = jnp.sum(jnp.where(oh_u, ms_ref[...].T, 0.0), axis=0, keepdims=True)
    colp = jnp.bitwise_and(pi, _MG - 1)
    iota_p = lax.broadcasted_iota(jnp.int32, (_P, _MG, _CHUNK), 1)
    oh_p = iota_p == colp[:, None, :]
    mvr = mv_ref[...].T.reshape(_P, _MG, _CHUNK)
    mv = jnp.sum(jnp.where(oh_p, mvr, 0.0), axis=1)

    ub = uT[None]
    d1 = jnp.sum((posT - ub) ** 2, axis=1)
    d2 = jnp.sum((negT - ub) ** 2, axis=1)
    d1n = jnp.sum((nbT - ub) ** 2, axis=1)
    d2n = jnp.sum((nnbT - ub) ** 2, axis=1)

    uv = jnp.sum(jnp.maximum((mu + d1)[:, None, :] - d2[None, :, :], 0.0))
    uu = jnp.sum(jnp.maximum((ms + d1n)[:, None, :] - d2n[None, :, :], 0.0))

    del mv_s
    vv = jnp.float32(0.0)
    for j in range(_P):
        dist2j = jnp.sum((negT - posT[j][None]) ** 2, axis=1)
        zj = mv[j][None] - dist2j
        hj = jnp.maximum(d1[:, None, :] + zj[None, :, :], 0.0)
        vv = vv + jnp.sum(hj)

    am = jnp.sum(mu) / _B + jnp.sum(mv) / (_B * _P) + jnp.sum(ms) / _B
    part = uv + _W1 * vv + _W3 * uu + _W2 * am

    @pl.when(i == 0)
    def _init():
        out_ref[0, 0] = 0.0

    out_ref[0, 0] += part


_loss_call = pl.pallas_call(
    _loss_body,
    grid=(_NSTEP,),
    in_specs=[
        pl.BlockSpec((_CHUNK, _D), lambda i: (i, 0)),
        pl.BlockSpec((_CHUNK, _P * _D), lambda i: (i, 0)),
        pl.BlockSpec((_CHUNK, _N * _D), lambda i: (i, 0)),
        pl.BlockSpec((_CHUNK, _K * _D), lambda i: (i, 0)),
        pl.BlockSpec((_CHUNK, _K * _D), lambda i: (i, 0)),
        pl.BlockSpec((_CHUNK, _MG), lambda i: (i, 0)),
        pl.BlockSpec((_CHUNK, _P * _MG), lambda i: (i, 0)),
        pl.BlockSpec((_CHUNK, _MG), lambda i: (i, 0)),
        pl.BlockSpec((_CHUNK, 1), lambda i: (i, 0)),
        pl.BlockSpec((_CHUNK, _P), lambda i: (i, 0)),
    ],
    out_specs=pl.BlockSpec((1, 1), lambda i: (0, 0), memory_space=pltpu.SMEM),
    out_shape=jax.ShapeDtypeStruct((1, 1), jnp.float32),
    scratch_shapes=[pltpu.VMEM((_P, _CHUNK), jnp.float32)],
)


def kernel(train_u, pos_idx, neg_idx, nb_idx, non_nb_idx, u2e, v2e,
           margin_uv, margin_vv, margin_uu):
    ka, kb = _make_sc_gathers()
    u_emb, nb_e, nnb_e, m_uv, m_uu = ka(
        train_u, nb_idx.reshape(-1), non_nb_idx.reshape(-1), u2e,
        margin_uv.reshape(-1, _MG), margin_uu.reshape(-1, _MG))
    pos_e, neg_e, m_vv = kb(
        pos_idx.reshape(-1), neg_idx.reshape(-1), v2e,
        margin_vv.reshape(-1, _MG))
    total = _loss_call(
        u_emb,
        pos_e.reshape(_B, _P * _D),
        neg_e.reshape(_B, _N * _D),
        nb_e.reshape(_B, _K * _D),
        nnb_e.reshape(_B, _K * _D),
        m_uv,
        m_vv.reshape(_B, _P * _MG),
        m_uu,
        train_u.reshape(_B, 1),
        pos_idx,
    )
    return total[0, 0]

# --- scband reference (transcript-rebuilt; emitter-appended) ---
"""Pipeline reference for scband-csml-class-6081673691780 (READ-ONLY COPY).

The authoritative reference and input builder live on the scoring server;
editing this copy changes nothing except your own understanding.
"""

import jax, jax.numpy as jnp
import numpy as np

NUM_USERS = 100000
NUM_ITEMS = 100000
EMBED_DIM = 32
B = 1024
P = 20
N = 20
K = 20
W1, W2, W3 = 0.5, 0.1, 0.5


def setup_inputs(seed: int = 0) -> dict:
    key = jax.random.key(seed)
    ks = jax.random.split(key, 8)
    train_u = jax.random.randint(ks[0], (B,), 0, NUM_USERS, dtype=jnp.int32)
    pos_idx = jax.random.randint(ks[1], (B, P), 0, NUM_ITEMS, dtype=jnp.int32)
    neg_idx = jax.random.randint(ks[2], (B, N), 0, NUM_ITEMS, dtype=jnp.int32)
    nb_idx = jax.random.randint(ks[3], (B, K), 0, NUM_USERS, dtype=jnp.int32)
    non_nb_idx = jax.random.randint(ks[4], (B, K), 0, NUM_USERS, dtype=jnp.int32)
    # learned parameters, initialized as in the torch module
    u2e = 0.1 + 0.03 * jax.random.normal(ks[5], (NUM_USERS, EMBED_DIM), dtype=jnp.float32)
    v2e = 0.1 + 0.03 * jax.random.normal(ks[6], (NUM_ITEMS, EMBED_DIM), dtype=jnp.float32)
    margin_uv = jnp.ones((NUM_USERS, 1), dtype=jnp.float32)
    margin_vv = jnp.ones((NUM_ITEMS, 1), dtype=jnp.float32)
    margin_uu = jnp.ones((NUM_USERS, 1), dtype=jnp.float32)
    return {
        "train_u": train_u, "pos_idx": pos_idx, "neg_idx": neg_idx,
        "nb_idx": nb_idx, "non_nb_idx": non_nb_idx,
        "u2e": u2e, "v2e": v2e,
        "margin_uv": margin_uv, "margin_vv": margin_vv, "margin_uu": margin_uu,
    }


def reference(train_u, pos_idx, neg_idx, nb_idx, non_nb_idx, u2e, v2e, margin_uv, margin_vv, margin_uu):
    # embedding gathers (SparseCore-friendly)
    u_emb = jnp.take(u2e, train_u, axis=0)          # [B, d]
    pos_emb = jnp.take(v2e, pos_idx, axis=0)        # [B, P, d]
    neg_emb = jnp.take(v2e, neg_idx, axis=0)        # [B, N, d]
    nb_emb = jnp.take(u2e, nb_idx, axis=0)          # [B, K, d]
    nnb_emb = jnp.take(u2e, non_nb_idx, axis=0)     # [B, K, d]
    m_u = jnp.take(margin_uv, train_u, axis=0)[:, 0]      # [B]
    m_v = jnp.take(margin_vv, pos_idx, axis=0)[..., 0]    # [B, P]
    m_s = jnp.take(margin_uu, train_u, axis=0)[:, 0]      # [B]

    # uv triplet: anchor user (M=1 case) vs positive items / negative items
    d1 = jnp.sum((u_emb[:, None, :] - pos_emb) ** 2, axis=-1)   # [B, P]
    d2 = jnp.sum((u_emb[:, None, :] - neg_emb) ** 2, axis=-1)   # [B, N]
    uv_loss = jnp.sum(jax.nn.relu(m_u[:, None, None] + d1[:, :, None] - d2[:, None, :]))

    # vv triplet: anchor positive items (M=P case), positive = user, negative items
    # torch broadcasting yields hinge of shape [P, P, N]: margin[j] + dist1[i] - dist2[j, n]
    dist1_vv = d1                                                 # [B, P] (same squared dist)
    dist2_vv = jnp.sum((pos_emb[:, :, None, :] - neg_emb[:, None, :, :]) ** 2, axis=-1)  # [B, P, N]
    hinge_vv = m_v[:, None, :, None] + dist1_vv[:, :, None, None] - dist2_vv[:, None, :, :]  # [B, P, P, N]
    vv_loss = jnp.sum(jax.nn.relu(hinge_vv))

    # uu (social) triplet: anchor user vs neighbors / non-neighbors
    d1n = jnp.sum((u_emb[:, None, :] - nb_emb) ** 2, axis=-1)    # [B, K]
    d2n = jnp.sum((u_emb[:, None, :] - nnb_emb) ** 2, axis=-1)   # [B, K]
    uu_loss = jnp.sum(jax.nn.relu(m_s[:, None, None] + d1n[:, :, None] - d2n[:, None, :]))

    # adaptive-margin regularizer
    loss_am = jnp.mean(jnp.take(margin_uv, train_u, axis=0)) \
        + jnp.mean(jnp.take(margin_vv, pos_idx.reshape(-1), axis=0)) \
        + jnp.mean(jnp.take(margin_uu, train_u, axis=0))

    total_loss = uv_loss + W1 * vv_loss + W3 * uu_loss + W2 * loss_am
    return total_loss

if __name__ == "__main__":
    import jax
    _d = setup_inputs()
    print(jax.jit(kernel)(*tuple(_d.values())))

</pallas_src>

<mosaic_0001>
#map = affine_map<(d0, d1) -> (0)>
#map1 = affine_map<(d0, d1) -> (0, 0)>
module attributes {stable_mosaic.version = 14 : i64} {
  func.func @_scA_body(%arg0: i32, %arg1: i32, %arg2: memref<1024xi32, #tpu.memory_space<hbm>>, %arg3: memref<20480xi32, #tpu.memory_space<hbm>>, %arg4: memref<20480xi32, #tpu.memory_space<hbm>>, %arg5: memref<100000x32xf32, #tpu.memory_space<hbm>>, %arg6: memref<6250x16xf32, #tpu.memory_space<hbm>>, %arg7: memref<6250x16xf32, #tpu.memory_space<hbm>>, %arg8: memref<1024x32xf32, #tpu.memory_space<hbm>>, %arg9: memref<20480x32xf32, #tpu.memory_space<hbm>>, %arg10: memref<20480x32xf32, #tpu.memory_space<hbm>>, %arg11: memref<1024x16xf32, #tpu.memory_space<hbm>>, %arg12: memref<1024x16xf32, #tpu.memory_space<hbm>>, %arg13: memref<32xi32, #tpu.memory_space<vmem>>, %arg14: memref<640xi32, #tpu.memory_space<vmem>>, %arg15: memref<640xi32, #tpu.memory_space<vmem>>, %arg16: memref<32xi32, #tpu.memory_space<vmem>>, %arg17: memref<32x32xf32, #tpu.memory_space<vmem>>, %arg18: memref<640x32xf32, #tpu.memory_space<vmem>>, %arg19: memref<640x32xf32, #tpu.memory_space<vmem>>, %arg20: memref<32x16xf32, #tpu.memory_space<vmem>>, %arg21: memref<32x16xf32, #tpu.memory_space<vmem>>, %arg22: memref<!tpu.dma_semaphore, #tpu.memory_space<semaphore_mem>>) attributes {dimension_semantics = [#tpu.dimension_semantics<core_parallel>, #tpu.dimension_semantics<subcore_parallel>], iteration_bounds = array<i64: 2, 16>, scalar_prefetch = 0 : i64, scratch_operands = 10 : i64, tpu.core_type = #tpu.core_type<sc_vector_subcore>, window_params = [{transform_indices = #map}, {transform_indices = #map}, {transform_indices = #map}, {transform_indices = #map1}, {transform_indices = #map1}, {transform_indices = #map1}, {transform_indices = #map1}, {transform_indices = #map1}, {transform_indices = #map1}, {transform_indices = #map1}, {transform_indices = #map1}]} {
    %mul3A = arith.constant 2 : i32
    %mul3A_0 = arith.muli %arg1, %mul3A : i32
    %add3A = arith.addi %mul3A_0, %arg0 : i32
    %mul3A_1 = arith.constant 32 : i32
    %mul3A_2 = arith.muli %add3A, %mul3A_1 : i32
    %mul3A_3 = arith.constant 640 : i32
    %mul3A_4 = arith.muli %add3A, %mul3A_3 : i32
    "tpu.region"() ({
      %run_scoped3A = tpu.sem_alloc : memref<!tpu.dma_semaphore, #tpu.memory_space<semaphore_mem>>
      %dma_start3A_198 = tpu.memref_slice %arg2[%mul3A_2] : memref<1024xi32, #tpu.memory_space<hbm>> -> memref<32xi32, #tpu.memory_space<hbm>>
      %dma_start3A_199 = tpu.memref_slice %arg2[%mul3A_2] : memref<1024xi32, #tpu.memory_space<hbm>> -> memref<32xi32, #tpu.memory_space<hbm>>
      tpu.enqueue_dma source(%dma_start3A_199 : memref<32xi32, #tpu.memory_space<hbm>>) target(%arg13 : memref<32xi32, #tpu.memory_space<vmem>>) target_semaphore(%run_scoped3A : memref<!tpu.dma_semaphore, #tpu.memory_space<semaphore_mem>>)
      %dma_wait3A_200 = tpu.memref_slice %arg2[%mul3A_2] : memref<1024xi32, #tpu.memory_space<hbm>> -> memref<32xi32, #tpu.memory_space<hbm>>
      %dma_wait3A_201 = tpu.memref_slice %arg2[%mul3A_2] : memref<1024xi32, #tpu.memory_space<hbm>> -> memref<32xi32, #tpu.memory_space<hbm>>
      tpu.wait_dma2 semaphore(%run_scoped3A : memref<!tpu.dma_semaphore, #tpu.memory_space<semaphore_mem>>) src(%dma_wait3A_201 : memref<32xi32, #tpu.memory_space<hbm>>) dst(%arg13 : memref<32xi32, #tpu.memory_space<vmem>>)
      tpu.yield
    }) : () -> ()
    "tpu.region"() ({
      %run_scoped3A = tpu.sem_alloc : memref<!tpu.dma_semaphore, #tpu.memory_space<semaphore_mem>>
      %dma_start3A_198 = tpu.memref_slice %arg3[%mul3A_4] : memref<20480xi32, #tpu.memory_space<hbm>> -> memref<640xi32, #tpu.memory_space<hbm>>
      %dma_start3A_199 = tpu.memref_slice %arg3[%mul3A_4] : memref<20480xi32, #tpu.memory_space<hbm>> -> memref<640xi32, #tpu.memory_space<hbm>>
      tpu.enqueue_dma source(%dma_start3A_199 : memref<640xi32, #tpu.memory_space<hbm>>) target(%arg14 : memref<640xi32, #tpu.memory_space<vmem>>) target_semaphore(%run_scoped3A : memref<!tpu.dma_semaphore, #tpu.memory_space<semaphore_mem>>)
      %dma_wait3A_200 = tpu.memref_slice %arg3[%mul3A_4] : memref<20480xi32, #tpu.memory_space<hbm>> -> memref<640xi32, #tpu.memory_space<hbm>>
      %dma_wait3A_201 = tpu.memref_slice %arg3[%mul3A_4] : memref<20480xi32, #tpu.memory_space<hbm>> -> memref<640xi32, #tpu.memory_space<hbm>>
      tpu.wait_dma2 semaphore(%run_scoped3A : memref<!tpu.dma_semaphore, #tpu.memory_space<semaphore_mem>>) src(%dma_wait3A_201 : memref<640xi32, #tpu.memory_space<hbm>>) dst(%arg14 : memref<640xi32, #tpu.memory_space<vmem>>)
      tpu.yield
    }) : () -> ()
    "tpu.region"() ({
      %run_scoped3A = tpu.sem_alloc : memref<!tpu.dma_semaphore, #tpu.memory_space<semaphore_mem>>
      %dma_start3A_198 = tpu.memref_slice %arg4[%mul3A_4] : memref<20480xi32, #tpu.memory_space<hbm>> -> memref<640xi32, #tpu.memory_space<hbm>>
      %dma_start3A_199 = tpu.memref_slice %arg4[%mul3A_4] : memref<20480xi32, #tpu.memory_space<hbm>> -> memref<640xi32, #tpu.memory_space<hbm>>
      tpu.enqueue_dma source(%dma_start3A_199 : memref<640xi32, #tpu.memory_space<hbm>>) target(%arg15 : memref<640xi32, #tpu.memory_space<vmem>>) target_semaphore(%run_scoped3A : memref<!tpu.dma_semaphore, #tpu.memory_space<semaphore_mem>>)
      %dma_wait3A_200 = tpu.memref_slice %arg4[%mul3A_4] : memref<20480xi32, #tpu.memory_space<hbm>> -> memref<640xi32, #tpu.memory_space<hbm>>
      %dma_wait3A_201 = tpu.memref_slice %arg4[%mul3A_4] : memref<20480xi32, #tpu.memory_space<hbm>> -> memref<640xi32, #tpu.memory_space<hbm>>
      tpu.wait_dma2 semaphore(%run_scoped3A : memref<!tpu.dma_semaphore, #tpu.memory_space<semaphore_mem>>) src(%dma_wait3A_201 : memref<640xi32, #tpu.memory_space<hbm>>) dst(%arg15 : memref<640xi32, #tpu.memory_space<vmem>>)
      tpu.yield
    }) : () -> ()
    %get3A = arith.constant 0 : index
    %get3A_5 = tpu.vector_load %arg13[%get3A] {strides = array<i32>} : memref<32xi32, #tpu.memory_space<vmem>>, vector<16xi32>,
    %get3A_6 = vector.shape_cast %get3A_5 : vector<16xi32> to vector<16xi32>
    %shift_right_logical3A = arith.constant 4 : i32
    %shift_right_logical3A_7 = vector.broadcast %shift_right_logical3A : i32 to vector<16xi32>
    %shift_right_logical3A_8 = arith.shrui %get3A_6, %shift_right_logical3A_7 : vector<16xi32>
    %swap3A = arith.constant 0 : index
    %swap3A_9 = tpu.vector_load %arg16[%swap3A] {strides = array<i32>} : memref<32xi32, #tpu.memory_space<vmem>>, vector<16xi32>,
    %swap3A_10 = vector.shape_cast %swap3A_9 : vector<16xi32> to vector<16xi32>
    %swap3A_11 = vector.shape_cast %shift_right_logical3A_8 : vector<16xi32> to vector<16xi32>
    tpu.vector_store %arg16[%swap3A], %swap3A_11 {strides = array<i32>} : memref<32xi32, #tpu.memory_space<vmem>>, vector<16xi32>,
    %get3A_12 = arith.constant 16 : index
    %get3A_13 = tpu.vector_load %arg13[%get3A_12] {strides = array<i32>} : memref<32xi32, #tpu.memory_space<vmem>>, vector<16xi32>,
    %get3A_14 = vector.shape_cast %get3A_13 : vector<16xi32> to vector<16xi32>
    %shift_right_logical3A_15 = arith.constant 4 : i32
    %shift_right_logical3A_16 = vector.broadcast %shift_right_logical3A_15 : i32 to vector<16xi32>
    %shift_right_logical3A_17 = arith.shrui %get3A_14, %shift_right_logical3A_16 : vector<16xi32>
    %swap3A_18 = arith.constant 16 : index
    %swap3A_19 = tpu.vector_load %arg16[%swap3A_18] {strides = array<i32>} : memref<32xi32, #tpu.memory_space<vmem>>, vector<16xi32>,
    %swap3A_20 = vector.shape_cast %swap3A_19 : vector<16xi32> to vector<16xi32>
    %swap3A_21 = vector.shape_cast %shift_right_logical3A_17 : vector<16xi32> to vector<16xi32>
    tpu.vector_store %arg16[%swap3A_18], %swap3A_21 {strides = array<i32>} : memref<32xi32, #tpu.memory_space<vmem>>, vector<16xi32>,
    %dma_start3A = arith.constant 0 : i32
    %dma_start3A_22 = arith.constant 0 : i32
    %dma_start3A_23 = tpu.memref_slice %arg5[%dma_start3A, %dma_start3A_22] : memref<100000x32xf32, #tpu.memory_space<hbm>> -> memref<100000x32xf32, #tpu.memory_space<hbm>>
    tpu.enqueue_indirect_dma source(%dma_start3A_23 : memref<100000x32xf32, #tpu.memory_space<hbm>>) target(%arg17 : memref<32x32xf32, #tpu.memory_space<vmem>>) offsets(%arg13 : memref<32xi32, #tpu.memory_space<vmem>>) semaphore(%arg22 : memref<!tpu.dma_semaphore, #tpu.memory_space<semaphore_mem>>)
    %dma_start3A_24 = arith.constant 0 : i32
    %dma_start3A_25 = arith.constant 0 : i32
    %dma_start3A_26 = tpu.memref_slice %arg6[%dma_start3A_24, %dma_start3A_25] : memref<6250x16xf32, #tpu.memory_space<hbm>> -> memref<6250x16xf32, #tpu.memory_space<hbm>>
    tpu.enqueue_indirect_dma source(%dma_start3A_26 : memref<6250x16xf32, #tpu.memory_space<hbm>>) target(%arg20 : memref<32x16xf32, #tpu.memory_space<vmem>>) offsets(%arg16 : memref<32xi32, #tpu.memory_space<vmem>>) semaphore(%arg22 : memref<!tpu.dma_semaphore, #tpu.memory_space<semaphore_mem>>)
    %dma_start3A_27 = arith.constant 0 : i32
    %dma_start3A_28 = arith.constant 0 : i32
    %dma_start3A_29 = tpu.memref_slice %arg7[%dma_start3A_27, %dma_start3A_28] : memref<6250x16xf32, #tpu.memory_space<hbm>> -> memref<6250x16xf32, #tpu.memory_space<hbm>>
    tpu.enqueue_indirect_dma source(%dma_start3A_29 : memref<6250x16xf32, #tpu.memory_space<hbm>>) target(%arg21 : memref<32x16xf32, #tpu.memory_space<vmem>>) offsets(%arg16 : memref<32xi32, #tpu.memory_space<vmem>>) semaphore(%arg22 : memref<!tpu.dma_semaphore, #tpu.memory_space<semaphore_mem>>)
    %dma_start3A_30 = arith.constant 0 : i32
    %dma_start3A_31 = arith.constant 0 : i32
    %dma_start3A_32 = tpu.memref_slice %arg18[%dma_start3A_30, %dma_start3A_31] : memref<640x32xf32, #tpu.memory_space<vmem>> -> memref<128x32xf32, #tpu.memory_space<vmem>>
    %dma_start3A_33 = arith.constant 0 : i32
    %dma_start3A_34 = tpu.memref_slice %arg14[%dma_start3A_33] : memref<640xi32, #tpu.memory_space<vmem>> -> memref<128xi32, #tpu.memory_space<vmem>>
    %dma_start3A_35 = arith.constant 0 : i32
    %dma_start3A_36 = arith.constant 0 : i32
    %dma_start3A_37 = tpu.memref_slice %arg5[%dma_start3A_35, %dma_start3A_36] : memref<100000x32xf32, #tpu.memory_space<hbm>> -> memref<100000x32xf32, #tpu.memory_space<hbm>>
    tpu.enqueue_indirect_dma source(%dma_start3A_37 : memref<100000x32xf32, #tpu.memory_space<hbm>>) target(%dma_start3A_32 : memref<128x32xf32, #tpu.memory_space<vmem>>) offsets(%dma_start3A_34 : memref<128xi32, #tpu.memory_space<vmem>>) semaphore(%arg22 : memref<!tpu.dma_semaphore, #tpu.memory_space<semaphore_mem>>)
    %dma_start3A_38 = arith.constant 0 : i32
    %dma_start3A_39 = arith.constant 0 : i32
    %dma_start3A_40 = tpu.memref_slice %arg19[%dma_start3A_38, %dma_start3A_39] : memref<640x32xf32, #tpu.memory_space<vmem>> -> memref<128x32xf32, #tpu.memory_space<vmem>>
    %dma_start3A_41 = arith.constant 0 : i32
    %dma_start3A_42 = tpu.memref_slice %arg15[%dma_start3A_41] : memref<640xi32, #tpu.memory_space<vmem>> -> memref<128xi32, #tpu.memory_space<vmem>>
    %dma_start3A_43 = arith.constant 0 : i32
    %dma_start3A_44 = arith.constant 0 : i32
    %dma_start3A_45 = tpu.memref_slice %arg5[%dma_start3A_43, %dma_start3A_44] : memref<100000x32xf32, #tpu.memory_space<hbm>> -> memref<100000x32xf32, #tpu.memory_space<hbm>>
    tpu.enqueue_indirect_dma source(%dma_start3A_45 : memref<100000x32xf32, #tpu.memory_space<hbm>>) target(%dma_start3A_40 : memref<128x32xf32, #tpu.memory_space<vmem>>) offsets(%dma_start3A_42 : memref<128xi32, #tpu.memory_space<vmem>>) semaphore(%arg22 : memref<!tpu.dma_semaphore, #tpu.memory_space<semaphore_mem>>)
    %dma_start3A_46 = arith.constant 128 : i32
    %dma_start3A_47 = arith.constant 0 : i32
    %dma_start3A_48 = tpu.memref_slice %arg18[%dma_start3A_46, %dma_start3A_47] : memref<640x32xf32, #tpu.memory_space<vmem>> -> memref<128x32xf32, #tpu.memory_space<vmem>>
    %dma_start3A_49 = arith.constant 128 : i32
    %dma_start3A_50 = tpu.memref_slice %arg14[%dma_start3A_49] : memref<640xi32, #tpu.memory_space<vmem>> -> memref<128xi32, #tpu.memory_space<vmem>>
    %dma_start3A_51 = arith.constant 0 : i32
    %dma_start3A_52 = arith.constant 0 : i32
    %dma_start3A_53 = tpu.memref_slice %arg5[%dma_start3A_51, %dma_start3A_52] : memref<100000x32xf32, #tpu.memory_space<hbm>> -> memref<100000x32xf32, #tpu.memory_space<hbm>>
    tpu.enqueue_indirect_dma source(%dma_start3A_53 : memref<100000x32xf32, #tpu.memory_space<hbm>>) target(%dma_start3A_48 : memref<128x32xf32, #tpu.memory_space<vmem>>) offsets(%dma_start3A_50 : memref<128xi32, #tpu.memory_space<vmem>>) semaphore(%arg22 : memref<!tpu.dma_semaphore, #tpu.memory_space<semaphore_mem>>)
    %dma_start3A_54 = arith.constant 128 : i32
    %dma_start3A_55 = arith.constant 0 : i32
    %dma_start3A_56 = tpu.memref_slice %arg19[%dma_start3A_54, %dma_start3A_55] : memref<640x32xf32, #tpu.memory_space<vmem>> -> memref<128x32xf32, #tpu.memory_space<vmem>>
    %dma_start3A_57 = arith.constant 128 : i32
    %dma_start3A_58 = tpu.memref_slice %arg15[%dma_start3A_57] : memref<640xi32, #tpu.memory_space<vmem>> -> memref<128xi32, #tpu.memory_space<vmem>>
    %dma_start3A_59 = arith.constant 0 : i32
    %dma_start3A_60 = arith.constant 0 : i32
    %dma_start3A_61 = tpu.memref_slice %arg5[%dma_start3A_59, %dma_start3A_60] : memref<100000x32xf32, #tpu.memory_space<hbm>> -> memref<100000x32xf32, #tpu.memory_space<hbm>>
    tpu.enqueue_indirect_dma source(%dma_start3A_61 : memref<100000x32xf32, #tpu.memory_space<hbm>>) target(%dma_start3A_56 : memref<128x32xf32, #tpu.memory_space<vmem>>) offsets(%dma_start3A_58 : memref<128xi32, #tpu.memory_space<vmem>>) semaphore(%arg22 : memref<!tpu.dma_semaphore, #tpu.memory_space<semaphore_mem>>)
    %dma_start3A_62 = arith.constant 256 : i32
    %dma_start3A_63 = arith.constant 0 : i32
    %dma_start3A_64 = tpu.memref_slice %arg18[%dma_start3A_62, %dma_start3A_63] : memref<640x32xf32, #tpu.memory_space<vmem>> -> memref<128x32xf32, #tpu.memory_space<vmem>>
    %dma_start3A_65 = arith.constant 256 : i32
    %dma_start3A_66 = tpu.memref_slice %arg14[%dma_start3A_65] : memref<640xi32, #tpu.memory_space<vmem>> -> memref<128xi32, #tpu.memory_space<vmem>>
    %dma_start3A_67 = arith.constant 0 : i32
    %dma_start3A_68 = arith.constant 0 : i32
    %dma_start3A_69 = tpu.memref_slice %arg5[%dma_start3A_67, %dma_start3A_68] : memref<100000x32xf32, #tpu.memory_space<hbm>> -> memref<100000x32xf32, #tpu.memory_space<hbm>>
    tpu.enqueue_indirect_dma source(%dma_start3A_69 : memref<100000x32xf32, #tpu.memory_space<hbm>>) target(%dma_start3A_64 : memref<128x32xf32, #tpu.memory_space<vmem>>) offsets(%dma_start3A_66 : memref<128xi32, #tpu.memory_space<vmem>>) semaphore(%arg22 : memref<!tpu.dma_semaphore, #tpu.memory_space<semaphore_mem>>)
    %dma_start3A_70 = arith.constant 256 : i32
    %dma_start3A_71 = arith.constant 0 : i32
    %dma_start3A_72 = tpu.memref_slice %arg19[%dma_start3A_70, %dma_start3A_71] : memref<640x32xf32, #tpu.memory_space<vmem>> -> memref<128x32xf32, #tpu.memory_space<vmem>>
    %dma_start3A_73 = arith.constant 256 : i32
    %dma_start3A_74 = tpu.memref_slice %arg15[%dma_start3A_73] : memref<640xi32, #tpu.memory_space<vmem>> -> memref<128xi32, #tpu.memory_space<vmem>>
    %dma_start3A_75 = arith.constant 0 : i32
    %dma_start3A_76 = arith.constant 0 : i32
    %dma_start3A_77 = tpu.memref_slice %arg5[%dma_start3A_75, %dma_start3A_76] : memref<100000x32xf32, #tpu.memory_space<hbm>> -> memref<100000x32xf32, #tpu.memory_space<hbm>>
    tpu.enqueue_indirect_dma source(%dma_start3A_77 : memref<100000x32xf32, #tpu.memory_space<hbm>>) target(%dma_start3A_72 : memref<128x32xf32, #tpu.memory_space<vmem>>) offsets(%dma_start3A_74 : memref<128xi32, #tpu.memory_space<vmem>>) semaphore(%arg22 : memref<!tpu.dma_semaphore, #tpu.memory_space<semaphore_mem>>)
    %dma_start3A_78 = arith.constant 384 : i32
    %dma_start3A_79 = arith.constant 0 : i32
    %dma_start3A_80 = tpu.memref_slice %arg18[%dma_start3A_78, %dma_start3A_79] : memref<640x32xf32, #tpu.memory_space<vmem>> -> memref<128x32xf32, #tpu.memory_space<vmem>>
    %dma_start3A_81 = arith.constant 384 : i32
    %dma_start3A_82 = tpu.memref_slice %arg14[%dma_start3A_81] : memref<640xi32, #tpu.memory_space<vmem>> -> memref<128xi32, #tpu.memory_space<vmem>>
    %dma_start3A_83 = arith.constant 0 : i32
    %dma_start3A_84 = arith.constant 0 : i32
    %dma_start3A_85 = tpu.memref_slice %arg5[%dma_start3A_83, %dma_start3A_84] : memref<100000x32xf32, #tpu.memory_space<hbm>> -> memref<100000x32xf32, #tpu.memory_space<hbm>>
    tpu.enqueue_indirect_dma source(%dma_start3A_85 : memref<100000x32xf32, #tpu.memory_space<hbm>>) target(%dma_start3A_80 : memref<128x32xf32, #tpu.memory_space<vmem>>) offsets(%dma_start3A_82 : memref<128xi32, #tpu.memory_space<vmem>>) semaphore(%arg22 : memref<!tpu.dma_semaphore, #tpu.memory_space<semaphore_mem>>)
    %dma_start3A_86 = arith.constant 384 : i32
    %dma_start3A_87 = arith.constant 0 : i32
    %dma_start3A_88 = tpu.memref_slice %arg19[%dma_start3A_86, %dma_start3A_87] : memref<640x32xf32, #tpu.memory_space<vmem>> -> memref<128x32xf32, #tpu.memory_space<vmem>>
    %dma_start3A_89 = arith.constant 384 : i32
    %dma_start3A_90 = tpu.memref_slice %arg15[%dma_start3A_89] : memref<640xi32, #tpu.memory_space<vmem>> -> memref<128xi32, #tpu.memory_space<vmem>>
    %dma_start3A_91 = arith.constant 0 : i32
    %dma_start3A_92 = arith.constant 0 : i32
    %dma_start3A_93 = tpu.memref_slice %arg5[%dma_start3A_91, %dma_start3A_92] : memref<100000x32xf32, #tpu.memory_space<hbm>> -> memref<100000x32xf32, #tpu.memory_space<hbm>>
    tpu.enqueue_indirect_dma source(%dma_start3A_93 : memref<100000x32xf32, #tpu.memory_space<hbm>>) target(%dma_start3A_88 : memref<128x32xf32, #tpu.memory_space<vmem>>) offsets(%dma_start3A_90 : memref<128xi32, #tpu.memory_space<vmem>>) semaphore(%arg22 : memref<!tpu.dma_semaphore, #tpu.memory_space<semaphore_mem>>)
    %dma_start3A_94 = arith.constant 512 : i32
    %dma_start3A_95 = arith.constant 0 : i32
    %dma_start3A_96 = tpu.memref_slice %arg18[%dma_start3A_94, %dma_start3A_95] : memref<640x32xf32, #tpu.memory_space<vmem>> -> memref<128x32xf32, #tpu.memory_space<vmem>>
    %dma_start3A_97 = arith.constant 512 : i32
    %dma_start3A_98 = tpu.memref_slice %arg14[%dma_start3A_97] : memref<640xi32, #tpu.memory_space<vmem>> -> memref<128xi32, #tpu.memory_space<vmem>>
    %dma_start3A_99 = arith.constant 0 : i32
    %dma_start3A_100 = arith.constant 0 : i32
    %dma_start3A_101 = tpu.memref_slice %arg5[%dma_start3A_99, %dma_start3A_100] : memref<100000x32xf32, #tpu.memory_space<hbm>> -> memref<100000x32xf32, #tpu.memory_space<hbm>>
    tpu.enqueue_indirect_dma source(%dma_start3A_101 : memref<100000x32xf32, #tpu.memory_space<hbm>>) target(%dma_start3A_96 : memref<128x32xf32, #tpu.memory_space<vmem>>) offsets(%dma_start3A_98 : memref<128xi32, #tpu.memory_space<vmem>>) semaphore(%arg22 : memref<!tpu.dma_semaphore, #tpu.memory_space<semaphore_mem>>)
    %dma_start3A_102 = arith.constant 512 : i32
    %dma_start3A_103 = arith.constant 0 : i32
    %dma_start3A_104 = tpu.memref_slice %arg19[%dma_start3A_102, %dma_start3A_103] : memref<640x32xf32, #tpu.memory_space<vmem>> -> memref<128x32xf32, #tpu.memory_space<vmem>>
    %dma_start3A_105 = arith.constant 512 : i32
    %dma_start3A_106 = tpu.memref_slice %arg15[%dma_start3A_105] : memref<640xi32, #tpu.memory_space<vmem>> -> memref<128xi32, #tpu.memory_space<vmem>>
    %dma_start3A_107 = arith.constant 0 : i32
    %dma_start3A_108 = arith.constant 0 : i32
    %dma_start3A_109 = tpu.memref_slice %arg5[%dma_start3A_107, %dma_start3A_108] : memref<100000x32xf32, #tpu.memory_space<hbm>> -> memref<100000x32xf32, #tpu.memory_space<hbm>>
    tpu.enqueue_indirect_dma source(%dma_start3A_109 : memref<100000x32xf32, #tpu.memory_space<hbm>>) target(%dma_start3A_104 : memref<128x32xf32, #tpu.memory_space<vmem>>) offsets(%dma_start3A_106 : memref<128xi32, #tpu.memory_space<vmem>>) semaphore(%arg22 : memref<!tpu.dma_semaphore, #tpu.memory_space<semaphore_mem>>)
    %dma_wait3A = arith.constant 0 : i32
    %dma_wait3A_110 = arith.constant 0 : i32
    %dma_wait3A_111 = tpu.memref_slice %arg5[%dma_wait3A, %dma_wait3A_110] : memref<100000x32xf32, #tpu.memory_space<hbm>> -> memref<100000x32xf32, #tpu.memory_space<hbm>>
    tpu.wait_indirect_dma semaphore(%arg22 : memref<!tpu.dma_semaphore, #tpu.memory_space<semaphore_mem>>) src(%dma_wait3A_111 : memref<100000x32xf32, #tpu.memory_space<hbm>>) dst(%arg17 : memref<32x32xf32, #tpu.memory_space<vmem>>)
    %dma_wait3A_112 = arith.constant 0 : i32
    %dma_wait3A_113 = arith.constant 0 : i32
    %dma_wait3A_114 = tpu.memref_slice %arg6[%dma_wait3A_112, %dma_wait3A_113] : memref<6250x16xf32, #tpu.memory_space<hbm>> -> memref<6250x16xf32, #tpu.memory_space<hbm>>
    tpu.wait_indirect_dma semaphore(%arg22 : memref<!tpu.dma_semaphore, #tpu.memory_space<semaphore_mem>>) src(%dma_wait3A_114 : memref<6250x16xf32, #tpu.memory_space<hbm>>) dst(%arg20 : memref<32x16xf32, #tpu.memory_space<vmem>>)
    %dma_wait3A_115 = arith.constant 0 : i32
    %dma_wait3A_116 = arith.constant 0 : i32
    %dma_wait3A_117 = tpu.memref_slice %arg7[%dma_wait3A_115, %dma_wait3A_116] : memref<6250x16xf32, #tpu.memory_space<hbm>> -> memref<6250x16xf32, #tpu.memory_space<hbm>>
    tpu.wait_indirect_dma semaphore(%arg22 : memref<!tpu.dma_semaphore, #tpu.memory_space<semaphore_mem>>) src(%dma_wait3A_117 : memref<6250x16xf32, #tpu.memory_space<hbm>>) dst(%arg21 : memref<32x16xf32, #tpu.memory_space<vmem>>)
    %dma_wait3A_118 = arith.constant 0 : i32
    %dma_wait3A_119 = arith.constant 0 : i32
    %dma_wait3A_120 = tpu.memref_slice %arg18[%dma_wait3A_118, %dma_wait3A_119] : memref<640x32xf32, #tpu.memory_space<vmem>> -> memref<128x32xf32, #tpu.memory_space<vmem>>
    %dma_wait3A_121 = arith.constant 0 : i32
    %dma_wait3A_122 = tpu.memref_slice %arg14[%dma_wait3A_121] : memref<640xi32, #tpu.memory_space<vmem>> -> memref<128xi32, #tpu.memory_space<vmem>>
    %dma_wait3A_123 = arith.constant 0 : i32
    %dma_wait3A_124 = arith.constant 0 : i32
    %dma_wait3A_125 = tpu.memref_slice %arg5[%dma_wait3A_123, %dma_wait3A_124] : memref<100000x32xf32, #tpu.memory_space<hbm>> -> memref<100000x32xf32, #tpu.memory_space<hbm>>
    tpu.wait_indirect_dma semaphore(%arg22 : memref<!tpu.dma_semaphore, #tpu.memory_space<semaphore_mem>>) src(%dma_wait3A_125 : memref<100000x32xf32, #tpu.memory_space<hbm>>) dst(%dma_wait3A_120 : memref<128x32xf32, #tpu.memory_space<vmem>>)
    %dma_wait3A_126 = arith.constant 0 : i32
    %dma_wait3A_127 = arith.constant 0 : i32
    %dma_wait3A_128 = tpu.memref_slice %arg19[%dma_wait3A_126, %dma_wait3A_127] : memref<640x32xf32, #tpu.memory_space<vmem>> -> memref<128x32xf32, #tpu.memory_space<vmem>>
    %dma_wait3A_129 = arith.constant 0 : i32
    %dma_wait3A_130 = tpu.memref_slice %arg15[%dma_wait3A_129] : memref<640xi32, #tpu.memory_space<vmem>> -> memref<128xi32, #tpu.memory_space<vmem>>
    %dma_wait3A_131 = arith.constant 0 : i32
    %dma_wait3A_132 = arith.constant 0 : i32
    %dma_wait3A_133 = tpu.memref_slice %arg5[%dma_wait3A_131, %dma_wait3A_132] : memref<100000x32xf32, #tpu.memory_space<hbm>> -> memref<100000x32xf32, #tpu.memory_space<hbm>>
    tpu.wait_indirect_dma semaphore(%arg22 : memref<!tpu.dma_semaphore, #tpu.memory_space<semaphore_mem>>) src(%dma_wait3A_133 : memref<100000x32xf32, #tpu.memory_space<hbm>>) dst(%dma_wait3A_128 : memref<128x32xf32, #tpu.memory_space<vmem>>)
    %dma_wait3A_134 = arith.constant 128 : i32
    %dma_wait3A_135 = arith.constant 0 : i32
    %dma_wait3A_136 = tpu.memref_slice %arg18[%dma_wait3A_134, %dma_wait3A_135] : memref<640x32xf32, #tpu.memory_space<vmem>> -> memref<128x32xf32, #tpu.memory_space<vmem>>
    %dma_wait3A_137 = arith.constant 128 : i32
    %dma_wait3A_138 = tpu.memref_slice %arg14[%dma_wait3A_137] : memref<640xi32, #tpu.memory_space<vmem>> -> memref<128xi32, #tpu.memory_space<vmem>>
    %dma_wait3A_139 = arith.constant 0 : i32
    %dma_wait3A_140 = arith.constant 0 : i32
    %dma_wait3A_141 = tpu.memref_slice %arg5[%dma_wait3A_139, %dma_wait3A_140] : memref<100000x32xf32, #tpu.memory_space<hbm>> -> memref<100000x32xf32, #tpu.memory_space<hbm>>
    tpu.wait_indirect_dma semaphore(%arg22 : memref<!tpu.dma_semaphore, #tpu.memory_space<semaphore_mem>>) src(%dma_wait3A_141 : memref<100000x32xf32, #tpu.memory_space<hbm>>) dst(%dma_wait3A_136 : memref<128x32xf32, #tpu.memory_space<vmem>>)
    %dma_wait3A_142 = arith.constant 128 : i32
    %dma_wait3A_143 = arith.constant 0 : i32
    %dma_wait3A_144 = tpu.memref_slice %arg19[%dma_wait3A_142, %dma_wait3A_143] : memref<640x32xf32, #tpu.memory_space<vmem>> -> memref<128x32xf32, #tpu.memory_space<vmem>>
    %dma_wait3A_145 = arith.constant 128 : i32
    %dma_wait3A_146 = tpu.memref_slice %arg15[%dma_wait3A_145] : memref<640xi32, #tpu.memory_space<vmem>> -> memref<128xi32, #tpu.memory_space<vmem>>
    %dma_wait3A_147 = arith.constant 0 : i32
    %dma_wait3A_148 = arith.constant 0 : i32
    %dma_wait3A_149 = tpu.memref_slice %arg5[%dma_wait3A_147, %dma_wait3A_148] : memref<100000x32xf32, #tpu.memory_space<hbm>> -> memref<100000x32xf32, #tpu.memory_space<hbm>>
    tpu.wait_indirect_dma semaphore(%arg22 : memref<!tpu.dma_semaphore, #tpu.memory_space<semaphore_mem>>) src(%dma_wait3A_149 : memref<100000x32xf32, #tpu.memory_space<hbm>>) dst(%dma_wait3A_144 : memref<128x32xf32, #tpu.memory_space<vmem>>)
    %dma_wait3A_150 = arith.constant 256 : i32
    %dma_wait3A_151 = arith.constant 0 : i32
    %dma_wait3A_152 = tpu.memref_slice %arg18[%dma_wait3A_150, %dma_wait3A_151] : memref<640x32xf32, #tpu.memory_space<vmem>> -> memref<128x32xf32, #tpu.memory_space<vmem>>
    %dma_wait3A_153 = arith.constant 256 : i32
    %dma_wait3A_154 = tpu.memref_slice %arg14[%dma_wait3A_153] : memref<640xi32, #tpu.memory_space<vmem>> -> memref<128xi32, #tpu.memory_space<vmem>>
    %dma_wait3A_155 = arith.constant 0 : i32
    %dma_wait3A_156 = arith.constant 0 : i32
    %dma_wait3A_157 = tpu.memref_slice %arg5[%dma_wait3A_155, %dma_wait3A_156] : memref<100000x32xf32, #tpu.memory_space<hbm>> -> memref<100000x32xf32, #tpu.memory_space<hbm>>
    tpu.wait_indirect_dma semaphore(%arg22 : memref<!tpu.dma_semaphore, #tpu.memory_space<semaphore_mem>>) src(%dma_wait3A_157 : memref<100000x32xf32, #tpu.memory_space<hbm>>) dst(%dma_wait3A_152 : memref<128x32xf32, #tpu.memory_space<vmem>>)
    %dma_wait3A_158 = arith.constant 256 : i32
    %dma_wait3A_159 = arith.constant 0 : i32
    %dma_wait3A_160 = tpu.memref_slice %arg19[%dma_wait3A_158, %dma_wait3A_159] : memref<640x32xf32, #tpu.memory_space<vmem>> -> memref<128x32xf32, #tpu.memory_space<vmem>>
    %dma_wait3A_161 = arith.constant 256 : i32
    %dma_wait3A_162 = tpu.memref_slice %arg15[%dma_wait3A_161] : memref<640xi32, #tpu.memory_space<vmem>> -> memref<128xi32, #tpu.memory_space<vmem>>
    %dma_wait3A_163 = arith.constant 0 : i32
    %dma_wait3A_164 = arith.constant 0 : i32
    %dma_wait3A_165 = tpu.memref_slice %arg5[%dma_wait3A_163, %dma_wait3A_164] : memref<100000x32xf32, #tpu.memory_space<hbm>> -> memref<100000x32xf32, #tpu.memory_space<hbm>>
    tpu.wait_indirect_dma semaphore(%arg22 : memref<!tpu.dma_semaphore, #tpu.memory_space<semaphore_mem>>) src(%dma_wait3A_165 : memref<100000x32xf32, #tpu.memory_space<hbm>>) dst(%dma_wait3A_160 : memref<128x32xf32, #tpu.memory_space<vmem>>)
    %dma_wait3A_166 = arith.constant 384 : i32
    %dma_wait3A_167 = arith.constant 0 : i32
    %dma_wait3A_168 = tpu.memref_slice %arg18[%dma_wait3A_166, %dma_wait3A_167] : memref<640x32xf32, #tpu.memory_space<vmem>> -> memref<128x32xf32, #tpu.memory_space<vmem>>
    %dma_wait3A_169 = arith.constant 384 : i32
    %dma_wait3A_170 = tpu.memref_slice %arg14[%dma_wait3A_169] : memref<640xi32, #tpu.memory_space<vmem>> -> memref<128xi32, #tpu.memory_space<vmem>>
    %dma_wait3A_171 = arith.constant 0 : i32
    %dma_wait3A_172 = arith.constant 0 : i32
    %dma_wait3A_173 = tpu.memref_slice %arg5[%dma_wait3A_171, %dma_wait3A_172] : memref<100000x32xf32, #tpu.memory_space<hbm>> -> memref<100000x32xf32, #tpu.memory_space<hbm>>
    tpu.wait_indirect_dma semaphore(%arg22 : memref<!tpu.dma_semaphore, #tpu.memory_space<semaphore_mem>>) src(%dma_wait3A_173 : memref<100000x32xf32, #tpu.memory_space<hbm>>) dst(%dma_wait3A_168 : memref<128x32xf32, #tpu.memory_space<vmem>>)
    %dma_wait3A_174 = arith.constant 384 : i32
    %dma_wait3A_175 = arith.constant 0 : i32
    %dma_wait3A_176 = tpu.memref_slice %arg19[%dma_wait3A_174, %dma_wait3A_175] : memref<640x32xf32, #tpu.memory_space<vmem>> -> memref<128x32xf32, #tpu.memory_space<vmem>>
    %dma_wait3A_177 = arith.constant 384 : i32
    %dma_wait3A_178 = tpu.memref_slice %arg15[%dma_wait3A_177] : memref<640xi32, #tpu.memory_space<vmem>> -> memref<128xi32, #tpu.memory_space<vmem>>
    %dma_wait3A_179 = arith.constant 0 : i32
    %dma_wait3A_180 = arith.constant 0 : i32
    %dma_wait3A_181 = tpu.memref_slice %arg5[%dma_wait3A_179, %dma_wait3A_180] : memref<100000x32xf32, #tpu.memory_space<hbm>> -> memref<100000x32xf32, #tpu.memory_space<hbm>>
    tpu.wait_indirect_dma semaphore(%arg22 : memref<!tpu.dma_semaphore, #tpu.memory_space<semaphore_mem>>) src(%dma_wait3A_181 : memref<100000x32xf32, #tpu.memory_space<hbm>>) dst(%dma_wait3A_176 : memref<128x32xf32, #tpu.memory_space<vmem>>)
    %dma_wait3A_182 = arith.constant 512 : i32
    %dma_wait3A_183 = arith.constant 0 : i32
    %dma_wait3A_184 = tpu.memref_slice %arg18[%dma_wait3A_182, %dma_wait3A_183] : memref<640x32xf32, #tpu.memory_space<vmem>> -> memref<128x32xf32, #tpu.memory_space<vmem>>
    %dma_wait3A_185 = arith.constant 512 : i32
    %dma_wait3A_186 = tpu.memref_slice %arg14[%dma_wait3A_185] : memref<640xi32, #tpu.memory_space<vmem>> -> memref<128xi32, #tpu.memory_space<vmem>>
    %dma_wait3A_187 = arith.constant 0 : i32
    %dma_wait3A_188 = arith.constant 0 : i32
    %dma_wait3A_189 = tpu.memref_slice %arg5[%dma_wait3A_187, %dma_wait3A_188] : memref<100000x32xf32, #tpu.memory_space<hbm>> -> memref<100000x32xf32, #tpu.memory_space<hbm>>
    tpu.wait_indirect_dma semaphore(%arg22 : memref<!tpu.dma_semaphore, #tpu.memory_space<semaphore_mem>>) src(%dma_wait3A_189 : memref<100000x32xf32, #tpu.memory_space<hbm>>) dst(%dma_wait3A_184 : memref<128x32xf32, #tpu.memory_space<vmem>>)
    %dma_wait3A_190 = arith.constant 512 : i32
    %dma_wait3A_191 = arith.constant 0 : i32
    %dma_wait3A_192 = tpu.memref_slice %arg19[%dma_wait3A_190, %dma_wait3A_191] : memref<640x32xf32, #tpu.memory_space<vmem>> -> memref<128x32xf32, #tpu.memory_space<vmem>>
    %dma_wait3A_193 = arith.constant 512 : i32
    %dma_wait3A_194 = tpu.memref_slice %arg15[%dma_wait3A_193] : memref<640xi32, #tpu.memory_space<vmem>> -> memref<128xi32, #tpu.memory_space<vmem>>
    %dma_wait3A_195 = arith.constant 0 : i32
    %dma_wait3A_196 = arith.constant 0 : i32
    %dma_wait3A_197 = tpu.memref_slice %arg5[%dma_wait3A_195, %dma_wait3A_196] : memref<100000x32xf32, #tpu.memory_space<hbm>> -> memref<100000x32xf32, #tpu.memory_space<hbm>>
    tpu.wait_indirect_dma semaphore(%arg22 : memref<!tpu.dma_semaphore, #tpu.memory_space<semaphore_mem>>) src(%dma_wait3A_197 : memref<100000x32xf32, #tpu.memory_space<hbm>>) dst(%dma_wait3A_192 : memref<128x32xf32, #tpu.memory_space<vmem>>)
    "tpu.region"() ({
      %run_scoped3A = tpu.sem_alloc : memref<!tpu.dma_semaphore, #tpu.memory_space<semaphore_mem>>
      %dma_start3A_198 = arith.constant 0 : i32
      %dma_start3A_199 = tpu.memref_slice %arg8[%mul3A_2, %dma_start3A_198] : memref<1024x32xf32, #tpu.memory_space<hbm>> -> memref<32x32xf32, #tpu.memory_space<hbm>>
      %dma_start3A_200 = arith.constant 0 : i32
      %dma_start3A_201 = tpu.memref_slice %arg8[%mul3A_2, %dma_start3A_200] : memref<1024x32xf32, #tpu.memory_space<hbm>> -> memref<32x32xf32, #tpu.memory_space<hbm>>
      tpu.enqueue_dma source(%arg17 : memref<32x32xf32, #tpu.memory_space<vmem>>) target(%dma_start3A_201 : memref<32x32xf32, #tpu.memory_space<hbm>>) target_semaphore(%run_scoped3A : memref<!tpu.dma_semaphore, #tpu.memory_space<semaphore_mem>>)
      %dma_wait3A_202 = arith.constant 0 : i32
      %dma_wait3A_203 = tpu.memref_slice %arg8[%mul3A_2, %dma_wait3A_202] : memref<1024x32xf32, #tpu.memory_space<hbm>> -> memref<32x32xf32, #tpu.memory_space<hbm>>
      %dma_wait3A_204 = arith.constant 0 : i32
      %dma_wait3A_205 = tpu.memref_slice %arg8[%mul3A_2, %dma_wait3A_204] : memref<1024x32xf32, #tpu.memory_space<hbm>> -> memref<32x32xf32, #tpu.memory_space<hbm>>
      tpu.wait_dma2 semaphore(%run_scoped3A : memref<!tpu.dma_semaphore, #tpu.memory_space<semaphore_mem>>) src(%arg17 : memref<32x32xf32, #tpu.memory_space<vmem>>) dst(%dma_wait3A_205 : memref<32x32xf32, #tpu.memory_space<hbm>>)
      tpu.yield
    }) : () -> ()
    "tpu.region"() ({
      %run_scoped3A = tpu.sem_alloc : memref<!tpu.dma_semaphore, #tpu.memory_space<semaphore_mem>>
      %dma_start3A_198 = arith.constant 0 : i32
      %dma_start3A_199 = tpu.memref_slice %arg9[%mul3A_4, %dma_start3A_198] : memref<20480x32xf32, #tpu.memory_space<hbm>> -> memref<640x32xf32, #tpu.memory_space<hbm>>
      %dma_start3A_200 = arith.constant 0 : i32
      %dma_start3A_201 = tpu.memref_slice %arg9[%mul3A_4, %dma_start3A_200] : memref<20480x32xf32, #tpu.memory_space<hbm>> -> memref<640x32xf32, #tpu.memory_space<hbm>>
      tpu.enqueue_dma source(%arg18 : memref<640x32xf32, #tpu.memory_space<vmem>>) target(%dma_start3A_201 : memref<640x32xf32, #tpu.memory_space<hbm>>) target_semaphore(%run_scoped3A : memref<!tpu.dma_semaphore, #tpu.memory_space<semaphore_mem>>)
      %dma_wait3A_202 = arith.constant 0 : i32
      %dma_wait3A_203 = tpu.memref_slice %arg9[%mul3A_4, %dma_wait3A_202] : memref<20480x32xf32, #tpu.memory_space<hbm>> -> memref<640x32xf32, #tpu.memory_space<hbm>>
      %dma_wait3A_204 = arith.constant 0 : i32
      %dma_wait3A_205 = tpu.memref_slice %arg9[%mul3A_4, %dma_wait3A_204] : memref<20480x32xf32, #tpu.memory_space<hbm>> -> memref<640x32xf32, #tpu.memory_space<hbm>>
      tpu.wait_dma2 semaphore(%run_scoped3A : memref<!tpu.dma_semaphore, #tpu.memory_space<semaphore_mem>>) src(%arg18 : memref<640x32xf32, #tpu.memory_space<vmem>>) dst(%dma_wait3A_205 : memref<640x32xf32, #tpu.memory_space<hbm>>)
      tpu.yield
    }) : () -> ()
    "tpu.region"() ({
      %run_scoped3A = tpu.sem_alloc : memref<!tpu.dma_semaphore, #tpu.memory_space<semaphore_mem>>
      %dma_start3A_198 = arith.constant 0 : i32
      %dma_start3A_199 = tpu.memref_slice %arg10[%mul3A_4, %dma_start3A_198] : memref<20480x32xf32, #tpu.memory_space<hbm>> -> memref<640x32xf32, #tpu.memory_space<hbm>>
      %dma_start3A_200 = arith.constant 0 : i32
      %dma_start3A_201 = tpu.memref_slice %arg10[%mul3A_4, %dma_start3A_200] : memref<20480x32xf32, #tpu.memory_space<hbm>> -> memref<640x32xf32, #tpu.memory_space<hbm>>
      tpu.enqueue_dma source(%arg19 : memref<640x32xf32, #tpu.memory_space<vmem>>) target(%dma_start3A_201 : memref<640x32xf32, #tpu.memory_space<hbm>>) target_semaphore(%run_scoped3A : memref<!tpu.dma_semaphore, #tpu.memory_space<semaphore_mem>>)
      %dma_wait3A_202 = arith.constant 0 : i32
      %dma_wait3A_203 = tpu.memref_slice %arg10[%mul3A_4, %dma_wait3A_202] : memref<20480x32xf32, #tpu.memory_space<hbm>> -> memref<640x32xf32, #tpu.memory_space<hbm>>
      %dma_wait3A_204 = arith.constant 0 : i32
      %dma_wait3A_205 = tpu.memref_slice %arg10[%mul3A_4, %dma_wait3A_204] : memref<20480x32xf32, #tpu.memory_space<hbm>> -> memref<640x32xf32, #tpu.memory_space<hbm>>
      tpu.wait_dma2 semaphore(%run_scoped3A : memref<!tpu.dma_semaphore, #tpu.memory_space<semaphore_mem>>) src(%arg19 : memref<640x32xf32, #tpu.memory_space<vmem>>) dst(%dma_wait3A_205 : memref<640x32xf32, #tpu.memory_space<hbm>>)
      tpu.yield
    }) : () -> ()
    "tpu.region"() ({
      %run_scoped3A = tpu.sem_alloc : memref<!tpu.dma_semaphore, #tpu.memory_space<semaphore_mem>>
      %dma_start3A_198 = arith.constant 0 : i32
      %dma_start3A_199 = tpu.memref_slice %arg11[%mul3A_2, %dma_start3A_198] : memref<1024x16xf32, #tpu.memory_space<hbm>> -> memref<32x16xf32, #tpu.memory_space<hbm>>
      %dma_start3A_200 = arith.constant 0 : i32
      %dma_start3A_201 = tpu.memref_slice %arg11[%mul3A_2, %dma_start3A_200] : memref<1024x16xf32, #tpu.memory_space<hbm>> -> memref<32x16xf32, #tpu.memory_space<hbm>>
      tpu.enqueue_dma source(%arg20 : memref<32x16xf32, #tpu.memory_space<vmem>>) target(%dma_start3A_201 : memref<32x16xf32, #tpu.memory_space<hbm>>) target_semaphore(%run_scoped3A : memref<!tpu.dma_semaphore, #tpu.memory_space<semaphore_mem>>)
      %dma_wait3A_202 = arith.constant 0 : i32
      %dma_wait3A_203 = tpu.memref_slice %arg11[%mul3A_2, %dma_wait3A_202] : memref<1024x16xf32, #tpu.memory_space<hbm>> -> memref<32x16xf32, #tpu.memory_space<hbm>>
      %dma_wait3A_204 = arith.constant 0 : i32
      %dma_wait3A_205 = tpu.memref_slice %arg11[%mul3A_2, %dma_wait3A_204] : memref<1024x16xf32, #tpu.memory_space<hbm>> -> memref<32x16xf32, #tpu.memory_space<hbm>>
      tpu.wait_dma2 semaphore(%run_scoped3A : memref<!tpu.dma_semaphore, #tpu.memory_space<semaphore_mem>>) src(%arg20 : memref<32x16xf32, #tpu.memory_space<vmem>>) dst(%dma_wait3A_205 : memref<32x16xf32, #tpu.memory_space<hbm>>)
      tpu.yield
    }) : () -> ()
    "tpu.region"() ({
      %run_scoped3A = tpu.sem_alloc : memref<!tpu.dma_semaphore, #tpu.memory_space<semaphore_mem>>
      %dma_start3A_198 = arith.constant 0 : i32
      %dma_start3A_199 = tpu.memref_slice %arg12[%mul3A_2, %dma_start3A_198] : memref<1024x16xf32, #tpu.memory_space<hbm>> -> memref<32x16xf32, #tpu.memory_space<hbm>>
      %dma_start3A_200 = arith.constant 0 : i32
      %dma_start3A_201 = tpu.memref_slice %arg12[%mul3A_2, %dma_start3A_200] : memref<1024x16xf32, #tpu.memory_space<hbm>> -> memref<32x16xf32, #tpu.memory_space<hbm>>
      tpu.enqueue_dma source(%arg21 : memref<32x16xf32, #tpu.memory_space<vmem>>) target(%dma_start3A_201 : memref<32x16xf32, #tpu.memory_space<hbm>>) target_semaphore(%run_scoped3A : memref<!tpu.dma_semaphore, #tpu.memory_space<semaphore_mem>>)
      %dma_wait3A_202 = arith.constant 0 : i32
      %dma_wait3A_203 = tpu.memref_slice %arg12[%mul3A_2, %dma_wait3A_202] : memref<1024x16xf32, #tpu.memory_space<hbm>> -> memref<32x16xf32, #tpu.memory_space<hbm>>
      %dma_wait3A_204 = arith.constant 0 : i32
      %dma_wait3A_205 = tpu.memref_slice %arg12[%mul3A_2, %dma_wait3A_204] : memref<1024x16xf32, #tpu.memory_space<hbm>> -> memref<32x16xf32, #tpu.memory_space<hbm>>
      tpu.wait_dma2 semaphore(%run_scoped3A : memref<!tpu.dma_semaphore, #tpu.memory_space<semaphore_mem>>) src(%arg21 : memref<32x16xf32, #tpu.memory_space<vmem>>) dst(%dma_wait3A_205 : memref<32x16xf32, #tpu.memory_space<hbm>>)
      tpu.yield
    }) : () -> ()
    return
  }
}

#map = affine_map<(d0, d1) -> (0)>
#map1 = affine_map<(d0, d1) -> (0, 0)>
module attributes {stable_mosaic.version = 14 : i64} {
  func.func @_scB_body(%arg0: i32, %arg1: i32, %arg2: memref<20480xi32, #tpu.memory_space<hbm>>, %arg3: memref<20480xi32, #tpu.memory_space<hbm>>, %arg4: memref<100000x32xf32, #tpu.memory_space<hbm>>, %arg5: memref<6250x16xf32, #tpu.memory_space<hbm>>, %arg6: memref<20480x32xf32, #tpu.memory_space<hbm>>, %arg7: memref<20480x32xf32, #tpu.memory_space<hbm>>, %arg8: memref<20480x16xf32, #tpu.memory_space<hbm>>, %arg9: memref<640xi32, #tpu.memory_space<vmem>>, %arg10: memref<640xi32, #tpu.memory_space<vmem>>, %arg11: memref<640xi32, #tpu.memory_space<vmem>>, %arg12: memref<640x32xf32, #tpu.memory_space<vmem>>, %arg13: memref<640x32xf32, #tpu.memory_space<vmem>>, %arg14: memref<640x16xf32, #tpu.memory_space<vmem>>, %arg15: memref<!tpu.dma_semaphore, #tpu.memory_space<semaphore_mem>>) attributes {dimension_semantics = [#tpu.dimension_semantics<core_parallel>, #tpu.dimension_semantics<subcore_parallel>], iteration_bounds = array<i64: 2, 16>, scalar_prefetch = 0 : i64, scratch_operands = 7 : i64, tpu.core_type = #tpu.core_type<sc_vector_subcore>, window_params = [{transform_indices = #map}, {transform_indices = #map}, {transform_indices = #map1}, {transform_indices = #map1}, {transform_indices = #map1}, {transform_indices = #map1}, {transform_indices = #map1}]} {
    %mul3A = arith.constant 2 : i32
    %mul3A_0 = arith.muli %arg1, %mul3A : i32
    %add3A = arith.addi %mul3A_0, %arg0 : i32
    %mul3A_1 = arith.constant 640 : i32
    %mul3A_2 = arith.muli %add3A, %mul3A_1 : i32
    "tpu.region"() ({
      %run_scoped3A = tpu.sem_alloc : memref<!tpu.dma_semaphore, #tpu.memory_space<semaphore_mem>>
      %dma_start3A_638 = tpu.memref_slice %arg2[%mul3A_2] : memref<20480xi32, #tpu.memory_space<hbm>> -> memref<640xi32, #tpu.memory_space<hbm>>
      %dma_start3A_639 = tpu.memref_slice %arg2[%mul3A_2] : memref<20480xi32, #tpu.memory_space<hbm>> -> memref<640xi32, #tpu.memory_space<hbm>>
      tpu.enqueue_dma source(%dma_start3A_639 : memref<640xi32, #tpu.memory_space<hbm>>) target(%arg9 : memref<640xi32, #tpu.memory_space<vmem>>) target_semaphore(%run_scoped3A : memref<!tpu.dma_semaphore, #tpu.memory_space<semaphore_mem>>)
      %dma_wait3A_640 = tpu.memref_slice %arg2[%mul3A_2] : memref<20480xi32, #tpu.memory_space<hbm>> -> memref<640xi32, #tpu.memory_space<hbm>>
      %dma_wait3A_641 = tpu.memref_slice %arg2[%mul3A_2] : memref<20480xi32, #tpu.memory_space<hbm>> -> memref<640xi32, #tpu.memory_space<hbm>>
      tpu.wait_dma2 semaphore(%run_scoped3A : memref<!tpu.dma_semaphore, #tpu.memory_space<semaphore_mem>>) src(%dma_wait3A_641 : memref<640xi32, #tpu.memory_space<hbm>>) dst(%arg9 : memref<640xi32, #tpu.memory_space<vmem>>)
      tpu.yield
    }) : () -> ()
    "tpu.region"() ({
      %run_scoped3A = tpu.sem_alloc : memref<!tpu.dma_semaphore, #tpu.memory_space<semaphore_mem>>
      %dma_start3A_638 = tpu.memref_slice %arg3[%mul3A_2] : memref<20480xi32, #tpu.memory_space<hbm>> -> memref<640xi32, #tpu.memory_space<hbm>>
      %dma_start3A_639 = tpu.memref_slice %arg3[%mul3A_2] : memref<20480xi32, #tpu.memory_space<hbm>> -> memref<640xi32, #tpu.memory_space<hbm>>
      tpu.enqueue_dma source(%dma_start3A_639 : memref<640xi32, #tpu.memory_space<hbm>>) target(%arg10 : memref<640xi32, #tpu.memory_space<vmem>>) target_semaphore(%run_scoped3A : memref<!tpu.dma_semaphore, #tpu.memory_space<semaphore_mem>>)
      %dma_wait3A_640 = tpu.memref_slice %arg3[%mul3A_2] : memref<20480xi32, #tpu.memory_space<hbm>> -> memref<640xi32, #tpu.memory_space<hbm>>
      %dma_wait3A_641 = tpu.memref_slice %arg3[%mul3A_2] : memref<20480xi32, #tpu.memory_space<hbm>> -> memref<640xi32, #tpu.memory_space<hbm>>
      tpu.wait_dma2 semaphore(%run_scoped3A : memref<!tpu.dma_semaphore, #tpu.memory_space<semaphore_mem>>) src(%dma_wait3A_641 : memref<640xi32, #tpu.memory_space<hbm>>) dst(%arg10 : memref<640xi32, #tpu.memory_space<vmem>>)
      tpu.yield
    }) : () -> ()
    %get3A = arith.constant 0 : index
    %get3A_3 = tpu.vector_load %arg9[%get3A] {strides = array<i32>} : memref<640xi32, #tpu.memory_space<vmem>>, vector<16xi32>,
    %get3A_4 = vector.shape_cast %get3A_3 : vector<16xi32> to vector<16xi32>
    %shift_right_logical3A = arith.constant 4 : i32
    %shift_right_logical3A_5 = vector.broadcast %shift_right_logical3A : i32 to vector<16xi32>
    %shift_right_logical3A_6 = arith.shrui %get3A_4, %shift_right_logical3A_5 : vector<16xi32>
    %swap3A = arith.constant 0 : index
    %swap3A_7 = tpu.vector_load %arg11[%swap3A] {strides = array<i32>} : memref<640xi32, #tpu.memory_space<vmem>>, vector<16xi32>,
    %swap3A_8 = vector.shape_cast %swap3A_7 : vector<16xi32> to vector<16xi32>
    %swap3A_9 = vector.shape_cast %shift_right_logical3A_6 : vector<16xi32> to vector<16xi32>
    tpu.vector_store %arg11[%swap3A], %swap3A_9 {strides = array<i32>} : memref<640xi32, #tpu.memory_space<vmem>>, vector<16xi32>,
    %get3A_10 = arith.constant 16 : index
    %get3A_11 = tpu.vector_load %arg9[%get3A_10] {strides = array<i32>} : memref<640xi32, #tpu.memory_space<vmem>>, vector<16xi32>,
    %get3A_12 = vector.shape_cast %get3A_11 : vector<16xi32> to vector<16xi32>
    %shift_right_logical3A_13 = arith.constant 4 : i32
    %shift_right_logical3A_14 = vector.broadcast %shift_right_logical3A_13 : i32 to vector<16xi32>
    %shift_right_logical3A_15 = arith.shrui %get3A_12, %shift_right_logical3A_14 : vector<16xi32>
    %swap3A_16 = arith.constant 16 : index
    %swap3A_17 = tpu.vector_load %arg11[%swap3A_16] {strides = array<i32>} : memref<640xi32, #tpu.memory_space<vmem>>, vector<16xi32>,
    %swap3A_18 = vector.shape_cast %swap3A_17 : vector<16xi32> to vector<16xi32>
    %swap3A_19 = vector.shape_cast %shift_right_logical3A_15 : vector<16xi32> to vector<16xi32>
    tpu.vector_store %arg11[%swap3A_16], %swap3A_19 {strides = array<i32>} : memref<640xi32, #tpu.memory_space<vmem>>, vector<16xi32>,
    %get3A_20 = arith.constant 32 : index
    %get3A_21 = tpu.vector_load %arg9[%get3A_20] {strides = array<i32>} : memref<640xi32, #tpu.memory_space<vmem>>, vector<16xi32>,
    %get3A_22 = vector.shape_cast %get3A_21 : vector<16xi32> to vector<16xi32>
    %shift_right_logical3A_23 = arith.constant 4 : i32
    %shift_right_logical3A_24 = vector.broadcast %shift_right_logical3A_23 : i32 to vector<16xi32>
    %shift_right_logical3A_25 = arith.shrui %get3A_22, %shift_right_logical3A_24 : vector<16xi32>
    %swap3A_26 = arith.constant 32 : index
    %swap3A_27 = tpu.vector_load %arg11[%swap3A_26] {strides = array<i32>} : memref<640xi32, #tpu.memory_space<vmem>>, vector<16xi32>,
    %swap3A_28 = vector.shape_cast %swap3A_27 : vector<16xi32> to vector<16xi32>
    %swap3A_29 = vector.shape_cast %shift_right_logical3A_25 : vector<16xi32> to vector<16xi32>
    tpu.vector_store %arg11[%swap3A_26], %swap3A_29 {strides = array<i32>} : memref<640xi32, #tpu.memory_space<vmem>>, vector<16xi32>,
    %get3A_30 = arith.constant 48 : index
    %get3A_31 = tpu.vector_load %arg9[%get3A_30] {strides = array<i32>} : memref<640xi32, #tpu.memory_space<vmem>>, vector<16xi32>,
    %get3A_32 = vector.shape_cast %get3A_31 : vector<16xi32> to vector<16xi32>
    %shift_right_logical3A_33 = arith.constant 4 : i32
    %shift_right_logical3A_34 = vector.broadcast %shift_right_logical3A_33 : i32 to vector<16xi32>
    %shift_right_logical3A_35 = arith.shrui %get3A_32, %shift_right_logical3A_34 : vector<16xi32>
    %swap3A_36 = arith.constant 48 : index
    %swap3A_37 = tpu.vector_load %arg11[%swap3A_36] {strides = array<i32>} : memref<640xi32, #tpu.memory_space<vmem>>, vector<16xi32>,
    %swap3A_38 = vector.shape_cast %swap3A_37 : vector<16xi32> to vector<16xi32>
    %swap3A_39 = vector.shape_cast %shift_right_logical3A_35 : vector<16xi32> to vector<16xi32>
    tpu.vector_store %arg11[%swap3A_36], %swap3A_39 {strides = array<i32>} : memref<640xi32, #tpu.memory_space<vmem>>, vector<16xi32>,
    %get3A_40 = arith.constant 64 : index
    %get3A_41 = tpu.vector_load %arg9[%get3A_40] {strides = array<i32>} : memref<640xi32, #tpu.memory_space<vmem>>, vector<16xi32>,
    %get3A_42 = vector.shape_cast %get3A_41 : vector<16xi32> to vector<16xi32>
    %shift_right_logical3A_43 = arith.constant 4 : i32
    %shift_right_logical3A_44 = vector.broadcast %shift_right_logical3A_43 : i32 to vector<16xi32>
    %shift_right_logical3A_45 = arith.shrui %get3A_42, %shift_right_logical3A_44 : vector<16xi32>
    %swap3A_46 = arith.constant 64 : index
    %swap3A_47 = tpu.vector_load %arg11[%swap3A_46] {strides = array<i32>} : memref<640xi32, #tpu.memory_space<vmem>>, vector<16xi32>,
    %swap3A_48 = vector.shape_cast %swap3A_47 : vector<16xi32> to vector<16xi32>
    %swap3A_49 = vector.shape_cast %shift_right_logical3A_45 : vector<16xi32> to vector<16xi32>
    tpu.vector_store %arg11[%swap3A_46], %swap3A_49 {strides = array<i32>} : memref<640xi32, #tpu.memory_space<vmem>>, vector<16xi32>,
    %get3A_50 = arith.constant 80 : index
    %get3A_51 = tpu.vector_load %arg9[%get3A_50] {strides = array<i32>} : memref<640xi32, #tpu.memory_space<vmem>>, vector<16xi32>,
    %get3A_52 = vector.shape_cast %get3A_51 : vector<16xi32> to vector<16xi32>
    %shift_right_logical3A_53 = arith.constant 4 : i32
    %shift_right_logical3A_54 = vector.broadcast %shift_right_logical3A_53 : i32 to vector<16xi32>
    %shift_right_logical3A_55 = arith.shrui %get3A_52, %shift_right_logical3A_54 : vector<16xi32>
    %swap3A_56 = arith.constant 80 : index
    %swap3A_57 = tpu.vector_load %arg11[%swap3A_56] {strides = array<i32>} : memref<640xi32, #tpu.memory_space<vmem>>, vector<16xi32>,
    %swap3A_58 = vector.shape_cast %swap3A_57 : vector<16xi32> to vector<16xi32>
    %swap3A_59 = vector.shape_cast %shift_right_logical3A_55 : vector<16xi32> to vector<16xi32>
    tpu.vector_store %arg11[%swap3A_56], %swap3A_59 {strides = array<i32>} : memref<640xi32, #tpu.memory_space<vmem>>, vector<16xi32>,
    %get3A_60 = arith.constant 96 : index
    %get3A_61 = tpu.vector_load %arg9[%get3A_60] {strides = array<i32>} : memref<640xi32, #tpu.memory_space<vmem>>, vector<16xi32>,
    %get3A_62 = vector.shape_cast %get3A_61 : vector<16xi32> to vector<16xi32>
    %shift_right_logical3A_63 = arith.constant 4 : i32
    %shift_right_logical3A_64 = vector.broadcast %shift_right_logical3A_63 : i32 to vector<16xi32>
    %shift_right_logical3A_65 = arith.shrui %get3A_62, %shift_right_logical3A_64 : vector<16xi32>
    %swap3A_66 = arith.constant 96 : index
    %swap3A_67 = tpu.vector_load %arg11[%swap3A_66] {strides = array<i32>} : memref<640xi32, #tpu.memory_space<vmem>>, vector<16xi32>,
    %swap3A_68 = vector.shape_cast %swap3A_67 : vector<16xi32> to vector<16xi32>
    %swap3A_69 = vector.shape_cast %shift_right_logical3A_65 : vector<16xi32> to vector<16xi32>
    tpu.vector_store %arg11[%swap3A_66], %swap3A_69 {strides = array<i32>} : memref<640xi32, #tpu.memory_space<vmem>>, vector<16xi32>,
    %get3A_70 = arith.constant 112 : index
    %get3A_71 = tpu.vector_load %arg9[%get3A_70] {strides = array<i32>} : memref<640xi32, #tpu.memory_space<vmem>>, vector<16xi32>,
    %get3A_72 = vector.shape_cast %get3A_71 : vector<16xi32> to vector<16xi32>
    %shift_right_logical3A_73 = arith.constant 4 : i32
    %shift_right_logical3A_74 = vector.broadcast %shift_right_logical3A_73 : i32 to vector<16xi32>
    %shift_right_logical3A_75 = arith.shrui %get3A_72, %shift_right_logical3A_74 : vector<16xi32>
    %swap3A_76 = arith.constant 112 : index
    %swap3A_77 = tpu.vector_load %arg11[%swap3A_76] {strides = array<i32>} : memref<640xi32, #tpu.memory_space<vmem>>, vector<16xi32>,
    %swap3A_78 = vector.shape_cast %swap3A_77 : vector<16xi32> to vector<16xi32>
    %swap3A_79 = vector.shape_cast %shift_right_logical3A_75 : vector<16xi32> to vector<16xi32>
    tpu.vector_store %arg11[%swap3A_76], %swap3A_79 {strides = array<i32>} : memref<640xi32, #tpu.memory_space<vmem>>, vector<16xi32>,
    %get3A_80 = arith.constant 128 : index
    %get3A_81 = tpu.vector_load %arg9[%get3A_80] {strides = array<i32>} : memref<640xi32, #tpu.memory_space<vmem>>, vector<16xi32>,
    %get3A_82 = vector.shape_cast %get3A_81 : vector<16xi32> to vector<16xi32>
    %shift_right_logical3A_83 = arith.constant 4 : i32
    %shift_right_logical3A_84 = vector.broadcast %shift_right_logical3A_83 : i32 to vector<16xi32>
    %shift_right_logical3A_85 = arith.shrui %get3A_82, %shift_right_logical3A_84 : vector<16xi32>
    %swap3A_86 = arith.constant 128 : index
    %swap3A_87 = tpu.vector_load %arg11[%swap3A_86] {strides = array<i32>} : memref<640xi32, #tpu.memory_space<vmem>>, vector<16xi32>,
    %swap3A_88 = vector.shape_cast %swap3A_87 : vector<16xi32> to vector<16xi32>
    %swap3A_89 = vector.shape_cast %shift_right_logical3A_85 : vector<16xi32> to vector<16xi32>
    tpu.vector_store %arg11[%swap3A_86], %swap3A_89 {strides = array<i32>} : memref<640xi32, #tpu.memory_space<vmem>>, vector<16xi32>,
    %get3A_90 = arith.constant 144 : index
    %get3A_91 = tpu.vector_load %arg9[%get3A_90] {strides = array<i32>} : memref<640xi32, #tpu.memory_space<vmem>>, vector<16xi32>,
    %get3A_92 = vector.shape_cast %get3A_91 : vector<16xi32> to vector<16xi32>
    %shift_right_logical3A_93 = arith.constant 4 : i32
    %shift_right_logical3A_94 = vector.broadcast %shift_right_logical3A_93 : i32 to vector<16xi32>
    %shift_right_logical3A_95 = arith.shrui %get3A_92, %shift_right_logical3A_94 : vector<16xi32>
    %swap3A_96 = arith.constant 144 : index
    %swap3A_97 = tpu.vector_load %arg11[%swap3A_96] {strides = array<i32>} : memref<640xi32, #tpu.memory_space<vmem>>, vector<16xi32>,
    %swap3A_98 = vector.shape_cast %swap3A_97 : vector<16xi32> to vector<16xi32>
    %swap3A_99 = vector.shape_cast %shift_right_logical3A_95 : vector<16xi32> to vector<16xi32>
    tpu.vector_store %arg11[%swap3A_96], %swap3A_99 {strides = array<i32>} : memref<640xi32, #tpu.memory_space<vmem>>, vector<16xi32>,
    %get3A_100 = arith.constant 160 : index
    %get3A_101 = tpu.vector_load %arg9[%get3A_100] {strides = array<i32>} : memref<640xi32, #tpu.memory_space<vmem>>, vector<16xi32>,
    %get3A_102 = vector.shape_cast %get3A_101 : vector<16xi32> to vector<16xi32>
    %shift_right_logical3A_103 = arith.constant 4 : i32
    %shift_right_logical3A_104 = vector.broadcast %shift_right_logical3A_103 : i32 to vector<16xi32>
    %shift_right_logical3A_105 = arith.shrui %get3A_102, %shift_right_logical3A_104 : vector<16xi32>
    %swap3A_106 = arith.constant 160 : index
    %swap3A_107 = tpu.vector_load %arg11[%swap3A_106] {strides = array<i32>} : memref<640xi32, #tpu.memory_space<vmem>>, vector<16xi32>,
    %swap3A_108 = vector.shape_cast %swap3A_107 : vector<16xi32> to vector<16xi32>
    %swap3A_109 = vector.shape_cast %shift_right_logical3A_105 : vector<16xi32> to vector<16xi32>
    tpu.vector_store %arg11[%swap3A_106], %swap3A_109 {strides = array<i32>} : memref<640xi32, #tpu.memory_space<vmem>>, vector<16xi32>,
    %get3A_110 = arith.constant 176 : index
    %get3A_111 = tpu.vector_load %arg9[%get3A_110] {strides = array<i32>} : memref<640xi32, #tpu.memory_space<vmem>>, vector<16xi32>,
    %get3A_112 = vector.shape_cast %get3A_111 : vector<16xi32> to vector<16xi32>
    %shift_right_logical3A_113 = arith.constant 4 : i32
    %shift_right_logical3A_114 = vector.broadcast %shift_right_logical3A_113 : i32 to vector<16xi32>
    %shift_right_logical3A_115 = arith.shrui %get3A_112, %shift_right_logical3A_114 : vector<16xi32>
    %swap3A_116 = arith.constant 176 : index
    %swap3A_117 = tpu.vector_load %arg11[%swap3A_116] {strides = array<i32>} : memref<640xi32, #tpu.memory_space<vmem>>, vector<16xi32>,
    %swap3A_118 = vector.shape_cast %swap3A_117 : vector<16xi32> to vector<16xi32>
    %swap3A_119 = vector.shape_cast %shift_right_logical3A_115 : vector<16xi32> to vector<16xi32>
    tpu.vector_store %arg11[%swap3A_116], %swap3A_119 {strides = array<i32>} : memref<640xi32, #tpu.memory_space<vmem>>, vector<16xi32>,
    %get3A_120 = arith.constant 192 : index
    %get3A_121 = tpu.vector_load %arg9[%get3A_120] {strides = array<i32>} : memref<640xi32, #tpu.memory_space<vmem>>, vector<16xi32>,
    %get3A_122 = vector.shape_cast %get3A_121 : vector<16xi32> to vector<16xi32>
    %shift_right_logical3A_123 = arith.constant 4 : i32
    %shift_right_logical3A_124 = vector.broadcast %shift_right_logical3A_123 : i32 to vector<16xi32>
    %shift_right_logical3A_125 = arith.shrui %get3A_122, %shift_right_logical3A_124 : vector<16xi32>
    %swap3A_126 = arith.constant 192 : index
    %swap3A_127 = tpu.vector_load %arg11[%swap3A_126] {strides = array<i32>} : memref<640xi32, #tpu.memory_space<vmem>>, vector<16xi32>,
    %swap3A_128 = vector.shape_cast %swap3A_127 : vector<16xi32> to vector<16xi32>
    %swap3A_129 = vector.shape_cast %shift_right_logical3A_125 : vector<16xi32> to vector<16xi32>
    tpu.vector_store %arg11[%swap3A_126], %swap3A_129 {strides = array<i32>} : memref<640xi32, #tpu.memory_space<vmem>>, vector<16xi32>,
    %get3A_130 = arith.constant 208 : index
    %get3A_131 = tpu.vector_load %arg9[%get3A_130] {strides = array<i32>} : memref<640xi32, #tpu.memory_space<vmem>>, vector<16xi32>,
    %get3A_132 = vector.shape_cast %get3A_131 : vector<16xi32> to vector<16xi32>
    %shift_right_logical3A_133 = arith.constant 4 : i32
    %shift_right_logical3A_134 = vector.broadcast %shift_right_logical3A_133 : i32 to vector<16xi32>
    %shift_right_logical3A_135 = arith.shrui %get3A_132, %shift_right_logical3A_134 : vector<16xi32>
    %swap3A_136 = arith.constant 208 : index
    %swap3A_137 = tpu.vector_load %arg11[%swap3A_136] {strides = array<i32>} : memref<640xi32, #tpu.memory_space<vmem>>, vector<16xi32>,
    %swap3A_138 = vector.shape_cast %swap3A_137 : vector<16xi32> to vector<16xi32>
    %swap3A_139 = vector.shape_cast %shift_right_logical3A_135 : vector<16xi32> to vector<16xi32>
    tpu.vector_store %arg11[%swap3A_136], %swap3A_139 {strides = array<i32>} : memref<640xi32, #tpu.memory_space<vmem>>, vector<16xi32>,
    %get3A_140 = arith.constant 224 : index
    %get3A_141 = tpu.vector_load %arg9[%get3A_140] {strides = array<i32>} : memref<640xi32, #tpu.memory_space<vmem>>, vector<16xi32>,
    %get3A_142 = vector.shape_cast %get3A_141 : vector<16xi32> to vector<16xi32>
    %shift_right_logical3A_143 = arith.constant 4 : i32
    %shift_right_logical3A_144 = vector.broadcast %shift_right_logical3A_143 : i32 to vector<16xi32>
    %shift_right_logical3A_145 = arith.shrui %get3A_142, %shift_right_logical3A_144 : vector<16xi32>
    %swap3A_146 = arith.constant 224 : index
    %swap3A_147 = tpu.vector_load %arg11[%swap3A_146] {strides = array<i32>} : memref<640xi32, #tpu.memory_space<vmem>>, vector<16xi32>,
    %swap3A_148 = vector.shape_cast %swap3A_147 : vector<16xi32> to vector<16xi32>
    %swap3A_149 = vector.shape_cast %shift_right_logical3A_145 : vector<16xi32> to vector<16xi32>
    tpu.vector_store %arg11[%swap3A_146], %swap3A_149 {strides = array<i32>} : memref<640xi32, #tpu.memory_space<vmem>>, vector<16xi32>,
    %get3A_150 = arith.constant 240 : index
    %get3A_151 = tpu.vector_load %arg9[%get3A_150] {strides = array<i32>} : memref<640xi32, #tpu.memory_space<vmem>>, vector<16xi32>,
    %get3A_152 = vector.shape_cast %get3A_151 : vector<16xi32> to vector<16xi32>
    %shift_right_logical3A_153 = arith.constant 4 : i32
    %shift_right_logical3A_154 = vector.broadcast %shift_right_logical3A_153 : i32 to vector<16xi32>
    %shift_right_logical3A_155 = arith.shrui %get3A_152, %shift_right_logical3A_154 : vector<16xi32>
    %swap3A_156 = arith.constant 240 : index
    %swap3A_157 = tpu.vector_load %arg11[%swap3A_156] {strides = array<i32>} : memref<640xi32, #tpu.memory_space<vmem>>, vector<16xi32>,
    %swap3A_158 = vector.shape_cast %swap3A_157 : vector<16xi32> to vector<16xi32>
    %swap3A_159 = vector.shape_cast %shift_right_logical3A_155 : vector<16xi32> to vector<16xi32>
    tpu.vector_store %arg11[%swap3A_156], %swap3A_159 {strides = array<i32>} : memref<640xi32, #tpu.memory_space<vmem>>, vector<16xi32>,
    %get3A_160 = arith.constant 256 : index
    %get3A_161 = tpu.vector_load %arg9[%get3A_160] {strides = array<i32>} : memref<640xi32, #tpu.memory_space<vmem>>, vector<16xi32>,
    %get3A_162 = vector.shape_cast %get3A_161 : vector<16xi32> to vector<16xi32>
    %shift_right_logical3A_163 = arith.constant 4 : i32
    %shift_right_logical3A_164 = vector.broadcast %shift_right_logical3A_163 : i32 to vector<16xi32>
    %shift_right_logical3A_165 = arith.shrui %get3A_162, %shift_right_logical3A_164 : vector<16xi32>
    %swap3A_166 = arith.constant 256 : index
    %swap3A_167 = tpu.vector_load %arg11[%swap3A_166] {strides = array<i32>} : memref<640xi32, #tpu.memory_space<vmem>>, vector<16xi32>,
    %swap3A_168 = vector.shape_cast %swap3A_167 : vector<16xi32> to vector<16xi32>
    %swap3A_169 = vector.shape_cast %shift_right_logical3A_165 : vector<16xi32> to vector<16xi32>
    tpu.vector_store %arg11[%swap3A_166], %swap3A_169 {strides = array<i32>} : memref<640xi32, #tpu.memory_space<vmem>>, vector<16xi32>,
    %get3A_170 = arith.constant 272 : index
    %get3A_171 = tpu.vector_load %arg9[%get3A_170] {strides = array<i32>} : memref<640xi32, #tpu.memory_space<vmem>>, vector<16xi32>,
    %get3A_172 = vector.shape_cast %get3A_171 : vector<16xi32> to vector<16xi32>
    %shift_right_logical3A_173 = arith.constant 4 : i32
    %shift_right_logical3A_174 = vector.broadcast %shift_right_logical3A_173 : i32 to vector<16xi32>
    %shift_right_logical3A_175 = arith.shrui %get3A_172, %shift_right_logical3A_174 : vector<16xi32>
    %swap3A_176 = arith.constant 272 : index
    %swap3A_177 = tpu.vector_load %arg11[%swap3A_176] {strides = array<i32>} : memref<640xi32, #tpu.memory_space<vmem>>, vector<16xi32>,
    %swap3A_178 = vector.shape_cast %swap3A_177 : vector<16xi32> to vector<16xi32>
    %swap3A_179 = vector.shape_cast %shift_right_logical3A_175 : vector<16xi32> to vector<16xi32>
    tpu.vector_store %arg11[%swap3A_176], %swap3A_179 {strides = array<i32>} : memref<640xi32, #tpu.memory_space<vmem>>, vector<16xi32>,
    %get3A_180 = arith.constant 288 : index
    %get3A_181 = tpu.vector_load %arg9[%get3A_180] {strides = array<i32>} : memref<640xi32, #tpu.memory_space<vmem>>, vector<16xi32>,
    %get3A_182 = vector.shape_cast %get3A_181 : vector<16xi32> to vector<16xi32>
    %shift_right_logical3A_183 = arith.constant 4 : i32
    %shift_right_logical3A_184 = vector.broadcast %shift_right_logical3A_183 : i32 to vector<16xi32>
    %shift_right_logical3A_185 = arith.shrui %get3A_182, %shift_right_logical3A_184 : vector<16xi32>
    %swap3A_186 = arith.constant 288 : index
    %swap3A_187 = tpu.vector_load %arg11[%swap3A_186] {strides = array<i32>} : memref<640xi32, #tpu.memory_space<vmem>>, vector<16xi32>,
    %swap3A_188 = vector.shape_cast %swap3A_187 : vector<16xi32> to vector<16xi32>
    %swap3A_189 = vector.shape_cast %shift_right_logical3A_185 : vector<16xi32> to vector<16xi32>
    tpu.vector_store %arg11[%swap3A_186], %swap3A_189 {strides = array<i32>} : memref<640xi32, #tpu.memory_space<vmem>>, vector<16xi32>,
    %get3A_190 = arith.constant 304 : index
    %get3A_191 = tpu.vector_load %arg9[%get3A_190] {strides = array<i32>} : memref<640xi32, #tpu.memory_space<vmem>>, vector<16xi32>,
    %get3A_192 = vector.shape_cast %get3A_191 : vector<16xi32> to vector<16xi32>
    %shift_right_logical3A_193 = arith.constant 4 : i32
    %shift_right_logical3A_194 = vector.broadcast %shift_right_logical3A_193 : i32 to vector<16xi32>
    %shift_right_logical3A_195 = arith.shrui %get3A_192, %shift_right_logical3A_194 : vector<16xi32>
    %swap3A_196 = arith.constant 304 : index
    %swap3A_197 = tpu.vector_load %arg11[%swap3A_196] {strides = array<i32>} : memref<640xi32, #tpu.memory_space<vmem>>, vector<16xi32>,
    %swap3A_198 = vector.shape_cast %swap3A_197 : vector<16xi32> to vector<16xi32>
    %swap3A_199 = vector.shape_cast %shift_right_logical3A_195 : vector<16xi32> to vector<16xi32>
    tpu.vector_store %arg11[%swap3A_196], %swap3A_199 {strides = array<i32>} : memref<640xi32, #tpu.memory_space<vmem>>, vector<16xi32>,
    %get3A_200 = arith.constant 320 : index
    %get3A_201 = tpu.vector_load %arg9[%get3A_200] {strides = array<i32>} : memref<640xi32, #tpu.memory_space<vmem>>, vector<16xi32>,
    %get3A_202 = vector.shape_cast %get3A_201 : vector<16xi32> to vector<16xi32>
    %shift_right_logical3A_203 = arith.constant 4 : i32
    %shift_right_logical3A_204 = vector.broadcast %shift_right_logical3A_203 : i32 to vector<16xi32>
    %shift_right_logical3A_205 = arith.shrui %get3A_202, %shift_right_logical3A_204 : vector<16xi32>
    %swap3A_206 = arith.constant 320 : index
    %swap3A_207 = tpu.vector_load %arg11[%swap3A_206] {strides = array<i32>} : memref<640xi32, #tpu.memory_space<vmem>>, vector<16xi32>,
    %swap3A_208 = vector.shape_cast %swap3A_207 : vector<16xi32> to vector<16xi32>
    %swap3A_209 = vector.shape_cast %shift_right_logical3A_205 : vector<16xi32> to vector<16xi32>
    tpu.vector_store %arg11[%swap3A_206], %swap3A_209 {strides = array<i32>} : memref<640xi32, #tpu.memory_space<vmem>>, vector<16xi32>,
    %get3A_210 = arith.constant 336 : index
    %get3A_211 = tpu.vector_load %arg9[%get3A_210] {strides = array<i32>} : memref<640xi32, #tpu.memory_space<vmem>>, vector<16xi32>,
    %get3A_212 = vector.shape_cast %get3A_211 : vector<16xi32> to vector<16xi32>
    %shift_right_logical3A_213 = arith.constant 4 : i32
    %shift_right_logical3A_214 = vector.broadcast %shift_right_logical3A_213 : i32 to vector<16xi32>
    %shift_right_logical3A_215 = arith.shrui %get3A_212, %shift_right_logical3A_214 : vector<16xi32>
    %swap3A_216 = arith.constant 336 : index
    %swap3A_217 = tpu.vector_load %arg11[%swap3A_216] {strides = array<i32>} : memref<640xi32, #tpu.memory_space<vmem>>, vector<16xi32>,
    %swap3A_218 = vector.shape_cast %swap3A_217 : vector<16xi32> to vector<16xi32>
    %swap3A_219 = vector.shape_cast %shift_right_logical3A_215 : vector<16xi32> to vector<16xi32>
    tpu.vector_store %arg11[%swap3A_216], %swap3A_219 {strides = array<i32>} : memref<640xi32, #tpu.memory_space<vmem>>, vector<16xi32>,
    %get3A_220 = arith.constant 352 : index
    %get3A_221 = tpu.vector_load %arg9[%get3A_220] {strides = array<i32>} : memref<640xi32, #tpu.memory_space<vmem>>, vector<16xi32>,
    %get3A_222 = vector.shape_cast %get3A_221 : vector<16xi32> to vector<16xi32>
    %shift_right_logical3A_223 = arith.constant 4 : i32
    %shift_right_logical3A_224 = vector.broadcast %shift_right_logical3A_223 : i32 to vector<16xi32>
    %shift_right_logical3A_225 = arith.shrui %get3A_222, %shift_right_logical3A_224 : vector<16xi32>
    %swap3A_226 = arith.constant 352 : index
    %swap3A_227 = tpu.vector_load %arg11[%swap3A_226] {strides = array<i32>} : memref<640xi32, #tpu.memory_space<vmem>>, vector<16xi32>,
    %swap3A_228 = vector.shape_cast %swap3A_227 : vector<16xi32> to vector<16xi32>
    %swap3A_229 = vector.shape_cast %shift_right_logical3A_225 : vector<16xi32> to vector<16xi32>
    tpu.vector_store %arg11[%swap3A_226], %swap3A_229 {strides = array<i32>} : memref<640xi32, #tpu.memory_space<vmem>>, vector<16xi32>,
    %get3A_230 = arith.constant 368 : index
    %get3A_231 = tpu.vector_load %arg9[%get3A_230] {strides = array<i32>} : memref<640xi32, #tpu.memory_space<vmem>>, vector<16xi32>,
    %get3A_232 = vector.shape_cast %get3A_231 : vector<16xi32> to vector<16xi32>
    %shift_right_logical3A_233 = arith.constant 4 : i32
    %shift_right_logical3A_234 = vector.broadcast %shift_right_logical3A_233 : i32 to vector<16xi32>
    %shift_right_logical3A_235 = arith.shrui %get3A_232, %shift_right_logical3A_234 : vector<16xi32>
    %swap3A_236 = arith.constant 368 : index
    %swap3A_237 = tpu.vector_load %arg11[%swap3A_236] {strides = array<i32>} : memref<640xi32, #tpu.memory_space<vmem>>, vector<16xi32>,
    %swap3A_238 = vector.shape_cast %swap3A_237 : vector<16xi32> to vector<16xi32>
    %swap3A_239 = vector.shape_cast %shift_right_logical3A_235 : vector<16xi32> to vector<16xi32>
    tpu.vector_store %arg11[%swap3A_236], %swap3A_239 {strides = array<i32>} : memref<640xi32, #tpu.memory_space<vmem>>, vector<16xi32>,
    %get3A_240 = arith.constant 384 : index
    %get3A_241 = tpu.vector_load %arg9[%get3A_240] {strides = array<i32>} : memref<640xi32, #tpu.memory_space<vmem>>, vector<16xi32>,
    %get3A_242 = vector.shape_cast %get3A_241 : vector<16xi32> to vector<16xi32>
    %shift_right_logical3A_243 = arith.constant 4 : i32
    %shift_right_logical3A_244 = vector.broadcast %shift_right_logical3A_243 : i32 to vector<16xi32>
    %shift_right_logical3A_245 = arith.shrui %get3A_242, %shift_right_logical3A_244 : vector<16xi32>
    %swap3A_246 = arith.constant 384 : index
    %swap3A_247 = tpu.vector_load %arg11[%swap3A_246] {strides = array<i32>} : memref<640xi32, #tpu.memory_space<vmem>>, vector<16xi32>,
    %swap3A_248 = vector.shape_cast %swap3A_247 : vector<16xi32> to vector<16xi32>
    %swap3A_249 = vector.shape_cast %shift_right_logical3A_245 : vector<16xi32> to vector<16xi32>
    tpu.vector_store %arg11[%swap3A_246], %swap3A_249 {strides = array<i32>} : memref<640xi32, #tpu.memory_space<vmem>>, vector<16xi32>,
    %get3A_250 = arith.constant 400 : index
    %get3A_251 = tpu.vector_load %arg9[%get3A_250] {strides = array<i32>} : memref<640xi32, #tpu.memory_space<vmem>>, vector<16xi32>,
    %get3A_252 = vector.shape_cast %get3A_251 : vector<16xi32> to vector<16xi32>
    %shift_right_logical3A_253 = arith.constant 4 : i32
    %shift_right_logical3A_254 = vector.broadcast %shift_right_logical3A_253 : i32 to vector<16xi32>
    %shift_right_logical3A_255 = arith.shrui %get3A_252, %shift_right_logical3A_254 : vector<16xi32>
    %swap3A_256 = arith.constant 400 : index
    %swap3A_257 = tpu.vector_load %arg11[%swap3A_256] {strides = array<i32>} : memref<640xi32, #tpu.memory_space<vmem>>, vector<16xi32>,
    %swap3A_258 = vector.shape_cast %swap3A_257 : vector<16xi32> to vector<16xi32>
    %swap3A_259 = vector.shape_cast %shift_right_logical3A_255 : vector<16xi32> to vector<16xi32>
    tpu.vector_store %arg11[%swap3A_256], %swap3A_259 {strides = array<i32>} : memref<640xi32, #tpu.memory_space<vmem>>, vector<16xi32>,
    %get3A_260 = arith.constant 416 : index
    %get3A_261 = tpu.vector_load %arg9[%get3A_260] {strides = array<i32>} : memref<640xi32, #tpu.memory_space<vmem>>, vector<16xi32>,
    %get3A_262 = vector.shape_cast %get3A_261 : vector<16xi32> to vector<16xi32>
    %shift_right_logical3A_263 = arith.constant 4 : i32
    %shift_right_logical3A_264 = vector.broadcast %shift_right_logical3A_263 : i32 to vector<16xi32>
    %shift_right_logical3A_265 = arith.shrui %get3A_262, %shift_right_logical3A_264 : vector<16xi32>
    %swap3A_266 = arith.constant 416 : index
    %swap3A_267 = tpu.vector_load %arg11[%swap3A_266] {strides = array<i32>} : memref<640xi32, #tpu.memory_space<vmem>>, vector<16xi32>,
    %swap3A_268 = vector.shape_cast %swap3A_267 : vector<16xi32> to vector<16xi32>
    %swap3A_269 = vector.shape_cast %shift_right_logical3A_265 : vector<16xi32> to vector<16xi32>
    tpu.vector_store %arg11[%swap3A_266], %swap3A_269 {strides = array<i32>} : memref<640xi32, #tpu.memory_space<vmem>>, vector<16xi32>,
    %get3A_270 = arith.constant 432 : index
    %get3A_271 = tpu.vector_load %arg9[%get3A_270] {strides = array<i32>} : memref<640xi32, #tpu.memory_space<vmem>>, vector<16xi32>,
    %get3A_272 = vector.shape_cast %get3A_271 : vector<16xi32> to vector<16xi32>
    %shift_right_logical3A_273 = arith.constant 4 : i32
    %shift_right_logical3A_274 = vector.broadcast %shift_right_logical3A_273 : i32 to vector<16xi32>
    %shift_right_logical3A_275 = arith.shrui %get3A_272, %shift_right_logical3A_274 : vector<16xi32>
    %swap3A_276 = arith.constant 432 : index
    %swap3A_277 = tpu.vector_load %arg11[%swap3A_276] {strides = array<i32>} : memref<640xi32, #tpu.memory_space<vmem>>, vector<16xi32>,
    %swap3A_278 = vector.shape_cast %swap3A_277 : vector<16xi32> to vector<16xi32>
    %swap3A_279 = vector.shape_cast %shift_right_logical3A_275 : vector<16xi32> to vector<16xi32>
    tpu.vector_store %arg11[%swap3A_276], %swap3A_279 {strides = array<i32>} : memref<640xi32, #tpu.memory_space<vmem>>, vector<16xi32>,
    %get3A_280 = arith.constant 448 : index
    %get3A_281 = tpu.vector_load %arg9[%get3A_280] {strides = array<i32>} : memref<640xi32, #tpu.memory_space<vmem>>, vector<16xi32>,
    %get3A_282 = vector.shape_cast %get3A_281 : vector<16xi32> to vector<16xi32>
    %shift_right_logical3A_283 = arith.constant 4 : i32
    %shift_right_logical3A_284 = vector.broadcast %shift_right_logical3A_283 : i32 to vector<16xi32>
    %shift_right_logical3A_285 = arith.shrui %get3A_282, %shift_right_logical3A_284 : vector<16xi32>
    %swap3A_286 = arith.constant 448 : index
    %swap3A_287 = tpu.vector_load %arg11[%swap3A_286] {strides = array<i32>} : memref<640xi32, #tpu.memory_space<vmem>>, vector<16xi32>,
    %swap3A_288 = vector.shape_cast %swap3A_287 : vector<16xi32> to vector<16xi32>
    %swap3A_289 = vector.shape_cast %shift_right_logical3A_285 : vector<16xi32> to vector<16xi32>
    tpu.vector_store %arg11[%swap3A_286], %swap3A_289 {strides = array<i32>} : memref<640xi32, #tpu.memory_space<vmem>>, vector<16xi32>,
    %get3A_290 = arith.constant 464 : index
    %get3A_291 = tpu.vector_load %arg9[%get3A_290] {strides = array<i32>} : memref<640xi32, #tpu.memory_space<vmem>>, vector<16xi32>,
    %get3A_292 = vector.shape_cast %get3A_291 : vector<16xi32> to vector<16xi32>
    %shift_right_logical3A_293 = arith.constant 4 : i32
    %shift_right_logical3A_294 = vector.broadcast %shift_right_logical3A_293 : i32 to vector<16xi32>
    %shift_right_logical3A_295 = arith.shrui %get3A_292, %shift_right_logical3A_294 : vector<16xi32>
    %swap3A_296 = arith.constant 464 : index
    %swap3A_297 = tpu.vector_load %arg11[%swap3A_296] {strides = array<i32>} : memref<640xi32, #tpu.memory_space<vmem>>, vector<16xi32>,
    %swap3A_298 = vector.shape_cast %swap3A_297 : vector<16xi32> to vector<16xi32>
    %swap3A_299 = vector.shape_cast %shift_right_logical3A_295 : vector<16xi32> to vector<16xi32>
    tpu.vector_store %arg11[%swap3A_296], %swap3A_299 {strides = array<i32>} : memref<640xi32, #tpu.memory_space<vmem>>, vector<16xi32>,
    %get3A_300 = arith.constant 480 : index
    %get3A_301 = tpu.vector_load %arg9[%get3A_300] {strides = array<i32>} : memref<640xi32, #tpu.memory_space<vmem>>, vector<16xi32>,
    %get3A_302 = vector.shape_cast %get3A_301 : vector<16xi32> to vector<16xi32>
    %shift_right_logical3A_303 = arith.constant 4 : i32
    %shift_right_logical3A_304 = vector.broadcast %shift_right_logical3A_303 : i32 to vector<16xi32>
    %shift_right_logical3A_305 = arith.shrui %get3A_302, %shift_right_logical3A_304 : vector<16xi32>
    %swap3A_306 = arith.constant 480 : index
    %swap3A_307 = tpu.vector_load %arg11[%swap3A_306] {strides = array<i32>} : memref<640xi32, #tpu.memory_space<vmem>>, vector<16xi32>,
    %swap3A_308 = vector.shape_cast %swap3A_307 : vector<16xi32> to vector<16xi32>
    %swap3A_309 = vector.shape_cast %shift_right_logical3A_305 : vector<16xi32> to vector<16xi32>
    tpu.vector_store %arg11[%swap3A_306], %swap3A_309 {strides = array<i32>} : memref<640xi32, #tpu.memory_space<vmem>>, vector<16xi32>,
    %get3A_310 = arith.constant 496 : index
    %get3A_311 = tpu.vector_load %arg9[%get3A_310] {strides = array<i32>} : memref<640xi32, #tpu.memory_space<vmem>>, vector<16xi32>,
    %get3A_312 = vector.shape_cast %get3A_311 : vector<16xi32> to vector<16xi32>
    %shift_right_logical3A_313 = arith.constant 4 : i32
    %shift_right_logical3A_314 = vector.broadcast %shift_right_logical3A_313 : i32 to vector<16xi32>
    %shift_right_logical3A_315 = arith.shrui %get3A_312, %shift_right_logical3A_314 : vector<16xi32>
    %swap3A_316 = arith.constant 496 : index
    %swap3A_317 = tpu.vector_load %arg11[%swap3A_316] {strides = array<i32>} : memref<640xi32, #tpu.memory_space<vmem>>, vector<16xi32>,
    %swap3A_318 = vector.shape_cast %swap3A_317 : vector<16xi32> to vector<16xi32>
    %swap3A_319 = vector.shape_cast %shift_right_logical3A_315 : vector<16xi32> to vector<16xi32>
    tpu.vector_store %arg11[%swap3A_316], %swap3A_319 {strides = array<i32>} : memref<640xi32, #tpu.memory_space<vmem>>, vector<16xi32>,
    %get3A_320 = arith.constant 512 : index
    %get3A_321 = tpu.vector_load %arg9[%get3A_320] {strides = array<i32>} : memref<640xi32, #tpu.memory_space<vmem>>, vector<16xi32>,
    %get3A_322 = vector.shape_cast %get3A_321 : vector<16xi32> to vector<16xi32>
    %shift_right_logical3A_323 = arith.constant 4 : i32
    %shift_right_logical3A_324 = vector.broadcast %shift_right_logical3A_323 : i32 to vector<16xi32>
    %shift_right_logical3A_325 = arith.shrui %get3A_322, %shift_right_logical3A_324 : vector<16xi32>
    %swap3A_326 = arith.constant 512 : index
    %swap3A_327 = tpu.vector_load %arg11[%swap3A_326] {strides = array<i32>} : memref<640xi32, #tpu.memory_space<vmem>>, vector<16xi32>,
    %swap3A_328 = vector.shape_cast %swap3A_327 : vector<16xi32> to vector<16xi32>
    %swap3A_329 = vector.shape_cast %shift_right_logical3A_325 : vector<16xi32> to vector<16xi32>
    tpu.vector_store %arg11[%swap3A_326], %swap3A_329 {strides = array<i32>} : memref<640xi32, #tpu.memory_space<vmem>>, vector<16xi32>,
    %get3A_330 = arith.constant 528 : index
    %get3A_331 = tpu.vector_load %arg9[%get3A_330] {strides = array<i32>} : memref<640xi32, #tpu.memory_space<vmem>>, vector<16xi32>,
    %get3A_332 = vector.shape_cast %get3A_331 : vector<16xi32> to vector<16xi32>
    %shift_right_logical3A_333 = arith.constant 4 : i32
    %shift_right_logical3A_334 = vector.broadcast %shift_right_logical3A_333 : i32 to vector<16xi32>
    %shift_right_logical3A_335 = arith.shrui %get3A_332, %shift_right_logical3A_334 : vector<16xi32>
    %swap3A_336 = arith.constant 528 : index
    %swap3A_337 = tpu.vector_load %arg11[%swap3A_336] {strides = array<i32>} : memref<640xi32, #tpu.memory_space<vmem>>, vector<16xi32>,
    %swap3A_338 = vector.shape_cast %swap3A_337 : vector<16xi32> to vector<16xi32>
    %swap3A_339 = vector.shape_cast %shift_right_logical3A_335 : vector<16xi32> to vector<16xi32>
    tpu.vector_store %arg11[%swap3A_336], %swap3A_339 {strides = array<i32>} : memref<640xi32, #tpu.memory_space<vmem>>, vector<16xi32>,
    %get3A_340 = arith.constant 544 : index
    %get3A_341 = tpu.vector_load %arg9[%get3A_340] {strides = array<i32>} : memref<640xi32, #tpu.memory_space<vmem>>, vector<16xi32>,
    %get3A_342 = vector.shape_cast %get3A_341 : vector<16xi32> to vector<16xi32>
    %shift_right_logical3A_343 = arith.constant 4 : i32
    %shift_right_logical3A_344 = vector.broadcast %shift_right_logical3A_343 : i32 to vector<16xi32>
    %shift_right_logical3A_345 = arith.shrui %get3A_342, %shift_right_logical3A_344 : vector<16xi32>
    %swap3A_346 = arith.constant 544 : index
    %swap3A_347 = tpu.vector_load %arg11[%swap3A_346] {strides = array<i32>} : memref<640xi32, #tpu.memory_space<vmem>>, vector<16xi32>,
    %swap3A_348 = vector.shape_cast %swap3A_347 : vector<16xi32> to vector<16xi32>
    %swap3A_349 = vector.shape_cast %shift_right_logical3A_345 : vector<16xi32> to vector<16xi32>
    tpu.vector_store %arg11[%swap3A_346], %swap3A_349 {strides = array<i32>} : memref<640xi32, #tpu.memory_space<vmem>>, vector<16xi32>,
    %get3A_350 = arith.constant 560 : index
    %get3A_351 = tpu.vector_load %arg9[%get3A_350] {strides = array<i32>} : memref<640xi32, #tpu.memory_space<vmem>>, vector<16xi32>,
    %get3A_352 = vector.shape_cast %get3A_351 : vector<16xi32> to vector<16xi32>
    %shift_right_logical3A_353 = arith.constant 4 : i32
    %shift_right_logical3A_354 = vector.broadcast %shift_right_logical3A_353 : i32 to vector<16xi32>
    %shift_right_logical3A_355 = arith.shrui %get3A_352, %shift_right_logical3A_354 : vector<16xi32>
    %swap3A_356 = arith.constant 560 : index
    %swap3A_357 = tpu.vector_load %arg11[%swap3A_356] {strides = array<i32>} : memref<640xi32, #tpu.memory_space<vmem>>, vector<16xi32>,
    %swap3A_358 = vector.shape_cast %swap3A_357 : vector<16xi32> to vector<16xi32>
    %swap3A_359 = vector.shape_cast %shift_right_logical3A_355 : vector<16xi32> to vector<16xi32>
    tpu.vector_store %arg11[%swap3A_356], %swap3A_359 {strides = array<i32>} : memref<640xi32, #tpu.memory_space<vmem>>, vector<16xi32>,
    %get3A_360 = arith.constant 576 : index
    %get3A_361 = tpu.vector_load %arg9[%get3A_360] {strides = array<i32>} : memref<640xi32, #tpu.memory_space<vmem>>, vector<16xi32>,
    %get3A_362 = vector.shape_cast %get3A_361 : vector<16xi32> to vector<16xi32>
    %shift_right_logical3A_363 = arith.constant 4 : i32
    %shift_right_logical3A_364 = vector.broadcast %shift_right_logical3A_363 : i32 to vector<16xi32>
    %shift_right_logical3A_365 = arith.shrui %get3A_362, %shift_right_logical3A_364 : vector<16xi32>
    %swap3A_366 = arith.constant 576 : index
    %swap3A_367 = tpu.vector_load %arg11[%swap3A_366] {strides = array<i32>} : memref<640xi32, #tpu.memory_space<vmem>>, vector<16xi32>,
    %swap3A_368 = vector.shape_cast %swap3A_367 : vector<16xi32> to vector<16xi32>
    %swap3A_369 = vector.shape_cast %shift_right_logical3A_365 : vector<16xi32> to vector<16xi32>
    tpu.vector_store %arg11[%swap3A_366], %swap3A_369 {strides = array<i32>} : memref<640xi32, #tpu.memory_space<vmem>>, vector<16xi32>,
    %get3A_370 = arith.constant 592 : index
    %get3A_371 = tpu.vector_load %arg9[%get3A_370] {strides = array<i32>} : memref<640xi32, #tpu.memory_space<vmem>>, vector<16xi32>,
    %get3A_372 = vector.shape_cast %get3A_371 : vector<16xi32> to vector<16xi32>
    %shift_right_logical3A_373 = arith.constant 4 : i32
    %shift_right_logical3A_374 = vector.broadcast %shift_right_logical3A_373 : i32 to vector<16xi32>
    %shift_right_logical3A_375 = arith.shrui %get3A_372, %shift_right_logical3A_374 : vector<16xi32>
    %swap3A_376 = arith.constant 592 : index
    %swap3A_377 = tpu.vector_load %arg11[%swap3A_376] {strides = array<i32>} : memref<640xi32, #tpu.memory_space<vmem>>, vector<16xi32>,
    %swap3A_378 = vector.shape_cast %swap3A_377 : vector<16xi32> to vector<16xi32>
    %swap3A_379 = vector.shape_cast %shift_right_logical3A_375 : vector<16xi32> to vector<16xi32>
    tpu.vector_store %arg11[%swap3A_376], %swap3A_379 {strides = array<i32>} : memref<640xi32, #tpu.memory_space<vmem>>, vector<16xi32>,
    %get3A_380 = arith.constant 608 : index
    %get3A_381 = tpu.vector_load %arg9[%get3A_380] {strides = array<i32>} : memref<640xi32, #tpu.memory_space<vmem>>, vector<16xi32>,
    %get3A_382 = vector.shape_cast %get3A_381 : vector<16xi32> to vector<16xi32>
    %shift_right_logical3A_383 = arith.constant 4 : i32
    %shift_right_logical3A_384 = vector.broadcast %shift_right_logical3A_383 : i32 to vector<16xi32>
    %shift_right_logical3A_385 = arith.shrui %get3A_382, %shift_right_logical3A_384 : vector<16xi32>
    %swap3A_386 = arith.constant 608 : index
    %swap3A_387 = tpu.vector_load %arg11[%swap3A_386] {strides = array<i32>} : memref<640xi32, #tpu.memory_space<vmem>>, vector<16xi32>,
    %swap3A_388 = vector.shape_cast %swap3A_387 : vector<16xi32> to vector<16xi32>
    %swap3A_389 = vector.shape_cast %shift_right_logical3A_385 : vector<16xi32> to vector<16xi32>
    tpu.vector_store %arg11[%swap3A_386], %swap3A_389 {strides = array<i32>} : memref<640xi32, #tpu.memory_space<vmem>>, vector<16xi32>,
    %get3A_390 = arith.constant 624 : index
    %get3A_391 = tpu.vector_load %arg9[%get3A_390] {strides = array<i32>} : memref<640xi32, #tpu.memory_space<vmem>>, vector<16xi32>,
    %get3A_392 = vector.shape_cast %get3A_391 : vector<16xi32> to vector<16xi32>
    %shift_right_logical3A_393 = arith.constant 4 : i32
    %shift_right_logical3A_394 = vector.broadcast %shift_right_logical3A_393 : i32 to vector<16xi32>
    %shift_right_logical3A_395 = arith.shrui %get3A_392, %shift_right_logical3A_394 : vector<16xi32>
    %swap3A_396 = arith.constant 624 : index
    %swap3A_397 = tpu.vector_load %arg11[%swap3A_396] {strides = array<i32>} : memref<640xi32, #tpu.memory_space<vmem>>, vector<16xi32>,
    %swap3A_398 = vector.shape_cast %swap3A_397 : vector<16xi32> to vector<16xi32>
    %swap3A_399 = vector.shape_cast %shift_right_logical3A_395 : vector<16xi32> to vector<16xi32>
    tpu.vector_store %arg11[%swap3A_396], %swap3A_399 {strides = array<i32>} : memref<640xi32, #tpu.memory_space<vmem>>, vector<16xi32>,
    %dma_start3A = arith.constant 0 : i32
    %dma_start3A_400 = arith.constant 0 : i32
    %dma_start3A_401 = tpu.memref_slice %arg12[%dma_start3A, %dma_start3A_400] : memref<640x32xf32, #tpu.memory_space<vmem>> -> memref<128x32xf32, #tpu.memory_space<vmem>>
    %dma_start3A_402 = arith.constant 0 : i32
    %dma_start3A_403 = tpu.memref_slice %arg9[%dma_start3A_402] : memref<640xi32, #tpu.memory_space<vmem>> -> memref<128xi32, #tpu.memory_space<vmem>>
    %dma_start3A_404 = arith.constant 0 : i32
    %dma_start3A_405 = arith.constant 0 : i32
    %dma_start3A_406 = tpu.memref_slice %arg4[%dma_start3A_404, %dma_start3A_405] : memref<100000x32xf32, #tpu.memory_space<hbm>> -> memref<100000x32xf32, #tpu.memory_space<hbm>>
    tpu.enqueue_indirect_dma source(%dma_start3A_406 : memref<100000x32xf32, #tpu.memory_space<hbm>>) target(%dma_start3A_401 : memref<128x32xf32, #tpu.memory_space<vmem>>) offsets(%dma_start3A_403 : memref<128xi32, #tpu.memory_space<vmem>>) semaphore(%arg15 : memref<!tpu.dma_semaphore, #tpu.memory_space<semaphore_mem>>)
    %dma_start3A_407 = arith.constant 0 : i32
    %dma_start3A_408 = arith.constant 0 : i32
    %dma_start3A_409 = tpu.memref_slice %arg13[%dma_start3A_407, %dma_start3A_408] : memref<640x32xf32, #tpu.memory_space<vmem>> -> memref<128x32xf32, #tpu.memory_space<vmem>>
    %dma_start3A_410 = arith.constant 0 : i32
    %dma_start3A_411 = tpu.memref_slice %arg10[%dma_start3A_410] : memref<640xi32, #tpu.memory_space<vmem>> -> memref<128xi32, #tpu.memory_space<vmem>>
    %dma_start3A_412 = arith.constant 0 : i32
    %dma_start3A_413 = arith.constant 0 : i32
    %dma_start3A_414 = tpu.memref_slice %arg4[%dma_start3A_412, %dma_start3A_413] : memref<100000x32xf32, #tpu.memory_space<hbm>> -> memref<100000x32xf32, #tpu.memory_space<hbm>>
    tpu.enqueue_indirect_dma source(%dma_start3A_414 : memref<100000x32xf32, #tpu.memory_space<hbm>>) target(%dma_start3A_409 : memref<128x32xf32, #tpu.memory_space<vmem>>) offsets(%dma_start3A_411 : memref<128xi32, #tpu.memory_space<vmem>>) semaphore(%arg15 : memref<!tpu.dma_semaphore, #tpu.memory_space<semaphore_mem>>)
    %dma_start3A_415 = arith.constant 0 : i32
    %dma_start3A_416 = arith.constant 0 : i32
    %dma_start3A_417 = tpu.memref_slice %arg14[%dma_start3A_415, %dma_start3A_416] : memref<640x16xf32, #tpu.memory_space<vmem>> -> memref<128x16xf32, #tpu.memory_space<vmem>>
    %dma_start3A_418 = arith.constant 0 : i32
    %dma_start3A_419 = tpu.memref_slice %arg11[%dma_start3A_418] : memref<640xi32, #tpu.memory_space<vmem>> -> memref<128xi32, #tpu.memory_space<vmem>>
    %dma_start3A_420 = arith.constant 0 : i32
    %dma_start3A_421 = arith.constant 0 : i32
    %dma_start3A_422 = tpu.memref_slice %arg5[%dma_start3A_420, %dma_start3A_421] : memref<6250x16xf32, #tpu.memory_space<hbm>> -> memref<6250x16xf32, #tpu.memory_space<hbm>>
    tpu.enqueue_indirect_dma source(%dma_start3A_422 : memref<6250x16xf32, #tpu.memory_space<hbm>>) target(%dma_start3A_417 : memref<128x16xf32, #tpu.memory_space<vmem>>) offsets(%dma_start3A_419 : memref<128xi32, #tpu.memory_space<vmem>>) semaphore(%arg15 : memref<!tpu.dma_semaphore, #tpu.memory_space<semaphore_mem>>)
    %dma_start3A_423 = arith.constant 128 : i32
    %dma_start3A_424 = arith.constant 0 : i32
    %dma_start3A_425 = tpu.memref_slice %arg12[%dma_start3A_423, %dma_start3A_424] : memref<640x32xf32, #tpu.memory_space<vmem>> -> memref<128x32xf32, #tpu.memory_space<vmem>>
    %dma_start3A_426 = arith.constant 128 : i32
    %dma_start3A_427 = tpu.memref_slice %arg9[%dma_start3A_426] : memref<640xi32, #tpu.memory_space<vmem>> -> memref<128xi32, #tpu.memory_space<vmem>>
    %dma_start3A_428 = arith.constant 0 : i32
    %dma_start3A_429 = arith.constant 0 : i32
    %dma_start3A_430 = tpu.memref_slice %arg4[%dma_start3A_428, %dma_start3A_429] : memref<100000x32xf32, #tpu.memory_space<hbm>> -> memref<100000x32xf32, #tpu.memory_space<hbm>>
    tpu.enqueue_indirect_dma source(%dma_start3A_430 : memref<100000x32xf32, #tpu.memory_space<hbm>>) target(%dma_start3A_425 : memref<128x32xf32, #tpu.memory_space<vmem>>) offsets(%dma_start3A_427 : memref<128xi32, #tpu.memory_space<vmem>>) semaphore(%arg15 : memref<!tpu.dma_semaphore, #tpu.memory_space<semaphore_mem>>)
    %dma_start3A_431 = arith.constant 128 : i32
    %dma_start3A_432 = arith.constant 0 : i32
    %dma_start3A_433 = tpu.memref_slice %arg13[%dma_start3A_431, %dma_start3A_432] : memref<640x32xf32, #tpu.memory_space<vmem>> -> memref<128x32xf32, #tpu.memory_space<vmem>>
    %dma_start3A_434 = arith.constant 128 : i32
    %dma_start3A_435 = tpu.memref_slice %arg10[%dma_start3A_434] : memref<640xi32, #tpu.memory_space<vmem>> -> memref<128xi32, #tpu.memory_space<vmem>>
    %dma_start3A_436 = arith.constant 0 : i32
    %dma_start3A_437 = arith.constant 0 : i32
    %dma_start3A_438 = tpu.memref_slice %arg4[%dma_start3A_436, %dma_start3A_437] : memref<100000x32xf32, #tpu.memory_space<hbm>> -> memref<100000x32xf32, #tpu.memory_space<hbm>>
    tpu.enqueue_indirect_dma source(%dma_start3A_438 : memref<100000x32xf32, #tpu.memory_space<hbm>>) target(%dma_start3A_433 : memref<128x32xf32, #tpu.memory_space<vmem>>) offsets(%dma_start3A_435 : memref<128xi32, #tpu.memory_space<vmem>>) semaphore(%arg15 : memref<!tpu.dma_semaphore, #tpu.memory_space<semaphore_mem>>)
    %dma_start3A_439 = arith.constant 128 : i32
    %dma_start3A_440 = arith.constant 0 : i32
    %dma_start3A_441 = tpu.memref_slice %arg14[%dma_start3A_439, %dma_start3A_440] : memref<640x16xf32, #tpu.memory_space<vmem>> -> memref<128x16xf32, #tpu.memory_space<vmem>>
    %dma_start3A_442 = arith.constant 128 : i32
    %dma_start3A_443 = tpu.memref_slice %arg11[%dma_start3A_442] : memref<640xi32, #tpu.memory_space<vmem>> -> memref<128xi32, #tpu.memory_space<vmem>>
    %dma_start3A_444 = arith.constant 0 : i32
    %dma_start3A_445 = arith.constant 0 : i32
    %dma_start3A_446 = tpu.memref_slice %arg5[%dma_start3A_444, %dma_start3A_445] : memref<6250x16xf32, #tpu.memory_space<hbm>> -> memref<6250x16xf32, #tpu.memory_space<hbm>>
    tpu.enqueue_indirect_dma source(%dma_start3A_446 : memref<6250x16xf32, #tpu.memory_space<hbm>>) target(%dma_start3A_441 : memref<128x16xf32, #tpu.memory_space<vmem>>) offsets(%dma_start3A_443 : memref<128xi32, #tpu.memory_space<vmem>>) semaphore(%arg15 : memref<!tpu.dma_semaphore, #tpu.memory_space<semaphore_mem>>)
    %dma_start3A_447 = arith.constant 256 : i32
    %dma_start3A_448 = arith.constant 0 : i32
    %dma_start3A_449 = tpu.memref_slice %arg12[%dma_start3A_447, %dma_start3A_448] : memref<640x32xf32, #tpu.memory_space<vmem>> -> memref<128x32xf32, #tpu.memory_space<vmem>>
    %dma_start3A_450 = arith.constant 256 : i32
    %dma_start3A_451 = tpu.memref_slice %arg9[%dma_start3A_450] : memref<640xi32, #tpu.memory_space<vmem>> -> memref<128xi32, #tpu.memory_space<vmem>>
    %dma_start3A_452 = arith.constant 0 : i32
    %dma_start3A_453 = arith.constant 0 : i32
    %dma_start3A_454 = tpu.memref_slice %arg4[%dma_start3A_452, %dma_start3A_453] : memref<100000x32xf32, #tpu.memory_space<hbm>> -> memref<100000x32xf32, #tpu.memory_space<hbm>>
    tpu.enqueue_indirect_dma source(%dma_start3A_454 : memref<100000x32xf32, #tpu.memory_space<hbm>>) target(%dma_start3A_449 : memref<128x32xf32, #tpu.memory_space<vmem>>) offsets(%dma_start3A_451 : memref<128xi32, #tpu.memory_space<vmem>>) semaphore(%arg15 : memref<!tpu.dma_semaphore, #tpu.memory_space<semaphore_mem>>)
    %dma_start3A_455 = arith.constant 256 : i32
    %dma_start3A_456 = arith.constant 0 : i32
    %dma_start3A_457 = tpu.memref_slice %arg13[%dma_start3A_455, %dma_start3A_456] : memref<640x32xf32, #tpu.memory_space<vmem>> -> memref<128x32xf32, #tpu.memory_space<vmem>>
    %dma_start3A_458 = arith.constant 256 : i32
    %dma_start3A_459 = tpu.memref_slice %arg10[%dma_start3A_458] : memref<640xi32, #tpu.memory_space<vmem>> -> memref<128xi32, #tpu.memory_space<vmem>>
    %dma_start3A_460 = arith.constant 0 : i32
    %dma_start3A_461 = arith.constant 0 : i32
    %dma_start3A_462 = tpu.memref_slice %arg4[%dma_start3A_460, %dma_start3A_461] : memref<100000x32xf32, #tpu.memory_space<hbm>> -> memref<100000x32xf32, #tpu.memory_space<hbm>>
    tpu.enqueue_indirect_dma source(%dma_start3A_462 : memref<100000x32xf32, #tpu.memory_space<hbm>>) target(%dma_start3A_457 : memref<128x32xf32, #tpu.memory_space<vmem>>) offsets(%dma_start3A_459 : memref<128xi32, #tpu.memory_space<vmem>>) semaphore(%arg15 : memref<!tpu.dma_semaphore, #tpu.memory_space<semaphore_mem>>)
    %dma_start3A_463 = arith.constant 256 : i32
    %dma_start3A_464 = arith.constant 0 : i32
    %dma_start3A_465 = tpu.memref_slice %arg14[%dma_start3A_463, %dma_start3A_464] : memref<640x16xf32, #tpu.memory_space<vmem>> -> memref<128x16xf32, #tpu.memory_space<vmem>>
    %dma_start3A_466 = arith.constant 256 : i32
    %dma_start3A_467 = tpu.memref_slice %arg11[%dma_start3A_466] : memref<640xi32, #tpu.memory_space<vmem>> -> memref<128xi32, #tpu.memory_space<vmem>>
    %dma_start3A_468 = arith.constant 0 : i32
    %dma_start3A_469 = arith.constant 0 : i32
    %dma_start3A_470 = tpu.memref_slice %arg5[%dma_start3A_468, %dma_start3A_469] : memref<6250x16xf32, #tpu.memory_space<hbm>> -> memref<6250x16xf32, #tpu.memory_space<hbm>>
    tpu.enqueue_indirect_dma source(%dma_start3A_470 : memref<6250x16xf32, #tpu.memory_space<hbm>>) target(%dma_start3A_465 : memref<128x16xf32, #tpu.memory_space<vmem>>) offsets(%dma_start3A_467 : memref<128xi32, #tpu.memory_space<vmem>>) semaphore(%arg15 : memref<!tpu.dma_semaphore, #tpu.memory_space<semaphore_mem>>)
    %dma_start3A_471 = arith.constant 384 : i32
    %dma_start3A_472 = arith.constant 0 : i32
    %dma_start3A_473 = tpu.memref_slice %arg12[%dma_start3A_471, %dma_start3A_472] : memref<640x32xf32, #tpu.memory_space<vmem>> -> memref<128x32xf32, #tpu.memory_space<vmem>>
    %dma_start3A_474 = arith.constant 384 : i32
    %dma_start3A_475 = tpu.memref_slice %arg9[%dma_start3A_474] : memref<640xi32, #tpu.memory_space<vmem>> -> memref<128xi32, #tpu.memory_space<vmem>>
    %dma_start3A_476 = arith.constant 0 : i32
    %dma_start3A_477 = arith.constant 0 : i32
    %dma_start3A_478 = tpu.memref_slice %arg4[%dma_start3A_476, %dma_start3A_477] : memref<100000x32xf32, #tpu.memory_space<hbm>> -> memref<100000x32xf32, #tpu.memory_space<hbm>>
    tpu.enqueue_indirect_dma source(%dma_start3A_478 : memref<100000x32xf32, #tpu.memory_space<hbm>>) target(%dma_start3A_473 : memref<128x32xf32, #tpu.memory_space<vmem>>) offsets(%dma_start3A_475 : memref<128xi32, #tpu.memory_space<vmem>>) semaphore(%arg15 : memref<!tpu.dma_semaphore, #tpu.memory_space<semaphore_mem>>)
    %dma_start3A_479 = arith.constant 384 : i32
    %dma_start3A_480 = arith.constant 0 : i32
    %dma_start3A_481 = tpu.memref_slice %arg13[%dma_start3A_479, %dma_start3A_480] : memref<640x32xf32, #tpu.memory_space<vmem>> -> memref<128x32xf32, #tpu.memory_space<vmem>>
    %dma_start3A_482 = arith.constant 384 : i32
    %dma_start3A_483 = tpu.memref_slice %arg10[%dma_start3A_482] : memref<640xi32, #tpu.memory_space<vmem>> -> memref<128xi32, #tpu.memory_space<vmem>>
    %dma_start3A_484 = arith.constant 0 : i32
    %dma_start3A_485 = arith.constant 0 : i32
    %dma_start3A_486 = tpu.memref_slice %arg4[%dma_start3A_484, %dma_start3A_485] : memref<100000x32xf32, #tpu.memory_space<hbm>> -> memref<100000x32xf32, #tpu.memory_space<hbm>>
    tpu.enqueue_indirect_dma source(%dma_start3A_486 : memref<100000x32xf32, #tpu.memory_space<hbm>>) target(%dma_start3A_481 : memref<128x32xf32, #tpu.memory_space<vmem>>) offsets(%dma_start3A_483 : memref<128xi32, #tpu.memory_space<vmem>>) semaphore(%arg15 : memref<!tpu.dma_semaphore, #tpu.memory_space<semaphore_mem>>)
    %dma_start3A_487 = arith.constant 384 : i32
    %dma_start3A_488 = arith.constant 0 : i32
    %dma_start3A_489 = tpu.memref_slice %arg14[%dma_start3A_487, %dma_start3A_488] : memref<640x16xf32, #tpu.memory_space<vmem>> -> memref<128x16xf32, #tpu.memory_space<vmem>>
    %dma_start3A_490 = arith.constant 384 : i32
    %dma_start3A_491 = tpu.memref_slice %arg11[%dma_start3A_490] : memref<640xi32, #tpu.memory_space<vmem>> -> memref<128xi32, #tpu.memory_space<vmem>>
    %dma_start3A_492 = arith.constant 0 : i32
    %dma_start3A_493 = arith.constant 0 : i32
    %dma_start3A_494 = tpu.memref_slice %arg5[%dma_start3A_492, %dma_start3A_493] : memref<6250x16xf32, #tpu.memory_space<hbm>> -> memref<6250x16xf32, #tpu.memory_space<hbm>>
    tpu.enqueue_indirect_dma source(%dma_start3A_494 : memref<6250x16xf32, #tpu.memory_space<hbm>>) target(%dma_start3A_489 : memref<128x16xf32, #tpu.memory_space<vmem>>) offsets(%dma_start3A_491 : memref<128xi32, #tpu.memory_space<vmem>>) semaphore(%arg15 : memref<!tpu.dma_semaphore, #tpu.memory_space<semaphore_mem>>)
    %dma_start3A_495 = arith.constant 512 : i32
    %dma_start3A_496 = arith.constant 0 : i32
    %dma_start3A_497 = tpu.memref_slice %arg12[%dma_start3A_495, %dma_start3A_496] : memref<640x32xf32, #tpu.memory_space<vmem>> -> memref<128x32xf32, #tpu.memory_space<vmem>>
    %dma_start3A_498 = arith.constant 512 : i32
    %dma_start3A_499 = tpu.memref_slice %arg9[%dma_start3A_498] : memref<640xi32, #tpu.memory_space<vmem>> -> memref<128xi32, #tpu.memory_space<vmem>>
    %dma_start3A_500 = arith.constant 0 : i32
    %dma_start3A_501 = arith.constant 0 : i32
    %dma_start3A_502 = tpu.memref_slice %arg4[%dma_start3A_500, %dma_start3A_501] : memref<100000x32xf32, #tpu.memory_space<hbm>> -> memref<100000x32xf32, #tpu.memory_space<hbm>>
    tpu.enqueue_indirect_dma source(%dma_start3A_502 : memref<100000x32xf32, #tpu.memory_space<hbm>>) target(%dma_start3A_497 : memref<128x32xf32, #tpu.memory_space<vmem>>) offsets(%dma_start3A_499 : memref<128xi32, #tpu.memory_space<vmem>>) semaphore(%arg15 : memref<!tpu.dma_semaphore, #tpu.memory_space<semaphore_mem>>)
    %dma_start3A_503 = arith.constant 512 : i32
    %dma_start3A_504 = arith.constant 0 : i32
    %dma_start3A_505 = tpu.memref_slice %arg13[%dma_start3A_503, %dma_start3A_504] : memref<640x32xf32, #tpu.memory_space<vmem>> -> memref<128x32xf32, #tpu.memory_space<vmem>>
    %dma_start3A_506 = arith.constant 512 : i32
    %dma_start3A_507 = tpu.memref_slice %arg10[%dma_start3A_506] : memref<640xi32, #tpu.memory_space<vmem>> -> memref<128xi32, #tpu.memory_space<vmem>>
    %dma_start3A_508 = arith.constant 0 : i32
    %dma_start3A_509 = arith.constant 0 : i32
    %dma_start3A_510 = tpu.memref_slice %arg4[%dma_start3A_508, %dma_start3A_509] : memref<100000x32xf32, #tpu.memory_space<hbm>> -> memref<100000x32xf32, #tpu.memory_space<hbm>>
    tpu.enqueue_indirect_dma source(%dma_start3A_510 : memref<100000x32xf32, #tpu.memory_space<hbm>>) target(%dma_start3A_505 : memref<128x32xf32, #tpu.memory_space<vmem>>) offsets(%dma_start3A_507 : memref<128xi32, #tpu.memory_space<vmem>>) semaphore(%arg15 : memref<!tpu.dma_semaphore, #tpu.memory_space<semaphore_mem>>)
    %dma_start3A_511 = arith.constant 512 : i32
    %dma_start3A_512 = arith.constant 0 : i32
    %dma_start3A_513 = tpu.memref_slice %arg14[%dma_start3A_511, %dma_start3A_512] : memref<640x16xf32, #tpu.memory_space<vmem>> -> memref<128x16xf32, #tpu.memory_space<vmem>>
    %dma_start3A_514 = arith.constant 512 : i32
    %dma_start3A_515 = tpu.memref_slice %arg11[%dma_start3A_514] : memref<640xi32, #tpu.memory_space<vmem>> -> memref<128xi32, #tpu.memory_space<vmem>>
    %dma_start3A_516 = arith.constant 0 : i32
    %dma_start3A_517 = arith.constant 0 : i32
    %dma_start3A_518 = tpu.memref_slice %arg5[%dma_start3A_516, %dma_start3A_517] : memref<6250x16xf32, #tpu.memory_space<hbm>> -> memref<6250x16xf32, #tpu.memory_space<hbm>>
    tpu.enqueue_indirect_dma source(%dma_start3A_518 : memref<6250x16xf32, #tpu.memory_space<hbm>>) target(%dma_start3A_513 : memref<128x16xf32, #tpu.memory_space<vmem>>) offsets(%dma_start3A_515 : memref<128xi32, #tpu.memory_space<vmem>>) semaphore(%arg15 : memref<!tpu.dma_semaphore, #tpu.memory_space<semaphore_mem>>)
    %dma_wait3A = arith.constant 0 : i32
    %dma_wait3A_519 = arith.constant 0 : i32
    %dma_wait3A_520 = tpu.memref_slice %arg12[%dma_wait3A, %dma_wait3A_519] : memref<640x32xf32, #tpu.memory_space<vmem>> -> memref<128x32xf32, #tpu.memory_space<vmem>>
    %dma_wait3A_521 = arith.constant 0 : i32
    %dma_wait3A_522 = tpu.memref_slice %arg9[%dma_wait3A_521] : memref<640xi32, #tpu.memory_space<vmem>> -> memref<128xi32, #tpu.memory_space<vmem>>
    %dma_wait3A_523 = arith.constant 0 : i32
    %dma_wait3A_524 = arith.constant 0 : i32
    %dma_wait3A_525 = tpu.memref_slice %arg4[%dma_wait3A_523, %dma_wait3A_524] : memref<100000x32xf32, #tpu.memory_space<hbm>> -> memref<100000x32xf32, #tpu.memory_space<hbm>>
    tpu.wait_indirect_dma semaphore(%arg15 : memref<!tpu.dma_semaphore, #tpu.memory_space<semaphore_mem>>) src(%dma_wait3A_525 : memref<100000x32xf32, #tpu.memory_space<hbm>>) dst(%dma_wait3A_520 : memref<128x32xf32, #tpu.memory_space<vmem>>)
    %dma_wait3A_526 = arith.constant 0 : i32
    %dma_wait3A_527 = arith.constant 0 : i32
    %dma_wait3A_528 = tpu.memref_slice %arg13[%dma_wait3A_526, %dma_wait3A_527] : memref<640x32xf32, #tpu.memory_space<vmem>> -> memref<128x32xf32, #tpu.memory_space<vmem>>
    %dma_wait3A_529 = arith.constant 0 : i32
    %dma_wait3A_530 = tpu.memref_slice %arg10[%dma_wait3A_529] : memref<640xi32, #tpu.memory_space<vmem>> -> memref<128xi32, #tpu.memory_space<vmem>>
    %dma_wait3A_531 = arith.constant 0 : i32
    %dma_wait3A_532 = arith.constant 0 : i32
    %dma_wait3A_533 = tpu.memref_slice %arg4[%dma_wait3A_531, %dma_wait3A_532] : memref<100000x32xf32, #tpu.memory_space<hbm>> -> memref<100000x32xf32, #tpu.memory_space<hbm>>
    tpu.wait_indirect_dma semaphore(%arg15 : memref<!tpu.dma_semaphore, #tpu.memory_space<semaphore_mem>>) src(%dma_wait3A_533 : memref<100000x32xf32, #tpu.memory_space<hbm>>) dst(%dma_wait3A_528 : memref<128x32xf32, #tpu.memory_space<vmem>>)
    %dma_wait3A_534 = arith.constant 0 : i32
    %dma_wait3A_535 = arith.constant 0 : i32
    %dma_wait3A_536 = tpu.memref_slice %arg14[%dma_wait3A_534, %dma_wait3A_535] : memref<640x16xf32, #tpu.memory_space<vmem>> -> memref<128x16xf32, #tpu.memory_space<vmem>>
    %dma_wait3A_537 = arith.constant 0 : i32
    %dma_wait3A_538 = tpu.memref_slice %arg11[%dma_wait3A_537] : memref<640xi32, #tpu.memory_space<vmem>> -> memref<128xi32, #tpu.memory_space<vmem>>
    %dma_wait3A_539 = arith.constant 0 : i32
    %dma_wait3A_540 = arith.constant 0 : i32
    %dma_wait3A_541 = tpu.memref_slice %arg5[%dma_wait3A_539, %dma_wait3A_540] : memref<6250x16xf32, #tpu.memory_space<hbm>> -> memref<6250x16xf32, #tpu.memory_space<hbm>>
    tpu.wait_indirect_dma semaphore(%arg15 : memref<!tpu.dma_semaphore, #tpu.memory_space<semaphore_mem>>) src(%dma_wait3A_541 : memref<6250x16xf32, #tpu.memory_space<hbm>>) dst(%dma_wait3A_536 : memref<128x16xf32, #tpu.memory_space<vmem>>)
    %dma_wait3A_542 = arith.constant 128 : i32
    %dma_wait3A_543 = arith.constant 0 : i32
    %dma_wait3A_544 = tpu.memref_slice %arg12[%dma_wait3A_542, %dma_wait3A_543] : memref<640x32xf32, #tpu.memory_space<vmem>> -> memref<128x32xf32, #tpu.memory_space<vmem>>
    %dma_wait3A_545 = arith.constant 128 : i32
    %dma_wait3A_546 = tpu.memref_slice %arg9[%dma_wait3A_545] : memref<640xi32, #tpu.memory_space<vmem>> -> memref<128xi32, #tpu.memory_space<vmem>>
    %dma_wait3A_547 = arith.constant 0 : i32
    %dma_wait3A_548 = arith.constant 0 : i32
    %dma_wait3A_549 = tpu.memref_slice %arg4[%dma_wait3A_547, %dma_wait3A_548] : memref<100000x32xf32, #tpu.memory_space<hbm>> -> memref<100000x32xf32, #tpu.memory_space<hbm>>
    tpu.wait_indirect_dma semaphore(%arg15 : memref<!tpu.dma_semaphore, #tpu.memory_space<semaphore_mem>>) src(%dma_wait3A_549 : memref<100000x32xf32, #tpu.memory_space<hbm>>) dst(%dma_wait3A_544 : memref<128x32xf32, #tpu.memory_space<vmem>>)
    %dma_wait3A_550 = arith.constant 128 : i32
    %dma_wait3A_551 = arith.constant 0 : i32
    %dma_wait3A_552 = tpu.memref_slice %arg13[%dma_wait3A_550, %dma_wait3A_551] : memref<640x32xf32, #tpu.memory_space<vmem>> -> memref<128x32xf32, #tpu.memory_space<vmem>>
    %dma_wait3A_553 = arith.constant 128 : i32
    %dma_wait3A_554 = tpu.memref_slice %arg10[%dma_wait3A_553] : memref<640xi32, #tpu.memory_space<vmem>> -> memref<128xi32, #tpu.memory_space<vmem>>
    %dma_wait3A_555 = arith.constant 0 : i32
    %dma_wait3A_556 = arith.constant 0 : i32
    %dma_wait3A_557 = tpu.memref_slice %arg4[%dma_wait3A_555, %dma_wait3A_556] : memref<100000x32xf32, #tpu.memory_space<hbm>> -> memref<100000x32xf32, #tpu.memory_space<hbm>>
    tpu.wait_indirect_dma semaphore(%arg15 : memref<!tpu.dma_semaphore, #tpu.memory_space<semaphore_mem>>) src(%dma_wait3A_557 : memref<100000x32xf32, #tpu.memory_space<hbm>>) dst(%dma_wait3A_552 : memref<128x32xf32, #tpu.memory_space<vmem>>)
    %dma_wait3A_558 = arith.constant 128 : i32
    %dma_wait3A_559 = arith.constant 0 : i32
    %dma_wait3A_560 = tpu.memref_slice %arg14[%dma_wait3A_558, %dma_wait3A_559] : memref<640x16xf32, #tpu.memory_space<vmem>> -> memref<128x16xf32, #tpu.memory_space<vmem>>
    %dma_wait3A_561 = arith.constant 128 : i32
    %dma_wait3A_562 = tpu.memref_slice %arg11[%dma_wait3A_561] : memref<640xi32, #tpu.memory_space<vmem>> -> memref<128xi32, #tpu.memory_space<vmem>>
    %dma_wait3A_563 = arith.constant 0 : i32
    %dma_wait3A_564 = arith.constant 0 : i32
    %dma_wait3A_565 = tpu.memref_slice %arg5[%dma_wait3A_563, %dma_wait3A_564] : memref<6250x16xf32, #tpu.memory_space<hbm>> -> memref<6250x16xf32, #tpu.memory_space<hbm>>
    tpu.wait_indirect_dma semaphore(%arg15 : memref<!tpu.dma_semaphore, #tpu.memory_space<semaphore_mem>>) src(%dma_wait3A_565 : memref<6250x16xf32, #tpu.memory_space<hbm>>) dst(%dma_wait3A_560 : memref<128x16xf32, #tpu.memory_space<vmem>>)
    %dma_wait3A_566 = arith.constant 256 : i32
    %dma_wait3A_567 = arith.constant 0 : i32
    %dma_wait3A_568 = tpu.memref_slice %arg12[%dma_wait3A_566, %dma_wait3A_567] : memref<640x32xf32, #tpu.memory_space<vmem>> -> memref<128x32xf32, #tpu.memory_space<vmem>>
    %dma_wait3A_569 = arith.constant 256 : i32
    %dma_wait3A_570 = tpu.memref_slice %arg9[%dma_wait3A_569] : memref<640xi32, #tpu.memory_space<vmem>> -> memref<128xi32, #tpu.memory_space<vmem>>
    %dma_wait3A_571 = arith.constant 0 : i32
    %dma_wait3A_572 = arith.constant 0 : i32
    %dma_wait3A_573 = tpu.memref_slice %arg4[%dma_wait3A_571, %dma_wait3A_572] : memref<100000x32xf32, #tpu.memory_space<hbm>> -> memref<100000x32xf32, #tpu.memory_space<hbm>>
    tpu.wait_indirect_dma semaphore(%arg15 : memref<!tpu.dma_semaphore, #tpu.memory_space<semaphore_mem>>) src(%dma_wait3A_573 : memref<100000x32xf32, #tpu.memory_space<hbm>>) dst(%dma_wait3A_568 : memref<128x32xf32, #tpu.memory_space<vmem>>)
    %dma_wait3A_574 = arith.constant 256 : i32
    %dma_wait3A_575 = arith.constant 0 : i32
    %dma_wait3A_576 = tpu.memref_slice %arg13[%dma_wait3A_574, %dma_wait3A_575] : memref<640x32xf32, #tpu.memory_space<vmem>> -> memref<128x32xf32, #tpu.memory_space<vmem>>
    %dma_wait3A_577 = arith.constant 256 : i32
    %dma_wait3A_578 = tpu.memref_slice %arg10[%dma_wait3A_577] : memref<640xi32, #tpu.memory_space<vmem>> -> memref<128xi32, #tpu.memory_space<vmem>>
    %dma_wait3A_579 = arith.constant 0 : i32
    %dma_wait3A_580 = arith.constant 0 : i32
    %dma_wait3A_581 = tpu.memref_slice %arg4[%dma_wait3A_579, %dma_wait3A_580] : memref<100000x32xf32, #tpu.memory_space<hbm>> -> memref<100000x32xf32, #tpu.memory_space<hbm>>
    tpu.wait_indirect_dma semaphore(%arg15 : memref<!tpu.dma_semaphore, #tpu.memory_space<semaphore_mem>>) src(%dma_wait3A_581 : memref<100000x32xf32, #tpu.memory_space<hbm>>) dst(%dma_wait3A_576 : memref<128x32xf32, #tpu.memory_space<vmem>>)
    %dma_wait3A_582 = arith.constant 256 : i32
    %dma_wait3A_583 = arith.constant 0 : i32
    %dma_wait3A_584 = tpu.memref_slice %arg14[%dma_wait3A_582, %dma_wait3A_583] : memref<640x16xf32, #tpu.memory_space<vmem>> -> memref<128x16xf32, #tpu.memory_space<vmem>>
    %dma_wait3A_585 = arith.constant 256 : i32
    %dma_wait3A_586 = tpu.memref_slice %arg11[%dma_wait3A_585] : memref<640xi32, #tpu.memory_space<vmem>> -> memref<128xi32, #tpu.memory_space<vmem>>
    %dma_wait3A_587 = arith.constant 0 : i32
    %dma_wait3A_588 = arith.constant 0 : i32
    %dma_wait3A_589 = tpu.memref_slice %arg5[%dma_wait3A_587, %dma_wait3A_588] : memref<6250x16xf32, #tpu.memory_space<hbm>> -> memref<6250x16xf32, #tpu.memory_space<hbm>>
    tpu.wait_indirect_dma semaphore(%arg15 : memref<!tpu.dma_semaphore, #tpu.memory_space<semaphore_mem>>) src(%dma_wait3A_589 : memref<6250x16xf32, #tpu.memory_space<hbm>>) dst(%dma_wait3A_584 : memref<128x16xf32, #tpu.memory_space<vmem>>)
    %dma_wait3A_590 = arith.constant 384 : i32
    %dma_wait3A_591 = arith.constant 0 : i32
    %dma_wait3A_592 = tpu.memref_slice %arg12[%dma_wait3A_590, %dma_wait3A_591] : memref<640x32xf32, #tpu.memory_space<vmem>> -> memref<128x32xf32, #tpu.memory_space<vmem>>
    %dma_wait3A_593 = arith.constant 384 : i32
    %dma_wait3A_594 = tpu.memref_slice %arg9[%dma_wait3A_593] : memref<640xi32, #tpu.memory_space<vmem>> -> memref<128xi32, #tpu.memory_space<vmem>>
    %dma_wait3A_595 = arith.constant 0 : i32
    %dma_wait3A_596 = arith.constant 0 : i32
    %dma_wait3A_597 = tpu.memref_slice %arg4[%dma_wait3A_595, %dma_wait3A_596] : memref<100000x32xf32, #tpu.memory_space<hbm>> -> memref<100000x32xf32, #tpu.memory_space<hbm>>
    tpu.wait_indirect_dma semaphore(%arg15 : memref<!tpu.dma_semaphore, #tpu.memory_space<semaphore_mem>>) src(%dma_wait3A_597 : memref<100000x32xf32, #tpu.memory_space<hbm>>) dst(%dma_wait3A_592 : memref<128x32xf32, #tpu.memory_space<vmem>>)
    %dma_wait3A_598 = arith.constant 384 : i32
    %dma_wait3A_599 = arith.constant 0 : i32
    %dma_wait3A_600 = tpu.memref_slice %arg13[%dma_wait3A_598, %dma_wait3A_599] : memref<640x32xf32, #tpu.memory_space<vmem>> -> memref<128x32xf32, #tpu.memory_space<vmem>>
    %dma_wait3A_601 = arith.constant 384 : i32
    %dma_wait3A_602 = tpu.memref_slice %arg10[%dma_wait3A_601] : memref<640xi32, #tpu.memory_space<vmem>> -> memref<128xi32, #tpu.memory_space<vmem>>
    %dma_wait3A_603 = arith.constant 0 : i32
    %dma_wait3A_604 = arith.constant 0 : i32
    %dma_wait3A_605 = tpu.memref_slice %arg4[%dma_wait3A_603, %dma_wait3A_604] : memref<100000x32xf32, #tpu.memory_space<hbm>> -> memref<100000x32xf32, #tpu.memory_space<hbm>>
    tpu.wait_indirect_dma semaphore(%arg15 : memref<!tpu.dma_semaphore, #tpu.memory_space<semaphore_mem>>) src(%dma_wait3A_605 : memref<100000x32xf32, #tpu.memory_space<hbm>>) dst(%dma_wait3A_600 : memref<128x32xf32, #tpu.memory_space<vmem>>)
    %dma_wait3A_606 = arith.constant 384 : i32
    %dma_wait3A_607 = arith.constant 0 : i32
    %dma_wait3A_608 = tpu.memref_slice %arg14[%dma_wait3A_606, %dma_wait3A_607] : memref<640x16xf32, #tpu.memory_space<vmem>> -> memref<128x16xf32, #tpu.memory_space<vmem>>
    %dma_wait3A_609 = arith.constant 384 : i32
    %dma_wait3A_610 = tpu.memref_slice %arg11[%dma_wait3A_609] : memref<640xi32, #tpu.memory_space<vmem>> -> memref<128xi32, #tpu.memory_space<vmem>>
    %dma_wait3A_611 = arith.constant 0 : i32
    %dma_wait3A_612 = arith.constant 0 : i32
    %dma_wait3A_613 = tpu.memref_slice %arg5[%dma_wait3A_611, %dma_wait3A_612] : memref<6250x16xf32, #tpu.memory_space<hbm>> -> memref<6250x16xf32, #tpu.memory_space<hbm>>
    tpu.wait_indirect_dma semaphore(%arg15 : memref<!tpu.dma_semaphore, #tpu.memory_space<semaphore_mem>>) src(%dma_wait3A_613 : memref<6250x16xf32, #tpu.memory_space<hbm>>) dst(%dma_wait3A_608 : memref<128x16xf32, #tpu.memory_space<vmem>>)
    %dma_wait3A_614 = arith.constant 512 : i32
    %dma_wait3A_615 = arith.constant 0 : i32
    %dma_wait3A_616 = tpu.memref_slice %arg12[%dma_wait3A_614, %dma_wait3A_615] : memref<640x32xf32, #tpu.memory_space<vmem>> -> memref<128x32xf32, #tpu.memory_space<vmem>>
    %dma_wait3A_617 = arith.constant 512 : i32
    %dma_wait3A_618 = tpu.memref_slice %arg9[%dma_wait3A_617] : memref<640xi32, #tpu.memory_space<vmem>> -> memref<128xi32, #tpu.memory_space<vmem>>
    %dma_wait3A_619 = arith.constant 0 : i32
    %dma_wait3A_620 = arith.constant 0 : i32
    %dma_wait3A_621 = tpu.memref_slice %arg4[%dma_wait3A_619, %dma_wait3A_620] : memref<100000x32xf32, #tpu.memory_space<hbm>> -> memref<100000x32xf32, #tpu.memory_space<hbm>>
    tpu.wait_indirect_dma semaphore(%arg15 : memref<!tpu.dma_semaphore, #tpu.memory_space<semaphore_mem>>) src(%dma_wait3A_621 : memref<100000x32xf32, #tpu.memory_space<hbm>>) dst(%dma_wait3A_616 : memref<128x32xf32, #tpu.memory_space<vmem>>)
    %dma_wait3A_622 = arith.constant 512 : i32
    %dma_wait3A_623 = arith.constant 0 : i32
    %dma_wait3A_624 = tpu.memref_slice %arg13[%dma_wait3A_622, %dma_wait3A_623] : memref<640x32xf32, #tpu.memory_space<vmem>> -> memref<128x32xf32, #tpu.memory_space<vmem>>
    %dma_wait3A_625 = arith.constant 512 : i32
    %dma_wait3A_626 = tpu.memref_slice %arg10[%dma_wait3A_625] : memref<640xi32, #tpu.memory_space<vmem>> -> memref<128xi32, #tpu.memory_space<vmem>>
    %dma_wait3A_627 = arith.constant 0 : i32
    %dma_wait3A_628 = arith.constant 0 : i32
    %dma_wait3A_629 = tpu.memref_slice %arg4[%dma_wait3A_627, %dma_wait3A_628] : memref<100000x32xf32, #tpu.memory_space<hbm>> -> memref<100000x32xf32, #tpu.memory_space<hbm>>
    tpu.wait_indirect_dma semaphore(%arg15 : memref<!tpu.dma_semaphore, #tpu.memory_space<semaphore_mem>>) src(%dma_wait3A_629 : memref<100000x32xf32, #tpu.memory_space<hbm>>) dst(%dma_wait3A_624 : memref<128x32xf32, #tpu.memory_space<vmem>>)
    %dma_wait3A_630 = arith.constant 512 : i32
    %dma_wait3A_631 = arith.constant 0 : i32
    %dma_wait3A_632 = tpu.memref_slice %arg14[%dma_wait3A_630, %dma_wait3A_631] : memref<640x16xf32, #tpu.memory_space<vmem>> -> memref<128x16xf32, #tpu.memory_space<vmem>>
    %dma_wait3A_633 = arith.constant 512 : i32
    %dma_wait3A_634 = tpu.memref_slice %arg11[%dma_wait3A_633] : memref<640xi32, #tpu.memory_space<vmem>> -> memref<128xi32, #tpu.memory_space<vmem>>
    %dma_wait3A_635 = arith.constant 0 : i32
    %dma_wait3A_636 = arith.constant 0 : i32
    %dma_wait3A_637 = tpu.memref_slice %arg5[%dma_wait3A_635, %dma_wait3A_636] : memref<6250x16xf32, #tpu.memory_space<hbm>> -> memref<6250x16xf32, #tpu.memory_space<hbm>>
    tpu.wait_indirect_dma semaphore(%arg15 : memref<!tpu.dma_semaphore, #tpu.memory_space<semaphore_mem>>) src(%dma_wait3A_637 : memref<6250x16xf32, #tpu.memory_space<hbm>>) dst(%dma_wait3A_632 : memref<128x16xf32, #tpu.memory_space<vmem>>)
    "tpu.region"() ({
      %run_scoped3A = tpu.sem_alloc : memref<!tpu.dma_semaphore, #tpu.memory_space<semaphore_mem>>
      %dma_start3A_638 = arith.constant 0 : i32
      %dma_start3A_639 = tpu.memref_slice %arg6[%mul3A_2, %dma_start3A_638] : memref<20480x32xf32, #tpu.memory_space<hbm>> -> memref<640x32xf32, #tpu.memory_space<hbm>>
      %dma_start3A_640 = arith.constant 0 : i32
      %dma_start3A_641 = tpu.memref_slice %arg6[%mul3A_2, %dma_start3A_640] : memref<20480x32xf32, #tpu.memory_space<hbm>> -> memref<640x32xf32, #tpu.memory_space<hbm>>
      tpu.enqueue_dma source(%arg12 : memref<640x32xf32, #tpu.memory_space<vmem>>) target(%dma_start3A_641 : memref<640x32xf32, #tpu.memory_space<hbm>>) target_semaphore(%run_scoped3A : memref<!tpu.dma_semaphore, #tpu.memory_space<semaphore_mem>>)
      %dma_wait3A_642 = arith.constant 0 : i32
      %dma_wait3A_643 = tpu.memref_slice %arg6[%mul3A_2, %dma_wait3A_642] : memref<20480x32xf32, #tpu.memory_space<hbm>> -> memref<640x32xf32, #tpu.memory_space<hbm>>
      %dma_wait3A_644 = arith.constant 0 : i32
      %dma_wait3A_645 = tpu.memref_slice %arg6[%mul3A_2, %dma_wait3A_644] : memref<20480x32xf32, #tpu.memory_space<hbm>> -> memref<640x32xf32, #tpu.memory_space<hbm>>
      tpu.wait_dma2 semaphore(%run_scoped3A : memref<!tpu.dma_semaphore, #tpu.memory_space<semaphore_mem>>) src(%arg12 : memref<640x32xf32, #tpu.memory_space<vmem>>) dst(%dma_wait3A_645 : memref<640x32xf32, #tpu.memory_space<hbm>>)
      tpu.yield
    }) : () -> ()
    "tpu.region"() ({
      %run_scoped3A = tpu.sem_alloc : memref<!tpu.dma_semaphore, #tpu.memory_space<semaphore_mem>>
      %dma_start3A_638 = arith.constant 0 : i32
      %dma_start3A_639 = tpu.memref_slice %arg7[%mul3A_2, %dma_start3A_638] : memref<20480x32xf32, #tpu.memory_space<hbm>> -> memref<640x32xf32, #tpu.memory_space<hbm>>
      %dma_start3A_640 = arith.constant 0 : i32
      %dma_start3A_641 = tpu.memref_slice %arg7[%mul3A_2, %dma_start3A_640] : memref<20480x32xf32, #tpu.memory_space<hbm>> -> memref<640x32xf32, #tpu.memory_space<hbm>>
      tpu.enqueue_dma source(%arg13 : memref<640x32xf32, #tpu.memory_space<vmem>>) target(%dma_start3A_641 : memref<640x32xf32, #tpu.memory_space<hbm>>) target_semaphore(%run_scoped3A : memref<!tpu.dma_semaphore, #tpu.memory_space<semaphore_mem>>)
      %dma_wait3A_642 = arith.constant 0 : i32
      %dma_wait3A_643 = tpu.memref_slice %arg7[%mul3A_2, %dma_wait3A_642] : memref<20480x32xf32, #tpu.memory_space<hbm>> -> memref<640x32xf32, #tpu.memory_space<hbm>>
      %dma_wait3A_644 = arith.constant 0 : i32
      %dma_wait3A_645 = tpu.memref_slice %arg7[%mul3A_2, %dma_wait3A_644] : memref<20480x32xf32, #tpu.memory_space<hbm>> -> memref<640x32xf32, #tpu.memory_space<hbm>>
      tpu.wait_dma2 semaphore(%run_scoped3A : memref<!tpu.dma_semaphore, #tpu.memory_space<semaphore_mem>>) src(%arg13 : memref<640x32xf32, #tpu.memory_space<vmem>>) dst(%dma_wait3A_645 : memref<640x32xf32, #tpu.memory_space<hbm>>)
      tpu.yield
    }) : () -> ()
    "tpu.region"() ({
      %run_scoped3A = tpu.sem_alloc : memref<!tpu.dma_semaphore, #tpu.memory_space<semaphore_mem>>
      %dma_start3A_638 = arith.constant 0 : i32
      %dma_start3A_639 = tpu.memref_slice %arg8[%mul3A_2, %dma_start3A_638] : memref<20480x16xf32, #tpu.memory_space<hbm>> -> memref<640x16xf32, #tpu.memory_space<hbm>>
      %dma_start3A_640 = arith.constant 0 : i32
      %dma_start3A_641 = tpu.memref_slice %arg8[%mul3A_2, %dma_start3A_640] : memref<20480x16xf32, #tpu.memory_space<hbm>> -> memref<640x16xf32, #tpu.memory_space<hbm>>
      tpu.enqueue_dma source(%arg14 : memref<640x16xf32, #tpu.memory_space<vmem>>) target(%dma_start3A_641 : memref<640x16xf32, #tpu.memory_space<hbm>>) target_semaphore(%run_scoped3A : memref<!tpu.dma_semaphore, #tpu.memory_space<semaphore_mem>>)
      %dma_wait3A_642 = arith.constant 0 : i32
      %dma_wait3A_643 = tpu.memref_slice %arg8[%mul3A_2, %dma_wait3A_642] : memref<20480x16xf32, #tpu.memory_space<hbm>> -> memref<640x16xf32, #tpu.memory_space<hbm>>
      %dma_wait3A_644 = arith.constant 0 : i32
      %dma_wait3A_645 = tpu.memref_slice %arg8[%mul3A_2, %dma_wait3A_644] : memref<20480x16xf32, #tpu.memory_space<hbm>> -> memref<640x16xf32, #tpu.memory_space<hbm>>
      tpu.wait_dma2 semaphore(%run_scoped3A : memref<!tpu.dma_semaphore, #tpu.memory_space<semaphore_mem>>) src(%arg14 : memref<640x16xf32, #tpu.memory_space<vmem>>) dst(%dma_wait3A_645 : memref<640x16xf32, #tpu.memory_space<hbm>>)
      tpu.yield
    }) : () -> ()
    return
  }
}

module attributes {stable_mosaic.version = 14 : i64} {
  func.func @_loss_body(%arg0: i32, %arg1: memref<256x32xf32, #tpu.memory_space<vmem>>, %arg2: memref<256x640xf32, #tpu.memory_space<vmem>>, %arg3: memref<256x640xf32, #tpu.memory_space<vmem>>, %arg4: memref<256x640xf32, #tpu.memory_space<vmem>>, %arg5: memref<256x640xf32, #tpu.memory_space<vmem>>, %arg6: memref<256x16xf32, #tpu.memory_space<vmem>>, %arg7: memref<256x320xf32, #tpu.memory_space<vmem>>, %arg8: memref<256x16xf32, #tpu.memory_space<vmem>>, %arg9: memref<256x1xi32, #tpu.memory_space<vmem>>, %arg10: memref<256x20xi32, #tpu.memory_space<vmem>>, %arg11: memref<1x1xf32, #tpu.memory_space<smem>>, %arg12: memref<20x256xf32, #tpu.memory_space<vmem>>) attributes {dimension_semantics = [#tpu.dimension_semantics<arbitrary>], iteration_bounds = array<i64: 4>, scalar_prefetch = 0 : i64, scratch_operands = 1 : i64, tpu.core_type = #tpu.core_type<tc>, window_params = [{transform_indices = @transform_0, window_bounds = array<i64: 256, 32>}, {transform_indices = @transform_1, window_bounds = array<i64: 256, 640>}, {transform_indices = @transform_2, window_bounds = array<i64: 256, 640>}, {transform_indices = @transform_3, window_bounds = array<i64: 256, 640>}, {transform_indices = @transform_4, window_bounds = array<i64: 256, 640>}, {transform_indices = @transform_5, window_bounds = array<i64: 256, 16>}, {transform_indices = @transform_6, window_bounds = array<i64: 256, 320>}, {transform_indices = @transform_7, window_bounds = array<i64: 256, 16>}, {transform_indices = @transform_8, window_bounds = array<i64: 256, 1>}, {transform_indices = @transform_9, window_bounds = array<i64: 256, 20>}, {transform_indices = @transform_10, window_bounds = array<i64: 1, 1>}]} {
    %get3A = arith.constant 0 : index
    %get3A_0 = arith.constant 0 : index
    %get3A_1 = vector.load %arg1[%get3A, %get3A_0] : memref<256x32xf32, #tpu.memory_space<vmem>>, vector<256x32xf32>
    %transpose3A = tpu.transpose %get3A_1, [1, 0] : vector<256x32xf32> -> vector<32x256xf32>
    %get3A_2 = arith.constant 0 : index
    %get3A_3 = arith.constant 0 : index
    %get3A_4 = vector.load %arg2[%get3A_2, %get3A_3] : memref<256x640xf32, #tpu.memory_space<vmem>>, vector<256x640xf32>
    %transpose3A_5 = tpu.transpose %get3A_4, [1, 0] : vector<256x640xf32> -> vector<640x256xf32>
    %reshape3A = vector.shape_cast %transpose3A_5 : vector<640x256xf32> to vector<20x32x256xf32>
    %get3A_6 = arith.constant 0 : index
    %get3A_7 = arith.constant 0 : index
    %get3A_8 = vector.load %arg3[%get3A_6, %get3A_7] : memref<256x640xf32, #tpu.memory_space<vmem>>, vector<256x640xf32>
    %transpose3A_9 = tpu.transpose %get3A_8, [1, 0] : vector<256x640xf32> -> vector<640x256xf32>
    %reshape3A_10 = vector.shape_cast %transpose3A_9 : vector<640x256xf32> to vector<20x32x256xf32>
    %get3A_11 = arith.constant 0 : index
    %get3A_12 = arith.constant 0 : index
    %get3A_13 = vector.load %arg4[%get3A_11, %get3A_12] : memref<256x640xf32, #tpu.memory_space<vmem>>, vector<256x640xf32>
    %transpose3A_14 = tpu.transpose %get3A_13, [1, 0] : vector<256x640xf32> -> vector<640x256xf32>
    %reshape3A_15 = vector.shape_cast %transpose3A_14 : vector<640x256xf32> to vector<20x32x256xf32>
    %get3A_16 = arith.constant 0 : index
    %get3A_17 = arith.constant 0 : index
    %get3A_18 = vector.load %arg5[%get3A_16, %get3A_17] : memref<256x640xf32, #tpu.memory_space<vmem>>, vector<256x640xf32>
    %transpose3A_19 = tpu.transpose %get3A_18, [1, 0] : vector<256x640xf32> -> vector<640x256xf32>
    %reshape3A_20 = vector.shape_cast %transpose3A_19 : vector<640x256xf32> to vector<20x32x256xf32>
    %get3A_21 = arith.constant 0 : index
    %get3A_22 = arith.constant 0 : index
    %get3A_23 = vector.load %arg9[%get3A_21, %get3A_22] : memref<256x1xi32, #tpu.memory_space<vmem>>, vector<256x1xi32>
    %transpose3A_24 = tpu.transpose %get3A_23, [1, 0] : vector<256x1xi32> -> vector<1x256xi32>
    %get3A_25 = arith.constant 0 : index
    %get3A_26 = arith.constant 0 : index
    %get3A_27 = vector.load %arg10[%get3A_25, %get3A_26] : memref<256x20xi32, #tpu.memory_space<vmem>>, vector<256x20xi32>
    %transpose3A_28 = tpu.transpose %get3A_27, [1, 0] : vector<256x20xi32> -> vector<20x256xi32>
    %and3A = arith.constant 15 : i32
    %and3A_29 = vector.broadcast %and3A : i32 to vector<1x256xi32>
    %and3A_30 = arith.andi %transpose3A_24, %and3A_29 : vector<1x256xi32>
    %iota3A = tpu.iota {dimensions = array<i32: 0>} : vector<16x256xi32>
    %eq3A = vector.broadcast %and3A_30 : vector<1x256xi32> to vector<16x256xi32>
    %eq3A_31 = arith.cmpi eq, %iota3A, %eq3A : vector<16x256xi32>
    %get3A_32 = arith.constant 0 : index
    %get3A_33 = arith.constant 0 : index
    %get3A_34 = vector.load %arg6[%get3A_32, %get3A_33] : memref<256x16xf32, #tpu.memory_space<vmem>>, vector<256x16xf32>
    %transpose3A_35 = tpu.transpose %get3A_34, [1, 0] : vector<256x16xf32> -> vector<16x256xf32>
    %jit3A = arith.constant 0.000000e+00 : f32
    %broadcast_in_dim3A = vector.broadcast %jit3A : f32 to vector<16x256xf32>
    %select_n3A = arith.select %eq3A_31, %transpose3A_35, %broadcast_in_dim3A : vector<16x256xi1>, vector<16x256xf32>
    %reduce_sum3A = arith.constant dense<0.000000e+00> : vector<256xf32>
    %reduce_sum3A_36 = vector.multi_reduction <add>, %select_n3A, %reduce_sum3A [0] : vector<16x256xf32> to vector<256xf32>
    %broadcast_in_dim3A_37 = vector.shape_cast %reduce_sum3A_36 : vector<256xf32> to vector<1x256xf32>
    %get3A_38 = arith.constant 0 : index
    %get3A_39 = arith.constant 0 : index
    %get3A_40 = vector.load %arg8[%get3A_38, %get3A_39] : memref<256x16xf32, #tpu.memory_space<vmem>>, vector<256x16xf32>
    %transpose3A_41 = tpu.transpose %get3A_40, [1, 0] : vector<256x16xf32> -> vector<16x256xf32>
    %jit3A_42 = arith.constant 0.000000e+00 : f32
    %broadcast_in_dim3A_43 = vector.broadcast %jit3A_42 : f32 to vector<16x256xf32>
    %select_n3A_44 = arith.select %eq3A_31, %transpose3A_41, %broadcast_in_dim3A_43 : vector<16x256xi1>, vector<16x256xf32>
    %reduce_sum3A_45 = arith.constant dense<0.000000e+00> : vector<256xf32>
    %reduce_sum3A_46 = vector.multi_reduction <add>, %select_n3A_44, %reduce_sum3A_45 [0] : vector<16x256xf32> to vector<256xf32>
    %broadcast_in_dim3A_47 = vector.shape_cast %reduce_sum3A_46 : vector<256xf32> to vector<1x256xf32>
    %and3A_48 = arith.constant 15 : i32
    %and3A_49 = vector.broadcast %and3A_48 : i32 to vector<20x256xi32>
    %and3A_50 = arith.andi %transpose3A_28, %and3A_49 : vector<20x256xi32>
    %iota3A_51 = tpu.iota {dimensions = array<i32: 1>} : vector<20x16x256xi32>
    %broadcast_in_dim3A_52 = vector.shape_cast %and3A_50 : vector<20x256xi32> to vector<20x1x256xi32>
    %eq3A_53 = vector.broadcast %broadcast_in_dim3A_52 : vector<20x1x256xi32> to vector<20x16x256xi32>
    %eq3A_54 = arith.cmpi eq, %iota3A_51, %eq3A_53 : vector<20x16x256xi32>
    %get3A_55 = arith.constant 0 : index
    %get3A_56 = arith.constant 0 : index
    %get3A_57 = vector.load %arg7[%get3A_55, %get3A_56] : memref<256x320xf32, #tpu.memory_space<vmem>>, vector<256x320xf32>
    %transpose3A_58 = tpu.transpose %get3A_57, [1, 0] : vector<256x320xf32> -> vector<320x256xf32>
    %reshape3A_59 = vector.shape_cast %transpose3A_58 : vector<320x256xf32> to vector<20x16x256xf32>
    %jit3A_60 = arith.constant 0.000000e+00 : f32
    %broadcast_in_dim3A_61 = vector.broadcast %jit3A_60 : f32 to vector<20x16x256xf32>
    %select_n3A_62 = arith.select %eq3A_54, %reshape3A_59, %broadcast_in_dim3A_61 : vector<20x16x256xi1>, vector<20x16x256xf32>
    %reduce_sum3A_63 = arith.constant dense<0.000000e+00> : vector<20x256xf32>
    %reduce_sum3A_64 = vector.multi_reduction <add>, %select_n3A_62, %reduce_sum3A_63 [1] : vector<20x16x256xf32> to vector<20x256xf32>
    %broadcast_in_dim3A_65 = vector.shape_cast %transpose3A : vector<32x256xf32> to vector<1x32x256xf32>
    %sub3A = vector.broadcast %broadcast_in_dim3A_65 : vector<1x32x256xf32> to vector<20x32x256xf32>
    %sub3A_66 = arith.subf %reshape3A, %sub3A : vector<20x32x256xf32>
    %integer_pow3A = arith.mulf %sub3A_66, %sub3A_66 : vector<20x32x256xf32>
    %reduce_sum3A_67 = arith.constant dense<0.000000e+00> : vector<20x256xf32>
    %reduce_sum3A_68 = vector.multi_reduction <add>, %integer_pow3A, %reduce_sum3A_67 [1] : vector<20x32x256xf32> to vector<20x256xf32>
    %sub3A_69 = vector.broadcast %broadcast_in_dim3A_65 : vector<1x32x256xf32> to vector<20x32x256xf32>
    %sub3A_70 = arith.subf %reshape3A_10, %sub3A_69 : vector<20x32x256xf32>
    %integer_pow3A_71 = arith.mulf %sub3A_70, %sub3A_70 : vector<20x32x256xf32>
    %reduce_sum3A_72 = arith.constant dense<0.000000e+00> : vector<20x256xf32>
    %reduce_sum3A_73 = vector.multi_reduction <add>, %integer_pow3A_71, %reduce_sum3A_72 [1] : vector<20x32x256xf32> to vector<20x256xf32>
    %sub3A_74 = vector.broadcast %broadcast_in_dim3A_65 : vector<1x32x256xf32> to vector<20x32x256xf32>
    %sub3A_75 = arith.subf %reshape3A_15, %sub3A_74 : vector<20x32x256xf32>
    %integer_pow3A_76 = arith.mulf %sub3A_75, %sub3A_75 : vector<20x32x256xf32>
    %reduce_sum3A_77 = arith.constant dense<0.000000e+00> : vector<20x256xf32>
    %reduce_sum3A_78 = vector.multi_reduction <add>, %integer_pow3A_76, %reduce_sum3A_77 [1] : vector<20x32x256xf32> to vector<20x256xf32>
    %sub3A_79 = vector.broadcast %broadcast_in_dim3A_65 : vector<1x32x256xf32> to vector<20x32x256xf32>
    %sub3A_80 = arith.subf %reshape3A_20, %sub3A_79 : vector<20x32x256xf32>
    %integer_pow3A_81 = arith.mulf %sub3A_80, %sub3A_80 : vector<20x32x256xf32>
    %reduce_sum3A_82 = arith.constant dense<0.000000e+00> : vector<20x256xf32>
    %reduce_sum3A_83 = vector.multi_reduction <add>, %integer_pow3A_81, %reduce_sum3A_82 [1] : vector<20x32x256xf32> to vector<20x256xf32>
    %add3A = vector.broadcast %broadcast_in_dim3A_37 : vector<1x256xf32> to vector<20x256xf32>
    %add3A_84 = arith.addf %add3A, %reduce_sum3A_68 : vector<20x256xf32>
    %broadcast_in_dim3A_85 = vector.shape_cast %add3A_84 : vector<20x256xf32> to vector<20x1x256xf32>
    %broadcast_in_dim3A_86 = vector.shape_cast %reduce_sum3A_73 : vector<20x256xf32> to vector<1x20x256xf32>
    %sub3A_87 = vector.broadcast %broadcast_in_dim3A_85 : vector<20x1x256xf32> to vector<20x20x256xf32>
    %sub3A_88 = vector.broadcast %broadcast_in_dim3A_86 : vector<1x20x256xf32> to vector<20x20x256xf32>
    %sub3A_89 = arith.subf %sub3A_87, %sub3A_88 : vector<20x20x256xf32>
    %max3A = arith.constant 0.000000e+00 : f32
    %max3A_90 = vector.broadcast %max3A : f32 to vector<20x20x256xf32>
    %max3A_91 = arith.maximumf %sub3A_89, %max3A_90 : vector<20x20x256xf32>
    %reduce_sum3A_92 = vector.shape_cast %max3A_91 : vector<20x20x256xf32> to vector<1x20x20x256xf32>
    %reduce_sum3A_93 = arith.constant dense<0.000000e+00> : vector<1xf32>
    %reduce_sum3A_94 = vector.multi_reduction <add>, %reduce_sum3A_92, %reduce_sum3A_93 [1, 2, 3] : vector<1x20x20x256xf32> to vector<1xf32>
    %reduce_sum3A_95 = vector.shape_cast %reduce_sum3A_94 : vector<1xf32> to vector<1x1x1x1xf32>
    %reduce_sum3A_96 = vector.extract %reduce_sum3A_95[0, 0, 0, 0] : f32 from vector<1x1x1x1xf32>
    %add3A_97 = vector.broadcast %broadcast_in_dim3A_47 : vector<1x256xf32> to vector<20x256xf32>
    %add3A_98 = arith.addf %add3A_97, %reduce_sum3A_78 : vector<20x256xf32>
    %broadcast_in_dim3A_99 = vector.shape_cast %add3A_98 : vector<20x256xf32> to vector<20x1x256xf32>
    %broadcast_in_dim3A_100 = vector.shape_cast %reduce_sum3A_83 : vector<20x256xf32> to vector<1x20x256xf32>
    %sub3A_101 = vector.broadcast %broadcast_in_dim3A_99 : vector<20x1x256xf32> to vector<20x20x256xf32>
    %sub3A_102 = vector.broadcast %broadcast_in_dim3A_100 : vector<1x20x256xf32> to vector<20x20x256xf32>
    %sub3A_103 = arith.subf %sub3A_101, %sub3A_102 : vector<20x20x256xf32>
    %max3A_104 = arith.constant 0.000000e+00 : f32
    %max3A_105 = vector.broadcast %max3A_104 : f32 to vector<20x20x256xf32>
    %max3A_106 = arith.maximumf %sub3A_103, %max3A_105 : vector<20x20x256xf32>
    %reduce_sum3A_107 = vector.shape_cast %max3A_106 : vector<20x20x256xf32> to vector<1x20x20x256xf32>
    %reduce_sum3A_108 = arith.constant dense<0.000000e+00> : vector<1xf32>
    %reduce_sum3A_109 = vector.multi_reduction <add>, %reduce_sum3A_107, %reduce_sum3A_108 [1, 2, 3] : vector<1x20x20x256xf32> to vector<1xf32>
    %reduce_sum3A_110 = vector.shape_cast %reduce_sum3A_109 : vector<1xf32> to vector<1x1x1x1xf32>
    %reduce_sum3A_111 = vector.extract %reduce_sum3A_110[0, 0, 0, 0] : f32 from vector<1x1x1x1xf32>
    %slice3A = vector.extract_strided_slice %reshape3A {offsets = [0, 0, 0], sizes = [1, 32, 256], strides = [1, 1, 1]} : vector<20x32x256xf32> to vector<1x32x256xf32>
    %squeeze3A = vector.shape_cast %slice3A : vector<1x32x256xf32> to vector<32x256xf32>
    %broadcast_in_dim3A_112 = vector.shape_cast %squeeze3A : vector<32x256xf32> to vector<1x32x256xf32>
    %sub3A_113 = vector.broadcast %broadcast_in_dim3A_112 : vector<1x32x256xf32> to vector<20x32x256xf32>
    %sub3A_114 = arith.subf %reshape3A_10, %sub3A_113 : vector<20x32x256xf32>
    %integer_pow3A_115 = arith.mulf %sub3A_114, %sub3A_114 : vector<20x32x256xf32>
    %reduce_sum3A_116 = arith.constant dense<0.000000e+00> : vector<20x256xf32>
    %reduce_sum3A_117 = vector.multi_reduction <add>, %integer_pow3A_115, %reduce_sum3A_116 [1] : vector<20x32x256xf32> to vector<20x256xf32>
    %slice3A_118 = vector.extract_strided_slice %reduce_sum3A_64 {offsets = [0, 0], sizes = [1, 256], strides = [1, 1]} : vector<20x256xf32> to vector<1x256xf32>
    %squeeze3A_119 = vector.shape_cast %slice3A_118 : vector<1x256xf32> to vector<256xf32>
    %broadcast_in_dim3A_120 = vector.shape_cast %squeeze3A_119 : vector<256xf32> to vector<1x256xf32>
    %sub3A_121 = vector.broadcast %broadcast_in_dim3A_120 : vector<1x256xf32> to vector<20x256xf32>
    %sub3A_122 = arith.subf %sub3A_121, %reduce_sum3A_117 : vector<20x256xf32>
    %broadcast_in_dim3A_123 = vector.shape_cast %reduce_sum3A_68 : vector<20x256xf32> to vector<20x1x256xf32>
    %broadcast_in_dim3A_124 = vector.shape_cast %sub3A_122 : vector<20x256xf32> to vector<1x20x256xf32>
    %add3A_125 = vector.broadcast %broadcast_in_dim3A_123 : vector<20x1x256xf32> to vector<20x20x256xf32>
    %add3A_126 = vector.broadcast %broadcast_in_dim3A_124 : vector<1x20x256xf32> to vector<20x20x256xf32>
    %add3A_127 = arith.addf %add3A_125, %add3A_126 : vector<20x20x256xf32>
    %max3A_128 = arith.constant 0.000000e+00 : f32
    %max3A_129 = vector.broadcast %max3A_128 : f32 to vector<20x20x256xf32>
    %max3A_130 = arith.maximumf %add3A_127, %max3A_129 : vector<20x20x256xf32>
    %reduce_sum3A_131 = vector.shape_cast %max3A_130 : vector<20x20x256xf32> to vector<1x20x20x256xf32>
    %reduce_sum3A_132 = arith.constant dense<0.000000e+00> : vector<1xf32>
    %reduce_sum3A_133 = vector.multi_reduction <add>, %reduce_sum3A_131, %reduce_sum3A_132 [1, 2, 3] : vector<1x20x20x256xf32> to vector<1xf32>
    %reduce_sum3A_134 = vector.shape_cast %reduce_sum3A_133 : vector<1xf32> to vector<1x1x1x1xf32>
    %reduce_sum3A_135 = vector.extract %reduce_sum3A_134[0, 0, 0, 0] : f32 from vector<1x1x1x1xf32>
    %add3A_136 = arith.constant 0.000000e+00 : f32
    %add3A_137 = arith.addf %add3A_136, %reduce_sum3A_135 : f32
    %slice3A_138 = vector.extract_strided_slice %reshape3A {offsets = [1, 0, 0], sizes = [1, 32, 256], strides = [1, 1, 1]} : vector<20x32x256xf32> to vector<1x32x256xf32>
    %squeeze3A_139 = vector.shape_cast %slice3A_138 : vector<1x32x256xf32> to vector<32x256xf32>
    %broadcast_in_dim3A_140 = vector.shape_cast %squeeze3A_139 : vector<32x256xf32> to vector<1x32x256xf32>
    %sub3A_141 = vector.broadcast %broadcast_in_dim3A_140 : vector<1x32x256xf32> to vector<20x32x256xf32>
    %sub3A_142 = arith.subf %reshape3A_10, %sub3A_141 : vector<20x32x256xf32>
    %integer_pow3A_143 = arith.mulf %sub3A_142, %sub3A_142 : vector<20x32x256xf32>
    %reduce_sum3A_144 = arith.constant dense<0.000000e+00> : vector<20x256xf32>
    %reduce_sum3A_145 = vector.multi_reduction <add>, %integer_pow3A_143, %reduce_sum3A_144 [1] : vector<20x32x256xf32> to vector<20x256xf32>
    %slice3A_146 = vector.extract_strided_slice %reduce_sum3A_64 {offsets = [1, 0], sizes = [1, 256], strides = [1, 1]} : vector<20x256xf32> to vector<1x256xf32>
    %squeeze3A_147 = vector.shape_cast %slice3A_146 : vector<1x256xf32> to vector<256xf32>
    %broadcast_in_dim3A_148 = vector.shape_cast %squeeze3A_147 : vector<256xf32> to vector<1x256xf32>
    %sub3A_149 = vector.broadcast %broadcast_in_dim3A_148 : vector<1x256xf32> to vector<20x256xf32>
    %sub3A_150 = arith.subf %sub3A_149, %reduce_sum3A_145 : vector<20x256xf32>
    %broadcast_in_dim3A_151 = vector.shape_cast %reduce_sum3A_68 : vector<20x256xf32> to vector<20x1x256xf32>
    %broadcast_in_dim3A_152 = vector.shape_cast %sub3A_150 : vector<20x256xf32> to vector<1x20x256xf32>
    %add3A_153 = vector.broadcast %broadcast_in_dim3A_151 : vector<20x1x256xf32> to vector<20x20x256xf32>
    %add3A_154 = vector.broadcast %broadcast_in_dim3A_152 : vector<1x20x256xf32> to vector<20x20x256xf32>
    %add3A_155 = arith.addf %add3A_153, %add3A_154 : vector<20x20x256xf32>
    %max3A_156 = arith.constant 0.000000e+00 : f32
    %max3A_157 = vector.broadcast %max3A_156 : f32 to vector<20x20x256xf32>
    %max3A_158 = arith.maximumf %add3A_155, %max3A_157 : vector<20x20x256xf32>
    %reduce_sum3A_159 = vector.shape_cast %max3A_158 : vector<20x20x256xf32> to vector<1x20x20x256xf32>
    %reduce_sum3A_160 = arith.constant dense<0.000000e+00> : vector<1xf32>
    %reduce_sum3A_161 = vector.multi_reduction <add>, %reduce_sum3A_159, %reduce_sum3A_160 [1, 2, 3] : vector<1x20x20x256xf32> to vector<1xf32>
    %reduce_sum3A_162 = vector.shape_cast %reduce_sum3A_161 : vector<1xf32> to vector<1x1x1x1xf32>
    %reduce_sum3A_163 = vector.extract %reduce_sum3A_162[0, 0, 0, 0] : f32 from vector<1x1x1x1xf32>
    %add3A_164 = arith.addf %add3A_137, %reduce_sum3A_163 : f32
    %slice3A_165 = vector.extract_strided_slice %reshape3A {offsets = [2, 0, 0], sizes = [1, 32, 256], strides = [1, 1, 1]} : vector<20x32x256xf32> to vector<1x32x256xf32>
    %squeeze3A_166 = vector.shape_cast %slice3A_165 : vector<1x32x256xf32> to vector<32x256xf32>
    %broadcast_in_dim3A_167 = vector.shape_cast %squeeze3A_166 : vector<32x256xf32> to vector<1x32x256xf32>
    %sub3A_168 = vector.broadcast %broadcast_in_dim3A_167 : vector<1x32x256xf32> to vector<20x32x256xf32>
    %sub3A_169 = arith.subf %reshape3A_10, %sub3A_168 : vector<20x32x256xf32>
    %integer_pow3A_170 = arith.mulf %sub3A_169, %sub3A_169 : vector<20x32x256xf32>
    %reduce_sum3A_171 = arith.constant dense<0.000000e+00> : vector<20x256xf32>
    %reduce_sum3A_172 = vector.multi_reduction <add>, %integer_pow3A_170, %reduce_sum3A_171 [1] : vector<20x32x256xf32> to vector<20x256xf32>
    %slice3A_173 = vector.extract_strided_slice %reduce_sum3A_64 {offsets = [2, 0], sizes = [1, 256], strides = [1, 1]} : vector<20x256xf32> to vector<1x256xf32>
    %squeeze3A_174 = vector.shape_cast %slice3A_173 : vector<1x256xf32> to vector<256xf32>
    %broadcast_in_dim3A_175 = vector.shape_cast %squeeze3A_174 : vector<256xf32> to vector<1x256xf32>
    %sub3A_176 = vector.broadcast %broadcast_in_dim3A_175 : vector<1x256xf32> to vector<20x256xf32>
    %sub3A_177 = arith.subf %sub3A_176, %reduce_sum3A_172 : vector<20x256xf32>
    %broadcast_in_dim3A_178 = vector.shape_cast %reduce_sum3A_68 : vector<20x256xf32> to vector<20x1x256xf32>
    %broadcast_in_dim3A_179 = vector.shape_cast %sub3A_177 : vector<20x256xf32> to vector<1x20x256xf32>
    %add3A_180 = vector.broadcast %broadcast_in_dim3A_178 : vector<20x1x256xf32> to vector<20x20x256xf32>
    %add3A_181 = vector.broadcast %broadcast_in_dim3A_179 : vector<1x20x256xf32> to vector<20x20x256xf32>
    %add3A_182 = arith.addf %add3A_180, %add3A_181 : vector<20x20x256xf32>
    %max3A_183 = arith.constant 0.000000e+00 : f32
    %max3A_184 = vector.broadcast %max3A_183 : f32 to vector<20x20x256xf32>
    %max3A_185 = arith.maximumf %add3A_182, %max3A_184 : vector<20x20x256xf32>
    %reduce_sum3A_186 = vector.shape_cast %max3A_185 : vector<20x20x256xf32> to vector<1x20x20x256xf32>
    %reduce_sum3A_187 = arith.constant dense<0.000000e+00> : vector<1xf32>
    %reduce_sum3A_188 = vector.multi_reduction <add>, %reduce_sum3A_186, %reduce_sum3A_187 [1, 2, 3] : vector<1x20x20x256xf32> to vector<1xf32>
    %reduce_sum3A_189 = vector.shape_cast %reduce_sum3A_188 : vector<1xf32> to vector<1x1x1x1xf32>
    %reduce_sum3A_190 = vector.extract %reduce_sum3A_189[0, 0, 0, 0] : f32 from vector<1x1x1x1xf32>
    %add3A_191 = arith.addf %add3A_164, %reduce_sum3A_190 : f32
    %slice3A_192 = vector.extract_strided_slice %reshape3A {offsets = [3, 0, 0], sizes = [1, 32, 256], strides = [1, 1, 1]} : vector<20x32x256xf32> to vector<1x32x256xf32>
    %squeeze3A_193 = vector.shape_cast %slice3A_192 : vector<1x32x256xf32> to vector<32x256xf32>
    %broadcast_in_dim3A_194 = vector.shape_cast %squeeze3A_193 : vector<32x256xf32> to vector<1x32x256xf32>
    %sub3A_195 = vector.broadcast %broadcast_in_dim3A_194 : vector<1x32x256xf32> to vector<20x32x256xf32>
    %sub3A_196 = arith.subf %reshape3A_10, %sub3A_195 : vector<20x32x256xf32>
    %integer_pow3A_197 = arith.mulf %sub3A_196, %sub3A_196 : vector<20x32x256xf32>
    %reduce_sum3A_198 = arith.constant dense<0.000000e+00> : vector<20x256xf32>
    %reduce_sum3A_199 = vector.multi_reduction <add>, %integer_pow3A_197, %reduce_sum3A_198 [1] : vector<20x32x256xf32> to vector<20x256xf32>
    %slice3A_200 = vector.extract_strided_slice %reduce_sum3A_64 {offsets = [3, 0], sizes = [1, 256], strides = [1, 1]} : vector<20x256xf32> to vector<1x256xf32>
    %squeeze3A_201 = vector.shape_cast %slice3A_200 : vector<1x256xf32> to vector<256xf32>
    %broadcast_in_dim3A_202 = vector.shape_cast %squeeze3A_201 : vector<256xf32> to vector<1x256xf32>
    %sub3A_203 = vector.broadcast %broadcast_in_dim3A_202 : vector<1x256xf32> to vector<20x256xf32>
    %sub3A_204 = arith.subf %sub3A_203, %reduce_sum3A_199 : vector<20x256xf32>
    %broadcast_in_dim3A_205 = vector.shape_cast %reduce_sum3A_68 : vector<20x256xf32> to vector<20x1x256xf32>
    %broadcast_in_dim3A_206 = vector.shape_cast %sub3A_204 : vector<20x256xf32> to vector<1x20x256xf32>
    %add3A_207 = vector.broadcast %broadcast_in_dim3A_205 : vector<20x1x256xf32> to vector<20x20x256xf32>
    %add3A_208 = vector.broadcast %broadcast_in_dim3A_206 : vector<1x20x256xf32> to vector<20x20x256xf32>
    %add3A_209 = arith.addf %add3A_207, %add3A_208 : vector<20x20x256xf32>
    %max3A_210 = arith.constant 0.000000e+00 : f32
    %max3A_211 = vector.broadcast %max3A_210 : f32 to vector<20x20x256xf32>
    %max3A_212 = arith.maximumf %add3A_209, %max3A_211 : vector<20x20x256xf32>
    %reduce_sum3A_213 = vector.shape_cast %max3A_212 : vector<20x20x256xf32> to vector<1x20x20x256xf32>
    %reduce_sum3A_214 = arith.constant dense<0.000000e+00> : vector<1xf32>
    %reduce_sum3A_215 = vector.multi_reduction <add>, %reduce_sum3A_213, %reduce_sum3A_214 [1, 2, 3] : vector<1x20x20x256xf32> to vector<1xf32>
    %reduce_sum3A_216 = vector.shape_cast %reduce_sum3A_215 : vector<1xf32> to vector<1x1x1x1xf32>
    %reduce_sum3A_217 = vector.extract %reduce_sum3A_216[0, 0, 0, 0] : f32 from vector<1x1x1x1xf32>
    %add3A_218 = arith.addf %add3A_191, %reduce_sum3A_217 : f32
    %slice3A_219 = vector.extract_strided_slice %reshape3A {offsets = [4, 0, 0], sizes = [1, 32, 256], strides = [1, 1, 1]} : vector<20x32x256xf32> to vector<1x32x256xf32>
    %squeeze3A_220 = vector.shape_cast %slice3A_219 : vector<1x32x256xf32> to vector<32x256xf32>
    %broadcast_in_dim3A_221 = vector.shape_cast %squeeze3A_220 : vector<32x256xf32> to vector<1x32x256xf32>
    %sub3A_222 = vector.broadcast %broadcast_in_dim3A_221 : vector<1x32x256xf32> to vector<20x32x256xf32>
    %sub3A_223 = arith.subf %reshape3A_10, %sub3A_222 : vector<20x32x256xf32>
    %integer_pow3A_224 = arith.mulf %sub3A_223, %sub3A_223 : vector<20x32x256xf32>
    %reduce_sum3A_225 = arith.constant dense<0.000000e+00> : vector<20x256xf32>
    %reduce_sum3A_226 = vector.multi_reduction <add>, %integer_pow3A_224, %reduce_sum3A_225 [1] : vector<20x32x256xf32> to vector<20x256xf32>
    %slice3A_227 = vector.extract_strided_slice %reduce_sum3A_64 {offsets = [4, 0], sizes = [1, 256], strides = [1, 1]} : vector<20x256xf32> to vector<1x256xf32>
    %squeeze3A_228 = vector.shape_cast %slice3A_227 : vector<1x256xf32> to vector<256xf32>
    %broadcast_in_dim3A_229 = vector.shape_cast %squeeze3A_228 : vector<256xf32> to vector<1x256xf32>
    %sub3A_230 = vector.broadcast %broadcast_in_dim3A_229 : vector<1x256xf32> to vector<20x256xf32>
    %sub3A_231 = arith.subf %sub3A_230, %reduce_sum3A_226 : vector<20x256xf32>
    %broadcast_in_dim3A_232 = vector.shape_cast %reduce_sum3A_68 : vector<20x256xf32> to vector<20x1x256xf32>
    %broadcast_in_dim3A_233 = vector.shape_cast %sub3A_231 : vector<20x256xf32> to vector<1x20x256xf32>
    %add3A_234 = vector.broadcast %broadcast_in_dim3A_232 : vector<20x1x256xf32> to vector<20x20x256xf32>
    %add3A_235 = vector.broadcast %broadcast_in_dim3A_233 : vector<1x20x256xf32> to vector<20x20x256xf32>
    %add3A_236 = arith.addf %add3A_234, %add3A_235 : vector<20x20x256xf32>
    %max3A_237 = arith.constant 0.000000e+00 : f32
    %max3A_238 = vector.broadcast %max3A_237 : f32 to vector<20x20x256xf32>
    %max3A_239 = arith.maximumf %add3A_236, %max3A_238 : vector<20x20x256xf32>
    %reduce_sum3A_240 = vector.shape_cast %max3A_239 : vector<20x20x256xf32> to vector<1x20x20x256xf32>
    %reduce_sum3A_241 = arith.constant dense<0.000000e+00> : vector<1xf32>
    %reduce_sum3A_242 = vector.multi_reduction <add>, %reduce_sum3A_240, %reduce_sum3A_241 [1, 2, 3] : vector<1x20x20x256xf32> to vector<1xf32>
    %reduce_sum3A_243 = vector.shape_cast %reduce_sum3A_242 : vector<1xf32> to vector<1x1x1x1xf32>
    %reduce_sum3A_244 = vector.extract %reduce_sum3A_243[0, 0, 0, 0] : f32 from vector<1x1x1x1xf32>
    %add3A_245 = arith.addf %add3A_218, %reduce_sum3A_244 : f32
    %slice3A_246 = vector.extract_strided_slice %reshape3A {offsets = [5, 0, 0], sizes = [1, 32, 256], strides = [1, 1, 1]} : vector<20x32x256xf32> to vector<1x32x256xf32>
    %squeeze3A_247 = vector.shape_cast %slice3A_246 : vector<1x32x256xf32> to vector<32x256xf32>
    %broadcast_in_dim3A_248 = vector.shape_cast %squeeze3A_247 : vector<32x256xf32> to vector<1x32x256xf32>
    %sub3A_249 = vector.broadcast %broadcast_in_dim3A_248 : vector<1x32x256xf32> to vector<20x32x256xf32>
    %sub3A_250 = arith.subf %reshape3A_10, %sub3A_249 : vector<20x32x256xf32>
    %integer_pow3A_251 = arith.mulf %sub3A_250, %sub3A_250 : vector<20x32x256xf32>
    %reduce_sum3A_252 = arith.constant dense<0.000000e+00> : vector<20x256xf32>
    %reduce_sum3A_253 = vector.multi_reduction <add>, %integer_pow3A_251, %reduce_sum3A_252 [1] : vector<20x32x256xf32> to vector<20x256xf32>
    %slice3A_254 = vector.extract_strided_slice %reduce_sum3A_64 {offsets = [5, 0], sizes = [1, 256], strides = [1, 1]} : vector<20x256xf32> to vector<1x256xf32>
    %squeeze3A_255 = vector.shape_cast %slice3A_254 : vector<1x256xf32> to vector<256xf32>
    %broadcast_in_dim3A_256 = vector.shape_cast %squeeze3A_255 : vector<256xf32> to vector<1x256xf32>
    %sub3A_257 = vector.broadcast %broadcast_in_dim3A_256 : vector<1x256xf32> to vector<20x256xf32>
    %sub3A_258 = arith.subf %sub3A_257, %reduce_sum3A_253 : vector<20x256xf32>
    %broadcast_in_dim3A_259 = vector.shape_cast %reduce_sum3A_68 : vector<20x256xf32> to vector<20x1x256xf32>
    %broadcast_in_dim3A_260 = vector.shape_cast %sub3A_258 : vector<20x256xf32> to vector<1x20x256xf32>
    %add3A_261 = vector.broadcast %broadcast_in_dim3A_259 : vector<20x1x256xf32> to vector<20x20x256xf32>
    %add3A_262 = vector.broadcast %broadcast_in_dim3A_260 : vector<1x20x256xf32> to vector<20x20x256xf32>
    %add3A_263 = arith.addf %add3A_261, %add3A_262 : vector<20x20x256xf32>
    %max3A_264 = arith.constant 0.000000e+00 : f32
    %max3A_265 = vector.broadcast %max3A_264 : f32 to vector<20x20x256xf32>
    %max3A_266 = arith.maximumf %add3A_263, %max3A_265 : vector<20x20x256xf32>
    %reduce_sum3A_267 = vector.shape_cast %max3A_266 : vector<20x20x256xf32> to vector<1x20x20x256xf32>
    %reduce_sum3A_268 = arith.constant dense<0.000000e+00> : vector<1xf32>
    %reduce_sum3A_269 = vector.multi_reduction <add>, %reduce_sum3A_267, %reduce_sum3A_268 [1, 2, 3] : vector<1x20x20x256xf32> to vector<1xf32>
    %reduce_sum3A_270 = vector.shape_cast %reduce_sum3A_269 : vector<1xf32> to vector<1x1x1x1xf32>
    %reduce_sum3A_271 = vector.extract %reduce_sum3A_270[0, 0, 0, 0] : f32 from vector<1x1x1x1xf32>
    %add3A_272 = arith.addf %add3A_245, %reduce_sum3A_271 : f32
    %slice3A_273 = vector.extract_strided_slice %reshape3A {offsets = [6, 0, 0], sizes = [1, 32, 256], strides = [1, 1, 1]} : vector<20x32x256xf32> to vector<1x32x256xf32>
    %squeeze3A_274 = vector.shape_cast %slice3A_273 : vector<1x32x256xf32> to vector<32x256xf32>
    %broadcast_in_dim3A_275 = vector.shape_cast %squeeze3A_274 : vector<32x256xf32> to vector<1x32x256xf32>
    %sub3A_276 = vector.broadcast %broadcast_in_dim3A_275 : vector<1x32x256xf32> to vector<20x32x256xf32>
    %sub3A_277 = arith.subf %reshape3A_10, %sub3A_276 : vector<20x32x256xf32>
    %integer_pow3A_278 = arith.mulf %sub3A_277, %sub3A_277 : vector<20x32x256xf32>
    %reduce_sum3A_279 = arith.constant dense<0.000000e+00> : vector<20x256xf32>
    %reduce_sum3A_280 = vector.multi_reduction <add>, %integer_pow3A_278, %reduce_sum3A_279 [1] : vector<20x32x256xf32> to vector<20x256xf32>
    %slice3A_281 = vector.extract_strided_slice %reduce_sum3A_64 {offsets = [6, 0], sizes = [1, 256], strides = [1, 1]} : vector<20x256xf32> to vector<1x256xf32>
    %squeeze3A_282 = vector.shape_cast %slice3A_281 : vector<1x256xf32> to vector<256xf32>
    %broadcast_in_dim3A_283 = vector.shape_cast %squeeze3A_282 : vector<256xf32> to vector<1x256xf32>
    %sub3A_284 = vector.broadcast %broadcast_in_dim3A_283 : vector<1x256xf32> to vector<20x256xf32>
    %sub3A_285 = arith.subf %sub3A_284, %reduce_sum3A_280 : vector<20x256xf32>
    %broadcast_in_dim3A_286 = vector.shape_cast %reduce_sum3A_68 : vector<20x256xf32> to vector<20x1x256xf32>
    %broadcast_in_dim3A_287 = vector.shape_cast %sub3A_285 : vector<20x256xf32> to vector<1x20x256xf32>
    %add3A_288 = vector.broadcast %broadcast_in_dim3A_286 : vector<20x1x256xf32> to vector<20x20x256xf32>
    %add3A_289 = vector.broadcast %broadcast_in_dim3A_287 : vector<1x20x256xf32> to vector<20x20x256xf32>
    %add3A_290 = arith.addf %add3A_288, %add3A_289 : vector<20x20x256xf32>
    %max3A_291 = arith.constant 0.000000e+00 : f32
    %max3A_292 = vector.broadcast %max3A_291 : f32 to vector<20x20x256xf32>
    %max3A_293 = arith.maximumf %add3A_290, %max3A_292 : vector<20x20x256xf32>
    %reduce_sum3A_294 = vector.shape_cast %max3A_293 : vector<20x20x256xf32> to vector<1x20x20x256xf32>
    %reduce_sum3A_295 = arith.constant dense<0.000000e+00> : vector<1xf32>
    %reduce_sum3A_296 = vector.multi_reduction <add>, %reduce_sum3A_294, %reduce_sum3A_295 [1, 2, 3] : vector<1x20x20x256xf32> to vector<1xf32>
    %reduce_sum3A_297 = vector.shape_cast %reduce_sum3A_296 : vector<1xf32> to vector<1x1x1x1xf32>
    %reduce_sum3A_298 = vector.extract %reduce_sum3A_297[0, 0, 0, 0] : f32 from vector<1x1x1x1xf32>
    %add3A_299 = arith.addf %add3A_272, %reduce_sum3A_298 : f32
    %slice3A_300 = vector.extract_strided_slice %reshape3A {offsets = [7, 0, 0], sizes = [1, 32, 256], strides = [1, 1, 1]} : vector<20x32x256xf32> to vector<1x32x256xf32>
    %squeeze3A_301 = vector.shape_cast %slice3A_300 : vector<1x32x256xf32> to vector<32x256xf32>
    %broadcast_in_dim3A_302 = vector.shape_cast %squeeze3A_301 : vector<32x256xf32> to vector<1x32x256xf32>
    %sub3A_303 = vector.broadcast %broadcast_in_dim3A_302 : vector<1x32x256xf32> to vector<20x32x256xf32>
    %sub3A_304 = arith.subf %reshape3A_10, %sub3A_303 : vector<20x32x256xf32>
    %integer_pow3A_305 = arith.mulf %sub3A_304, %sub3A_304 : vector<20x32x256xf32>
    %reduce_sum3A_306 = arith.constant dense<0.000000e+00> : vector<20x256xf32>
    %reduce_sum3A_307 = vector.multi_reduction <add>, %integer_pow3A_305, %reduce_sum3A_306 [1] : vector<20x32x256xf32> to vector<20x256xf32>
    %slice3A_308 = vector.extract_strided_slice %reduce_sum3A_64 {offsets = [7, 0], sizes = [1, 256], strides = [1, 1]} : vector<20x256xf32> to vector<1x256xf32>
    %squeeze3A_309 = vector.shape_cast %slice3A_308 : vector<1x256xf32> to vector<256xf32>
    %broadcast_in_dim3A_310 = vector.shape_cast %squeeze3A_309 : vector<256xf32> to vector<1x256xf32>
    %sub3A_311 = vector.broadcast %broadcast_in_dim3A_310 : vector<1x256xf32> to vector<20x256xf32>
    %sub3A_312 = arith.subf %sub3A_311, %reduce_sum3A_307 : vector<20x256xf32>
    %broadcast_in_dim3A_313 = vector.shape_cast %reduce_sum3A_68 : vector<20x256xf32> to vector<20x1x256xf32>
    %broadcast_in_dim3A_314 = vector.shape_cast %sub3A_312 : vector<20x256xf32> to vector<1x20x256xf32>
    %add3A_315 = vector.broadcast %broadcast_in_dim3A_313 : vector<20x1x256xf32> to vector<20x20x256xf32>
    %add3A_316 = vector.broadcast %broadcast_in_dim3A_314 : vector<1x20x256xf32> to vector<20x20x256xf32>
    %add3A_317 = arith.addf %add3A_315, %add3A_316 : vector<20x20x256xf32>
    %max3A_318 = arith.constant 0.000000e+00 : f32
    %max3A_319 = vector.broadcast %max3A_318 : f32 to vector<20x20x256xf32>
    %max3A_320 = arith.maximumf %add3A_317, %max3A_319 : vector<20x20x256xf32>
    %reduce_sum3A_321 = vector.shape_cast %max3A_320 : vector<20x20x256xf32> to vector<1x20x20x256xf32>
    %reduce_sum3A_322 = arith.constant dense<0.000000e+00> : vector<1xf32>
    %reduce_sum3A_323 = vector.multi_reduction <add>, %reduce_sum3A_321, %reduce_sum3A_322 [1, 2, 3] : vector<1x20x20x256xf32> to vector<1xf32>
    %reduce_sum3A_324 = vector.shape_cast %reduce_sum3A_323 : vector<1xf32> to vector<1x1x1x1xf32>
    %reduce_sum3A_325 = vector.extract %reduce_sum3A_324[0, 0, 0, 0] : f32 from vector<1x1x1x1xf32>
    %add3A_326 = arith.addf %add3A_299, %reduce_sum3A_325 : f32
    %slice3A_327 = vector.extract_strided_slice %reshape3A {offsets = [8, 0, 0], sizes = [1, 32, 256], strides = [1, 1, 1]} : vector<20x32x256xf32> to vector<1x32x256xf32>
    %squeeze3A_328 = vector.shape_cast %slice3A_327 : vector<1x32x256xf32> to vector<32x256xf32>
    %broadcast_in_dim3A_329 = vector.shape_cast %squeeze3A_328 : vector<32x256xf32> to vector<1x32x256xf32>
    %sub3A_330 = vector.broadcast %broadcast_in_dim3A_329 : vector<1x32x256xf32> to vector<20x32x256xf32>
    %sub3A_331 = arith.subf %reshape3A_10, %sub3A_330 : vector<20x32x256xf32>
    %integer_pow3A_332 = arith.mulf %sub3A_331, %sub3A_331 : vector<20x32x256xf32>
    %reduce_sum3A_333 = arith.constant dense<0.000000e+00> : vector<20x256xf32>
    %reduce_sum3A_334 = vector.multi_reduction <add>, %integer_pow3A_332, %reduce_sum3A_333 [1] : vector<20x32x256xf32> to vector<20x256xf32>
    %slice3A_335 = vector.extract_strided_slice %reduce_sum3A_64 {offsets = [8, 0], sizes = [1, 256], strides = [1, 1]} : vector<20x256xf32> to vector<1x256xf32>
    %squeeze3A_336 = vector.shape_cast %slice3A_335 : vector<1x256xf32> to vector<256xf32>
    %broadcast_in_dim3A_337 = vector.shape_cast %squeeze3A_336 : vector<256xf32> to vector<1x256xf32>
    %sub3A_338 = vector.broadcast %broadcast_in_dim3A_337 : vector<1x256xf32> to vector<20x256xf32>
    %sub3A_339 = arith.subf %sub3A_338, %reduce_sum3A_334 : vector<20x256xf32>
    %broadcast_in_dim3A_340 = vector.shape_cast %reduce_sum3A_68 : vector<20x256xf32> to vector<20x1x256xf32>
    %broadcast_in_dim3A_341 = vector.shape_cast %sub3A_339 : vector<20x256xf32> to vector<1x20x256xf32>
    %add3A_342 = vector.broadcast %broadcast_in_dim3A_340 : vector<20x1x256xf32> to vector<20x20x256xf32>
    %add3A_343 = vector.broadcast %broadcast_in_dim3A_341 : vector<1x20x256xf32> to vector<20x20x256xf32>
    %add3A_344 = arith.addf %add3A_342, %add3A_343 : vector<20x20x256xf32>
    %max3A_345 = arith.constant 0.000000e+00 : f32
    %max3A_346 = vector.broadcast %max3A_345 : f32 to vector<20x20x256xf32>
    %max3A_347 = arith.maximumf %add3A_344, %max3A_346 : vector<20x20x256xf32>
    %reduce_sum3A_348 = vector.shape_cast %max3A_347 : vector<20x20x256xf32> to vector<1x20x20x256xf32>
    %reduce_sum3A_349 = arith.constant dense<0.000000e+00> : vector<1xf32>
    %reduce_sum3A_350 = vector.multi_reduction <add>, %reduce_sum3A_348, %reduce_sum3A_349 [1, 2, 3] : vector<1x20x20x256xf32> to vector<1xf32>
    %reduce_sum3A_351 = vector.shape_cast %reduce_sum3A_350 : vector<1xf32> to vector<1x1x1x1xf32>
    %reduce_sum3A_352 = vector.extract %reduce_sum3A_351[0, 0, 0, 0] : f32 from vector<1x1x1x1xf32>
    %add3A_353 = arith.addf %add3A_326, %reduce_sum3A_352 : f32
    %slice3A_354 = vector.extract_strided_slice %reshape3A {offsets = [9, 0, 0], sizes = [1, 32, 256], strides = [1, 1, 1]} : vector<20x32x256xf32> to vector<1x32x256xf32>
    %squeeze3A_355 = vector.shape_cast %slice3A_354 : vector<1x32x256xf32> to vector<32x256xf32>
    %broadcast_in_dim3A_356 = vector.shape_cast %squeeze3A_355 : vector<32x256xf32> to vector<1x32x256xf32>
    %sub3A_357 = vector.broadcast %broadcast_in_dim3A_356 : vector<1x32x256xf32> to vector<20x32x256xf32>
    %sub3A_358 = arith.subf %reshape3A_10, %sub3A_357 : vector<20x32x256xf32>
    %integer_pow3A_359 = arith.mulf %sub3A_358, %sub3A_358 : vector<20x32x256xf32>
    %reduce_sum3A_360 = arith.constant dense<0.000000e+00> : vector<20x256xf32>
    %reduce_sum3A_361 = vector.multi_reduction <add>, %integer_pow3A_359, %reduce_sum3A_360 [1] : vector<20x32x256xf32> to vector<20x256xf32>
    %slice3A_362 = vector.extract_strided_slice %reduce_sum3A_64 {offsets = [9, 0], sizes = [1, 256], strides = [1, 1]} : vector<20x256xf32> to vector<1x256xf32>
    %squeeze3A_363 = vector.shape_cast %slice3A_362 : vector<1x256xf32> to vector<256xf32>
    %broadcast_in_dim3A_364 = vector.shape_cast %squeeze3A_363 : vector<256xf32> to vector<1x256xf32>
    %sub3A_365 = vector.broadcast %broadcast_in_dim3A_364 : vector<1x256xf32> to vector<20x256xf32>
    %sub3A_366 = arith.subf %sub3A_365, %reduce_sum3A_361 : vector<20x256xf32>
    %broadcast_in_dim3A_367 = vector.shape_cast %reduce_sum3A_68 : vector<20x256xf32> to vector<20x1x256xf32>
    %broadcast_in_dim3A_368 = vector.shape_cast %sub3A_366 : vector<20x256xf32> to vector<1x20x256xf32>
    %add3A_369 = vector.broadcast %broadcast_in_dim3A_367 : vector<20x1x256xf32> to vector<20x20x256xf32>
    %add3A_370 = vector.broadcast %broadcast_in_dim3A_368 : vector<1x20x256xf32> to vector<20x20x256xf32>
    %add3A_371 = arith.addf %add3A_369, %add3A_370 : vector<20x20x256xf32>
    %max3A_372 = arith.constant 0.000000e+00 : f32
    %max3A_373 = vector.broadcast %max3A_372 : f32 to vector<20x20x256xf32>
    %max3A_374 = arith.maximumf %add3A_371, %max3A_373 : vector<20x20x256xf32>
    %reduce_sum3A_375 = vector.shape_cast %max3A_374 : vector<20x20x256xf32> to vector<1x20x20x256xf32>
    %reduce_sum3A_376 = arith.constant dense<0.000000e+00> : vector<1xf32>
    %reduce_sum3A_377 = vector.multi_reduction <add>, %reduce_sum3A_375, %reduce_sum3A_376 [1, 2, 3] : vector<1x20x20x256xf32> to vector<1xf32>
    %reduce_sum3A_378 = vector.shape_cast %reduce_sum3A_377 : vector<1xf32> to vector<1x1x1x1xf32>
    %reduce_sum3A_379 = vector.extract %reduce_sum3A_378[0, 0, 0, 0] : f32 from vector<1x1x1x1xf32>
    %add3A_380 = arith.addf %add3A_353, %reduce_sum3A_379 : f32
    %slice3A_381 = vector.extract_strided_slice %reshape3A {offsets = [10, 0, 0], sizes = [1, 32, 256], strides = [1, 1, 1]} : vector<20x32x256xf32> to vector<1x32x256xf32>
    %squeeze3A_382 = vector.shape_cast %slice3A_381 : vector<1x32x256xf32> to vector<32x256xf32>
    %broadcast_in_dim3A_383 = vector.shape_cast %squeeze3A_382 : vector<32x256xf32> to vector<1x32x256xf32>
    %sub3A_384 = vector.broadcast %broadcast_in_dim3A_383 : vector<1x32x256xf32> to vector<20x32x256xf32>
    %sub3A_385 = arith.subf %reshape3A_10, %sub3A_384 : vector<20x32x256xf32>
    %integer_pow3A_386 = arith.mulf %sub3A_385, %sub3A_385 : vector<20x32x256xf32>
    %reduce_sum3A_387 = arith.constant dense<0.000000e+00> : vector<20x256xf32>
    %reduce_sum3A_388 = vector.multi_reduction <add>, %integer_pow3A_386, %reduce_sum3A_387 [1] : vector<20x32x256xf32> to vector<20x256xf32>
    %slice3A_389 = vector.extract_strided_slice %reduce_sum3A_64 {offsets = [10, 0], sizes = [1, 256], strides = [1, 1]} : vector<20x256xf32> to vector<1x256xf32>
    %squeeze3A_390 = vector.shape_cast %slice3A_389 : vector<1x256xf32> to vector<256xf32>
    %broadcast_in_dim3A_391 = vector.shape_cast %squeeze3A_390 : vector<256xf32> to vector<1x256xf32>
    %sub3A_392 = vector.broadcast %broadcast_in_dim3A_391 : vector<1x256xf32> to vector<20x256xf32>
    %sub3A_393 = arith.subf %sub3A_392, %reduce_sum3A_388 : vector<20x256xf32>
    %broadcast_in_dim3A_394 = vector.shape_cast %reduce_sum3A_68 : vector<20x256xf32> to vector<20x1x256xf32>
    %broadcast_in_dim3A_395 = vector.shape_cast %sub3A_393 : vector<20x256xf32> to vector<1x20x256xf32>
    %add3A_396 = vector.broadcast %broadcast_in_dim3A_394 : vector<20x1x256xf32> to vector<20x20x256xf32>
    %add3A_397 = vector.broadcast %broadcast_in_dim3A_395 : vector<1x20x256xf32> to vector<20x20x256xf32>
    %add3A_398 = arith.addf %add3A_396, %add3A_397 : vector<20x20x256xf32>
    %max3A_399 = arith.constant 0.000000e+00 : f32
    %max3A_400 = vector.broadcast %max3A_399 : f32 to vector<20x20x256xf32>
    %max3A_401 = arith.maximumf %add3A_398, %max3A_400 : vector<20x20x256xf32>
    %reduce_sum3A_402 = vector.shape_cast %max3A_401 : vector<20x20x256xf32> to vector<1x20x20x256xf32>
    %reduce_sum3A_403 = arith.constant dense<0.000000e+00> : vector<1xf32>
    %reduce_sum3A_404 = vector.multi_reduction <add>, %reduce_sum3A_402, %reduce_sum3A_403 [1, 2, 3] : vector<1x20x20x256xf32> to vector<1xf32>
    %reduce_sum3A_405 = vector.shape_cast %reduce_sum3A_404 : vector<1xf32> to vector<1x1x1x1xf32>
    %reduce_sum3A_406 = vector.extract %reduce_sum3A_405[0, 0, 0, 0] : f32 from vector<1x1x1x1xf32>
    %add3A_407 = arith.addf %add3A_380, %reduce_sum3A_406 : f32
    %slice3A_408 = vector.extract_strided_slice %reshape3A {offsets = [11, 0, 0], sizes = [1, 32, 256], strides = [1, 1, 1]} : vector<20x32x256xf32> to vector<1x32x256xf32>
    %squeeze3A_409 = vector.shape_cast %slice3A_408 : vector<1x32x256xf32> to vector<32x256xf32>
    %broadcast_in_dim3A_410 = vector.shape_cast %squeeze3A_409 : vector<32x256xf32> to vector<1x32x256xf32>
    %sub3A_411 = vector.broadcast %broadcast_in_dim3A_410 : vector<1x32x256xf32> to vector<20x32x256xf32>
    %sub3A_412 = arith.subf %reshape3A_10, %sub3A_411 : vector<20x32x256xf32>
    %integer_pow3A_413 = arith.mulf %sub3A_412, %sub3A_412 : vector<20x32x256xf32>
    %reduce_sum3A_414 = arith.constant dense<0.000000e+00> : vector<20x256xf32>
    %reduce_sum3A_415 = vector.multi_reduction <add>, %integer_pow3A_413, %reduce_sum3A_414 [1] : vector<20x32x256xf32> to vector<20x256xf32>
    %slice3A_416 = vector.extract_strided_slice %reduce_sum3A_64 {offsets = [11, 0], sizes = [1, 256], strides = [1, 1]} : vector<20x256xf32> to vector<1x256xf32>
    %squeeze3A_417 = vector.shape_cast %slice3A_416 : vector<1x256xf32> to vector<256xf32>
    %broadcast_in_dim3A_418 = vector.shape_cast %squeeze3A_417 : vector<256xf32> to vector<1x256xf32>
    %sub3A_419 = vector.broadcast %broadcast_in_dim3A_418 : vector<1x256xf32> to vector<20x256xf32>
    %sub3A_420 = arith.subf %sub3A_419, %reduce_sum3A_415 : vector<20x256xf32>
    %broadcast_in_dim3A_421 = vector.shape_cast %reduce_sum3A_68 : vector<20x256xf32> to vector<20x1x256xf32>
    %broadcast_in_dim3A_422 = vector.shape_cast %sub3A_420 : vector<20x256xf32> to vector<1x20x256xf32>
    %add3A_423 = vector.broadcast %broadcast_in_dim3A_421 : vector<20x1x256xf32> to vector<20x20x256xf32>
    %add3A_424 = vector.broadcast %broadcast_in_dim3A_422 : vector<1x20x256xf32> to vector<20x20x256xf32>
    %add3A_425 = arith.addf %add3A_423, %add3A_424 : vector<20x20x256xf32>
    %max3A_426 = arith.constant 0.000000e+00 : f32
    %max3A_427 = vector.broadcast %max3A_426 : f32 to vector<20x20x256xf32>
    %max3A_428 = arith.maximumf %add3A_425, %max3A_427 : vector<20x20x256xf32>
    %reduce_sum3A_429 = vector.shape_cast %max3A_428 : vector<20x20x256xf32> to vector<1x20x20x256xf32>
    %reduce_sum3A_430 = arith.constant dense<0.000000e+00> : vector<1xf32>
    %reduce_sum3A_431 = vector.multi_reduction <add>, %reduce_sum3A_429, %reduce_sum3A_430 [1, 2, 3] : vector<1x20x20x256xf32> to vector<1xf32>
    %reduce_sum3A_432 = vector.shape_cast %reduce_sum3A_431 : vector<1xf32> to vector<1x1x1x1xf32>
    %reduce_sum3A_433 = vector.extract %reduce_sum3A_432[0, 0, 0, 0] : f32 from vector<1x1x1x1xf32>
    %add3A_434 = arith.addf %add3A_407, %reduce_sum3A_433 : f32
    %slice3A_435 = vector.extract_strided_slice %reshape3A {offsets = [12, 0, 0], sizes = [1, 32, 256], strides = [1, 1, 1]} : vector<20x32x256xf32> to vector<1x32x256xf32>
    %squeeze3A_436 = vector.shape_cast %slice3A_435 : vector<1x32x256xf32> to vector<32x256xf32>
    %broadcast_in_dim3A_437 = vector.shape_cast %squeeze3A_436 : vector<32x256xf32> to vector<1x32x256xf32>
    %sub3A_438 = vector.broadcast %broadcast_in_dim3A_437 : vector<1x32x256xf32> to vector<20x32x256xf32>
    %sub3A_439 = arith.subf %reshape3A_10, %sub3A_438 : vector<20x32x256xf32>
    %integer_pow3A_440 = arith.mulf %sub3A_439, %sub3A_439 : vector<20x32x256xf32>
    %reduce_sum3A_441 = arith.constant dense<0.000000e+00> : vector<20x256xf32>
    %reduce_sum3A_442 = vector.multi_reduction <add>, %integer_pow3A_440, %reduce_sum3A_441 [1] : vector<20x32x256xf32> to vector<20x256xf32>
    %slice3A_443 = vector.extract_strided_slice %reduce_sum3A_64 {offsets = [12, 0], sizes = [1, 256], strides = [1, 1]} : vector<20x256xf32> to vector<1x256xf32>
    %squeeze3A_444 = vector.shape_cast %slice3A_443 : vector<1x256xf32> to vector<256xf32>
    %broadcast_in_dim3A_445 = vector.shape_cast %squeeze3A_444 : vector<256xf32> to vector<1x256xf32>
    %sub3A_446 = vector.broadcast %broadcast_in_dim3A_445 : vector<1x256xf32> to vector<20x256xf32>
    %sub3A_447 = arith.subf %sub3A_446, %reduce_sum3A_442 : vector<20x256xf32>
    %broadcast_in_dim3A_448 = vector.shape_cast %reduce_sum3A_68 : vector<20x256xf32> to vector<20x1x256xf32>
    %broadcast_in_dim3A_449 = vector.shape_cast %sub3A_447 : vector<20x256xf32> to vector<1x20x256xf32>
    %add3A_450 = vector.broadcast %broadcast_in_dim3A_448 : vector<20x1x256xf32> to vector<20x20x256xf32>
    %add3A_451 = vector.broadcast %broadcast_in_dim3A_449 : vector<1x20x256xf32> to vector<20x20x256xf32>
    %add3A_452 = arith.addf %add3A_450, %add3A_451 : vector<20x20x256xf32>
    %max3A_453 = arith.constant 0.000000e+00 : f32
    %max3A_454 = vector.broadcast %max3A_453 : f32 to vector<20x20x256xf32>
    %max3A_455 = arith.maximumf %add3A_452, %max3A_454 : vector<20x20x256xf32>
    %reduce_sum3A_456 = vector.shape_cast %max3A_455 : vector<20x20x256xf32> to vector<1x20x20x256xf32>
    %reduce_sum3A_457 = arith.constant dense<0.000000e+00> : vector<1xf32>
    %reduce_sum3A_458 = vector.multi_reduction <add>, %reduce_sum3A_456, %reduce_sum3A_457 [1, 2, 3] : vector<1x20x20x256xf32> to vector<1xf32>
    %reduce_sum3A_459 = vector.shape_cast %reduce_sum3A_458 : vector<1xf32> to vector<1x1x1x1xf32>
    %reduce_sum3A_460 = vector.extract %reduce_sum3A_459[0, 0, 0, 0] : f32 from vector<1x1x1x1xf32>
    %add3A_461 = arith.addf %add3A_434, %reduce_sum3A_460 : f32
    %slice3A_462 = vector.extract_strided_slice %reshape3A {offsets = [13, 0, 0], sizes = [1, 32, 256], strides = [1, 1, 1]} : vector<20x32x256xf32> to vector<1x32x256xf32>
    %squeeze3A_463 = vector.shape_cast %slice3A_462 : vector<1x32x256xf32> to vector<32x256xf32>
    %broadcast_in_dim3A_464 = vector.shape_cast %squeeze3A_463 : vector<32x256xf32> to vector<1x32x256xf32>
    %sub3A_465 = vector.broadcast %broadcast_in_dim3A_464 : vector<1x32x256xf32> to vector<20x32x256xf32>
    %sub3A_466 = arith.subf %reshape3A_10, %sub3A_465 : vector<20x32x256xf32>
    %integer_pow3A_467 = arith.mulf %sub3A_466, %sub3A_466 : vector<20x32x256xf32>
    %reduce_sum3A_468 = arith.constant dense<0.000000e+00> : vector<20x256xf32>
    %reduce_sum3A_469 = vector.multi_reduction <add>, %integer_pow3A_467, %reduce_sum3A_468 [1] : vector<20x32x256xf32> to vector<20x256xf32>
    %slice3A_470 = vector.extract_strided_slice %reduce_sum3A_64 {offsets = [13, 0], sizes = [1, 256], strides = [1, 1]} : vector<20x256xf32> to vector<1x256xf32>
    %squeeze3A_471 = vector.shape_cast %slice3A_470 : vector<1x256xf32> to vector<256xf32>
    %broadcast_in_dim3A_472 = vector.shape_cast %squeeze3A_471 : vector<256xf32> to vector<1x256xf32>
    %sub3A_473 = vector.broadcast %broadcast_in_dim3A_472 : vector<1x256xf32> to vector<20x256xf32>
    %sub3A_474 = arith.subf %sub3A_473, %reduce_sum3A_469 : vector<20x256xf32>
    %broadcast_in_dim3A_475 = vector.shape_cast %reduce_sum3A_68 : vector<20x256xf32> to vector<20x1x256xf32>
    %broadcast_in_dim3A_476 = vector.shape_cast %sub3A_474 : vector<20x256xf32> to vector<1x20x256xf32>
    %add3A_477 = vector.broadcast %broadcast_in_dim3A_475 : vector<20x1x256xf32> to vector<20x20x256xf32>
    %add3A_478 = vector.broadcast %broadcast_in_dim3A_476 : vector<1x20x256xf32> to vector<20x20x256xf32>
    %add3A_479 = arith.addf %add3A_477, %add3A_478 : vector<20x20x256xf32>
    %max3A_480 = arith.constant 0.000000e+00 : f32
    %max3A_481 = vector.broadcast %max3A_480 : f32 to vector<20x20x256xf32>
    %max3A_482 = arith.maximumf %add3A_479, %max3A_481 : vector<20x20x256xf32>
    %reduce_sum3A_483 = vector.shape_cast %max3A_482 : vector<20x20x256xf32> to vector<1x20x20x256xf32>
    %reduce_sum3A_484 = arith.constant dense<0.000000e+00> : vector<1xf32>
    %reduce_sum3A_485 = vector.multi_reduction <add>, %reduce_sum3A_483, %reduce_sum3A_484 [1, 2, 3] : vector<1x20x20x256xf32> to vector<1xf32>
    %reduce_sum3A_486 = vector.shape_cast %reduce_sum3A_485 : vector<1xf32> to vector<1x1x1x1xf32>
    %reduce_sum3A_487 = vector.extract %reduce_sum3A_486[0, 0, 0, 0] : f32 from vector<1x1x1x1xf32>
    %add3A_488 = arith.addf %add3A_461, %reduce_sum3A_487 : f32
    %slice3A_489 = vector.extract_strided_slice %reshape3A {offsets = [14, 0, 0], sizes = [1, 32, 256], strides = [1, 1, 1]} : vector<20x32x256xf32> to vector<1x32x256xf32>
    %squeeze3A_490 = vector.shape_cast %slice3A_489 : vector<1x32x256xf32> to vector<32x256xf32>
    %broadcast_in_dim3A_491 = vector.shape_cast %squeeze3A_490 : vector<32x256xf32> to vector<1x32x256xf32>
    %sub3A_492 = vector.broadcast %broadcast_in_dim3A_491 : vector<1x32x256xf32> to vector<20x32x256xf32>
    %sub3A_493 = arith.subf %reshape3A_10, %sub3A_492 : vector<20x32x256xf32>
    %integer_pow3A_494 = arith.mulf %sub3A_493, %sub3A_493 : vector<20x32x256xf32>
    %reduce_sum3A_495 = arith.constant dense<0.000000e+00> : vector<20x256xf32>
    %reduce_sum3A_496 = vector.multi_reduction <add>, %integer_pow3A_494, %reduce_sum3A_495 [1] : vector<20x32x256xf32> to vector<20x256xf32>
    %slice3A_497 = vector.extract_strided_slice %reduce_sum3A_64 {offsets = [14, 0], sizes = [1, 256], strides = [1, 1]} : vector<20x256xf32> to vector<1x256xf32>
    %squeeze3A_498 = vector.shape_cast %slice3A_497 : vector<1x256xf32> to vector<256xf32>
    %broadcast_in_dim3A_499 = vector.shape_cast %squeeze3A_498 : vector<256xf32> to vector<1x256xf32>
    %sub3A_500 = vector.broadcast %broadcast_in_dim3A_499 : vector<1x256xf32> to vector<20x256xf32>
    %sub3A_501 = arith.subf %sub3A_500, %reduce_sum3A_496 : vector<20x256xf32>
    %broadcast_in_dim3A_502 = vector.shape_cast %reduce_sum3A_68 : vector<20x256xf32> to vector<20x1x256xf32>
    %broadcast_in_dim3A_503 = vector.shape_cast %sub3A_501 : vector<20x256xf32> to vector<1x20x256xf32>
    %add3A_504 = vector.broadcast %broadcast_in_dim3A_502 : vector<20x1x256xf32> to vector<20x20x256xf32>
    %add3A_505 = vector.broadcast %broadcast_in_dim3A_503 : vector<1x20x256xf32> to vector<20x20x256xf32>
    %add3A_506 = arith.addf %add3A_504, %add3A_505 : vector<20x20x256xf32>
    %max3A_507 = arith.constant 0.000000e+00 : f32
    %max3A_508 = vector.broadcast %max3A_507 : f32 to vector<20x20x256xf32>
    %max3A_509 = arith.maximumf %add3A_506, %max3A_508 : vector<20x20x256xf32>
    %reduce_sum3A_510 = vector.shape_cast %max3A_509 : vector<20x20x256xf32> to vector<1x20x20x256xf32>
    %reduce_sum3A_511 = arith.constant dense<0.000000e+00> : vector<1xf32>
    %reduce_sum3A_512 = vector.multi_reduction <add>, %reduce_sum3A_510, %reduce_sum3A_511 [1, 2, 3] : vector<1x20x20x256xf32> to vector<1xf32>
    %reduce_sum3A_513 = vector.shape_cast %reduce_sum3A_512 : vector<1xf32> to vector<1x1x1x1xf32>
    %reduce_sum3A_514 = vector.extract %reduce_sum3A_513[0, 0, 0, 0] : f32 from vector<1x1x1x1xf32>
    %add3A_515 = arith.addf %add3A_488, %reduce_sum3A_514 : f32
    %slice3A_516 = vector.extract_strided_slice %reshape3A {offsets = [15, 0, 0], sizes = [1, 32, 256], strides = [1, 1, 1]} : vector<20x32x256xf32> to vector<1x32x256xf32>
    %squeeze3A_517 = vector.shape_cast %slice3A_516 : vector<1x32x256xf32> to vector<32x256xf32>
    %broadcast_in_dim3A_518 = vector.shape_cast %squeeze3A_517 : vector<32x256xf32> to vector<1x32x256xf32>
    %sub3A_519 = vector.broadcast %broadcast_in_dim3A_518 : vector<1x32x256xf32> to vector<20x32x256xf32>
    %sub3A_520 = arith.subf %reshape3A_10, %sub3A_519 : vector<20x32x256xf32>
    %integer_pow3A_521 = arith.mulf %sub3A_520, %sub3A_520 : vector<20x32x256xf32>
    %reduce_sum3A_522 = arith.constant dense<0.000000e+00> : vector<20x256xf32>
    %reduce_sum3A_523 = vector.multi_reduction <add>, %integer_pow3A_521, %reduce_sum3A_522 [1] : vector<20x32x256xf32> to vector<20x256xf32>
    %slice3A_524 = vector.extract_strided_slice %reduce_sum3A_64 {offsets = [15, 0], sizes = [1, 256], strides = [1, 1]} : vector<20x256xf32> to vector<1x256xf32>
    %squeeze3A_525 = vector.shape_cast %slice3A_524 : vector<1x256xf32> to vector<256xf32>
    %broadcast_in_dim3A_526 = vector.shape_cast %squeeze3A_525 : vector<256xf32> to vector<1x256xf32>
    %sub3A_527 = vector.broadcast %broadcast_in_dim3A_526 : vector<1x256xf32> to vector<20x256xf32>
    %sub3A_528 = arith.subf %sub3A_527, %reduce_sum3A_523 : vector<20x256xf32>
    %broadcast_in_dim3A_529 = vector.shape_cast %reduce_sum3A_68 : vector<20x256xf32> to vector<20x1x256xf32>
    %broadcast_in_dim3A_530 = vector.shape_cast %sub3A_528 : vector<20x256xf32> to vector<1x20x256xf32>
    %add3A_531 = vector.broadcast %broadcast_in_dim3A_529 : vector<20x1x256xf32> to vector<20x20x256xf32>
    %add3A_532 = vector.broadcast %broadcast_in_dim3A_530 : vector<1x20x256xf32> to vector<20x20x256xf32>
    %add3A_533 = arith.addf %add3A_531, %add3A_532 : vector<20x20x256xf32>
    %max3A_534 = arith.constant 0.000000e+00 : f32
    %max3A_535 = vector.broadcast %max3A_534 : f32 to vector<20x20x256xf32>
    %max3A_536 = arith.maximumf %add3A_533, %max3A_535 : vector<20x20x256xf32>
    %reduce_sum3A_537 = vector.shape_cast %max3A_536 : vector<20x20x256xf32> to vector<1x20x20x256xf32>
    %reduce_sum3A_538 = arith.constant dense<0.000000e+00> : vector<1xf32>
    %reduce_sum3A_539 = vector.multi_reduction <add>, %reduce_sum3A_537, %reduce_sum3A_538 [1, 2, 3] : vector<1x20x20x256xf32> to vector<1xf32>
    %reduce_sum3A_540 = vector.shape_cast %reduce_sum3A_539 : vector<1xf32> to vector<1x1x1x1xf32>
    %reduce_sum3A_541 = vector.extract %reduce_sum3A_540[0, 0, 0, 0] : f32 from vector<1x1x1x1xf32>
    %add3A_542 = arith.addf %add3A_515, %reduce_sum3A_541 : f32
    %slice3A_543 = vector.extract_strided_slice %reshape3A {offsets = [16, 0, 0], sizes = [1, 32, 256], strides = [1, 1, 1]} : vector<20x32x256xf32> to vector<1x32x256xf32>
    %squeeze3A_544 = vector.shape_cast %slice3A_543 : vector<1x32x256xf32> to vector<32x256xf32>
    %broadcast_in_dim3A_545 = vector.shape_cast %squeeze3A_544 : vector<32x256xf32> to vector<1x32x256xf32>
    %sub3A_546 = vector.broadcast %broadcast_in_dim3A_545 : vector<1x32x256xf32> to vector<20x32x256xf32>
    %sub3A_547 = arith.subf %reshape3A_10, %sub3A_546 : vector<20x32x256xf32>
    %integer_pow3A_548 = arith.mulf %sub3A_547, %sub3A_547 : vector<20x32x256xf32>
    %reduce_sum3A_549 = arith.constant dense<0.000000e+00> : vector<20x256xf32>
    %reduce_sum3A_550 = vector.multi_reduction <add>, %integer_pow3A_548, %reduce_sum3A_549 [1] : vector<20x32x256xf32> to vector<20x256xf32>
    %slice3A_551 = vector.extract_strided_slice %reduce_sum3A_64 {offsets = [16, 0], sizes = [1, 256], strides = [1, 1]} : vector<20x256xf32> to vector<1x256xf32>
    %squeeze3A_552 = vector.shape_cast %slice3A_551 : vector<1x256xf32> to vector<256xf32>
    %broadcast_in_dim3A_553 = vector.shape_cast %squeeze3A_552 : vector<256xf32> to vector<1x256xf32>
    %sub3A_554 = vector.broadcast %broadcast_in_dim3A_553 : vector<1x256xf32> to vector<20x256xf32>
    %sub3A_555 = arith.subf %sub3A_554, %reduce_sum3A_550 : vector<20x256xf32>
    %broadcast_in_dim3A_556 = vector.shape_cast %reduce_sum3A_68 : vector<20x256xf32> to vector<20x1x256xf32>
    %broadcast_in_dim3A_557 = vector.shape_cast %sub3A_555 : vector<20x256xf32> to vector<1x20x256xf32>
    %add3A_558 = vector.broadcast %broadcast_in_dim3A_556 : vector<20x1x256xf32> to vector<20x20x256xf32>
    %add3A_559 = vector.broadcast %broadcast_in_dim3A_557 : vector<1x20x256xf32> to vector<20x20x256xf32>
    %add3A_560 = arith.addf %add3A_558, %add3A_559 : vector<20x20x256xf32>
    %max3A_561 = arith.constant 0.000000e+00 : f32
    %max3A_562 = vector.broadcast %max3A_561 : f32 to vector<20x20x256xf32>
    %max3A_563 = arith.maximumf %add3A_560, %max3A_562 : vector<20x20x256xf32>
    %reduce_sum3A_564 = vector.shape_cast %max3A_563 : vector<20x20x256xf32> to vector<1x20x20x256xf32>
    %reduce_sum3A_565 = arith.constant dense<0.000000e+00> : vector<1xf32>
    %reduce_sum3A_566 = vector.multi_reduction <add>, %reduce_sum3A_564, %reduce_sum3A_565 [1, 2, 3] : vector<1x20x20x256xf32> to vector<1xf32>
    %reduce_sum3A_567 = vector.shape_cast %reduce_sum3A_566 : vector<1xf32> to vector<1x1x1x1xf32>
    %reduce_sum3A_568 = vector.extract %reduce_sum3A_567[0, 0, 0, 0] : f32 from vector<1x1x1x1xf32>
    %add3A_569 = arith.addf %add3A_542, %reduce_sum3A_568 : f32
    %slice3A_570 = vector.extract_strided_slice %reshape3A {offsets = [17, 0, 0], sizes = [1, 32, 256], strides = [1, 1, 1]} : vector<20x32x256xf32> to vector<1x32x256xf32>
    %squeeze3A_571 = vector.shape_cast %slice3A_570 : vector<1x32x256xf32> to vector<32x256xf32>
    %broadcast_in_dim3A_572 = vector.shape_cast %squeeze3A_571 : vector<32x256xf32> to vector<1x32x256xf32>
    %sub3A_573 = vector.broadcast %broadcast_in_dim3A_572 : vector<1x32x256xf32> to vector<20x32x256xf32>
    %sub3A_574 = arith.subf %reshape3A_10, %sub3A_573 : vector<20x32x256xf32>
    %integer_pow3A_575 = arith.mulf %sub3A_574, %sub3A_574 : vector<20x32x256xf32>
    %reduce_sum3A_576 = arith.constant dense<0.000000e+00> : vector<20x256xf32>
    %reduce_sum3A_577 = vector.multi_reduction <add>, %integer_pow3A_575, %reduce_sum3A_576 [1] : vector<20x32x256xf32> to vector<20x256xf32>
    %slice3A_578 = vector.extract_strided_slice %reduce_sum3A_64 {offsets = [17, 0], sizes = [1, 256], strides = [1, 1]} : vector<20x256xf32> to vector<1x256xf32>
    %squeeze3A_579 = vector.shape_cast %slice3A_578 : vector<1x256xf32> to vector<256xf32>
    %broadcast_in_dim3A_580 = vector.shape_cast %squeeze3A_579 : vector<256xf32> to vector<1x256xf32>
    %sub3A_581 = vector.broadcast %broadcast_in_dim3A_580 : vector<1x256xf32> to vector<20x256xf32>
    %sub3A_582 = arith.subf %sub3A_581, %reduce_sum3A_577 : vector<20x256xf32>
    %broadcast_in_dim3A_583 = vector.shape_cast %reduce_sum3A_68 : vector<20x256xf32> to vector<20x1x256xf32>
    %broadcast_in_dim3A_584 = vector.shape_cast %sub3A_582 : vector<20x256xf32> to vector<1x20x256xf32>
    %add3A_585 = vector.broadcast %broadcast_in_dim3A_583 : vector<20x1x256xf32> to vector<20x20x256xf32>
    %add3A_586 = vector.broadcast %broadcast_in_dim3A_584 : vector<1x20x256xf32> to vector<20x20x256xf32>
    %add3A_587 = arith.addf %add3A_585, %add3A_586 : vector<20x20x256xf32>
    %max3A_588 = arith.constant 0.000000e+00 : f32
    %max3A_589 = vector.broadcast %max3A_588 : f32 to vector<20x20x256xf32>
    %max3A_590 = arith.maximumf %add3A_587, %max3A_589 : vector<20x20x256xf32>
    %reduce_sum3A_591 = vector.shape_cast %max3A_590 : vector<20x20x256xf32> to vector<1x20x20x256xf32>
    %reduce_sum3A_592 = arith.constant dense<0.000000e+00> : vector<1xf32>
    %reduce_sum3A_593 = vector.multi_reduction <add>, %reduce_sum3A_591, %reduce_sum3A_592 [1, 2, 3] : vector<1x20x20x256xf32> to vector<1xf32>
    %reduce_sum3A_594 = vector.shape_cast %reduce_sum3A_593 : vector<1xf32> to vector<1x1x1x1xf32>
    %reduce_sum3A_595 = vector.extract %reduce_sum3A_594[0, 0, 0, 0] : f32 from vector<1x1x1x1xf32>
    %add3A_596 = arith.addf %add3A_569, %reduce_sum3A_595 : f32
    %slice3A_597 = vector.extract_strided_slice %reshape3A {offsets = [18, 0, 0], sizes = [1, 32, 256], strides = [1, 1, 1]} : vector<20x32x256xf32> to vector<1x32x256xf32>
    %squeeze3A_598 = vector.shape_cast %slice3A_597 : vector<1x32x256xf32> to vector<32x256xf32>
    %broadcast_in_dim3A_599 = vector.shape_cast %squeeze3A_598 : vector<32x256xf32> to vector<1x32x256xf32>
    %sub3A_600 = vector.broadcast %broadcast_in_dim3A_599 : vector<1x32x256xf32> to vector<20x32x256xf32>
    %sub3A_601 = arith.subf %reshape3A_10, %sub3A_600 : vector<20x32x256xf32>
    %integer_pow3A_602 = arith.mulf %sub3A_601, %sub3A_601 : vector<20x32x256xf32>
    %reduce_sum3A_603 = arith.constant dense<0.000000e+00> : vector<20x256xf32>
    %reduce_sum3A_604 = vector.multi_reduction <add>, %integer_pow3A_602, %reduce_sum3A_603 [1] : vector<20x32x256xf32> to vector<20x256xf32>
    %slice3A_605 = vector.extract_strided_slice %reduce_sum3A_64 {offsets = [18, 0], sizes = [1, 256], strides = [1, 1]} : vector<20x256xf32> to vector<1x256xf32>
    %squeeze3A_606 = vector.shape_cast %slice3A_605 : vector<1x256xf32> to vector<256xf32>
    %broadcast_in_dim3A_607 = vector.shape_cast %squeeze3A_606 : vector<256xf32> to vector<1x256xf32>
    %sub3A_608 = vector.broadcast %broadcast_in_dim3A_607 : vector<1x256xf32> to vector<20x256xf32>
    %sub3A_609 = arith.subf %sub3A_608, %reduce_sum3A_604 : vector<20x256xf32>
    %broadcast_in_dim3A_610 = vector.shape_cast %reduce_sum3A_68 : vector<20x256xf32> to vector<20x1x256xf32>
    %broadcast_in_dim3A_611 = vector.shape_cast %sub3A_609 : vector<20x256xf32> to vector<1x20x256xf32>
    %add3A_612 = vector.broadcast %broadcast_in_dim3A_610 : vector<20x1x256xf32> to vector<20x20x256xf32>
    %add3A_613 = vector.broadcast %broadcast_in_dim3A_611 : vector<1x20x256xf32> to vector<20x20x256xf32>
    %add3A_614 = arith.addf %add3A_612, %add3A_613 : vector<20x20x256xf32>
    %max3A_615 = arith.constant 0.000000e+00 : f32
    %max3A_616 = vector.broadcast %max3A_615 : f32 to vector<20x20x256xf32>
    %max3A_617 = arith.maximumf %add3A_614, %max3A_616 : vector<20x20x256xf32>
    %reduce_sum3A_618 = vector.shape_cast %max3A_617 : vector<20x20x256xf32> to vector<1x20x20x256xf32>
    %reduce_sum3A_619 = arith.constant dense<0.000000e+00> : vector<1xf32>
    %reduce_sum3A_620 = vector.multi_reduction <add>, %reduce_sum3A_618, %reduce_sum3A_619 [1, 2, 3] : vector<1x20x20x256xf32> to vector<1xf32>
    %reduce_sum3A_621 = vector.shape_cast %reduce_sum3A_620 : vector<1xf32> to vector<1x1x1x1xf32>
    %reduce_sum3A_622 = vector.extract %reduce_sum3A_621[0, 0, 0, 0] : f32 from vector<1x1x1x1xf32>
    %add3A_623 = arith.addf %add3A_596, %reduce_sum3A_622 : f32
    %slice3A_624 = vector.extract_strided_slice %reshape3A {offsets = [19, 0, 0], sizes = [1, 32, 256], strides = [1, 1, 1]} : vector<20x32x256xf32> to vector<1x32x256xf32>
    %squeeze3A_625 = vector.shape_cast %slice3A_624 : vector<1x32x256xf32> to vector<32x256xf32>
    %broadcast_in_dim3A_626 = vector.shape_cast %squeeze3A_625 : vector<32x256xf32> to vector<1x32x256xf32>
    %sub3A_627 = vector.broadcast %broadcast_in_dim3A_626 : vector<1x32x256xf32> to vector<20x32x256xf32>
    %sub3A_628 = arith.subf %reshape3A_10, %sub3A_627 : vector<20x32x256xf32>
    %integer_pow3A_629 = arith.mulf %sub3A_628, %sub3A_628 : vector<20x32x256xf32>
    %reduce_sum3A_630 = arith.constant dense<0.000000e+00> : vector<20x256xf32>
    %reduce_sum3A_631 = vector.multi_reduction <add>, %integer_pow3A_629, %reduce_sum3A_630 [1] : vector<20x32x256xf32> to vector<20x256xf32>
    %slice3A_632 = vector.extract_strided_slice %reduce_sum3A_64 {offsets = [19, 0], sizes = [1, 256], strides = [1, 1]} : vector<20x256xf32> to vector<1x256xf32>
    %squeeze3A_633 = vector.shape_cast %slice3A_632 : vector<1x256xf32> to vector<256xf32>
    %broadcast_in_dim3A_634 = vector.shape_cast %squeeze3A_633 : vector<256xf32> to vector<1x256xf32>
    %sub3A_635 = vector.broadcast %broadcast_in_dim3A_634 : vector<1x256xf32> to vector<20x256xf32>
    %sub3A_636 = arith.subf %sub3A_635, %reduce_sum3A_631 : vector<20x256xf32>
    %broadcast_in_dim3A_637 = vector.shape_cast %reduce_sum3A_68 : vector<20x256xf32> to vector<20x1x256xf32>
    %broadcast_in_dim3A_638 = vector.shape_cast %sub3A_636 : vector<20x256xf32> to vector<1x20x256xf32>
    %add3A_639 = vector.broadcast %broadcast_in_dim3A_637 : vector<20x1x256xf32> to vector<20x20x256xf32>
    %add3A_640 = vector.broadcast %broadcast_in_dim3A_638 : vector<1x20x256xf32> to vector<20x20x256xf32>
    %add3A_641 = arith.addf %add3A_639, %add3A_640 : vector<20x20x256xf32>
    %max3A_642 = arith.constant 0.000000e+00 : f32
    %max3A_643 = vector.broadcast %max3A_642 : f32 to vector<20x20x256xf32>
    %max3A_644 = arith.maximumf %add3A_641, %max3A_643 : vector<20x20x256xf32>
    %reduce_sum3A_645 = vector.shape_cast %max3A_644 : vector<20x20x256xf32> to vector<1x20x20x256xf32>
    %reduce_sum3A_646 = arith.constant dense<0.000000e+00> : vector<1xf32>
    %reduce_sum3A_647 = vector.multi_reduction <add>, %reduce_sum3A_645, %reduce_sum3A_646 [1, 2, 3] : vector<1x20x20x256xf32> to vector<1xf32>
    %reduce_sum3A_648 = vector.shape_cast %reduce_sum3A_647 : vector<1xf32> to vector<1x1x1x1xf32>
    %reduce_sum3A_649 = vector.extract %reduce_sum3A_648[0, 0, 0, 0] : f32 from vector<1x1x1x1xf32>
    %add3A_650 = arith.addf %add3A_623, %reduce_sum3A_649 : f32
    %reduce_sum3A_651 = vector.shape_cast %broadcast_in_dim3A_37 : vector<1x256xf32> to vector<1x1x256xf32>
    %reduce_sum3A_652 = arith.constant dense<0.000000e+00> : vector<1xf32>
    %reduce_sum3A_653 = vector.multi_reduction <add>, %reduce_sum3A_651, %reduce_sum3A_652 [1, 2] : vector<1x1x256xf32> to vector<1xf32>
    %reduce_sum3A_654 = vector.shape_cast %reduce_sum3A_653 : vector<1xf32> to vector<1x1x1xf32>
    %reduce_sum3A_655 = vector.extract %reduce_sum3A_654[0, 0, 0] : f32 from vector<1x1x1xf32>
    %div3A = arith.constant 1.024000e+03 : f32
    %div3A_656 = arith.divf %reduce_sum3A_655, %div3A : f32
    %reduce_sum3A_657 = vector.shape_cast %reduce_sum3A_64 : vector<20x256xf32> to vector<1x20x256xf32>
    %reduce_sum3A_658 = arith.constant dense<0.000000e+00> : vector<1xf32>
    %reduce_sum3A_659 = vector.multi_reduction <add>, %reduce_sum3A_657, %reduce_sum3A_658 [1, 2] : vector<1x20x256xf32> to vector<1xf32>
    %reduce_sum3A_660 = vector.shape_cast %reduce_sum3A_659 : vector<1xf32> to vector<1x1x1xf32>
    %reduce_sum3A_661 = vector.extract %reduce_sum3A_660[0, 0, 0] : f32 from vector<1x1x1xf32>
    %div3A_662 = arith.constant 2.048000e+04 : f32
    %div3A_663 = arith.divf %reduce_sum3A_661, %div3A_662 : f32
    %add3A_664 = arith.addf %div3A_656, %div3A_663 : f32
    %reduce_sum3A_665 = vector.shape_cast %broadcast_in_dim3A_47 : vector<1x256xf32> to vector<1x1x256xf32>
    %reduce_sum3A_666 = arith.constant dense<0.000000e+00> : vector<1xf32>
    %reduce_sum3A_667 = vector.multi_reduction <add>, %reduce_sum3A_665, %reduce_sum3A_666 [1, 2] : vector<1x1x256xf32> to vector<1xf32>
    %reduce_sum3A_668 = vector.shape_cast %reduce_sum3A_667 : vector<1xf32> to vector<1x1x1xf32>
    %reduce_sum3A_669 = vector.extract %reduce_sum3A_668[0, 0, 0] : f32 from vector<1x1x1xf32>
    %div3A_670 = arith.constant 1.024000e+03 : f32
    %div3A_671 = arith.divf %reduce_sum3A_669, %div3A_670 : f32
    %add3A_672 = arith.addf %add3A_664, %div3A_671 : f32
    %mul3A = arith.constant 5.000000e-01 : f32
    %mul3A_673 = arith.mulf %mul3A, %add3A_650 : f32
    %add3A_674 = arith.addf %reduce_sum3A_96, %mul3A_673 : f32
    %mul3A_675 = arith.constant 5.000000e-01 : f32
    %mul3A_676 = arith.mulf %mul3A_675, %reduce_sum3A_111 : f32
    %add3A_677 = arith.addf %add3A_674, %mul3A_676 : f32
    %mul3A_678 = arith.constant 1.000000e-01 : f32
    %mul3A_679 = arith.mulf %mul3A_678, %add3A_672 : f32
    %add3A_680 = arith.addf %add3A_677, %mul3A_679 : f32
    %eq3A_681 = arith.constant 0 : i32
    %eq3A_682 = arith.cmpi eq, %arg0, %eq3A_681 : i32
    %convert_element_type3A = arith.extui %eq3A_682 : i1 to i32
    %cond3A = arith.constant 0 : i32
    %cond3A_683 = arith.cmpi ne, %convert_element_type3A, %cond3A : i32
    scf.if %cond3A_683 {
      %swap3A_690 = arith.constant 0.000000e+00 : f32
      %swap3A_691 = arith.constant 0 : index
      %swap3A_692 = arith.constant 0 : index
      %swap3A_693 = memref.load %arg11[%swap3A_691, %swap3A_692] : memref<1x1xf32, #tpu.memory_space<smem>>
      memref.store %swap3A_690, %arg11[%swap3A_691, %swap3A_692] : memref<1x1xf32, #tpu.memory_space<smem>>
    } else {
    }
    %get3A_684 = arith.constant 0 : index
    %get3A_685 = arith.constant 0 : index
    %get3A_686 = memref.load %arg11[%get3A_684, %get3A_685] : memref<1x1xf32, #tpu.memory_space<smem>>
    %add3A_687 = arith.addf %get3A_686, %add3A_680 : f32
    %swap3A = arith.constant 0 : index
    %swap3A_688 = arith.constant 0 : index
    %swap3A_689 = memref.load %arg11[%swap3A, %swap3A_688] : memref<1x1xf32, #tpu.memory_space<smem>>
    memref.store %add3A_687, %arg11[%swap3A, %swap3A_688] : memref<1x1xf32, #tpu.memory_space<smem>>
    return
  }
  func.func @transform_0(%arg0: i32) -> (i32, i32) {
    %c0_i32 = arith.constant 0 : i32
    %c0_i32_0 = arith.constant 0 : i32
    return %arg0, %c0_i32 : i32, i32
  }
  func.func @transform_1(%arg0: i32) -> (i32, i32) {
    %c0_i32 = arith.constant 0 : i32
    %c0_i32_0 = arith.constant 0 : i32
    return %arg0, %c0_i32 : i32, i32
  }
  func.func @transform_2(%arg0: i32) -> (i32, i32) {
    %c0_i32 = arith.constant 0 : i32
    %c0_i32_0 = arith.constant 0 : i32
    return %arg0, %c0_i32 : i32, i32
  }
  func.func @transform_3(%arg0: i32) -> (i32, i32) {
    %c0_i32 = arith.constant 0 : i32
    %c0_i32_0 = arith.constant 0 : i32
    return %arg0, %c0_i32 : i32, i32
  }
  func.func @transform_4(%arg0: i32) -> (i32, i32) {
    %c0_i32 = arith.constant 0 : i32
    %c0_i32_0 = arith.constant 0 : i32
    return %arg0, %c0_i32 : i32, i32
  }
  func.func @transform_5(%arg0: i32) -> (i32, i32) {
    %c0_i32 = arith.constant 0 : i32
    %c0_i32_0 = arith.constant 0 : i32
    return %arg0, %c0_i32 : i32, i32
  }
  func.func @transform_6(%arg0: i32) -> (i32, i32) {
    %c0_i32 = arith.constant 0 : i32
    %c0_i32_0 = arith.constant 0 : i32
    return %arg0, %c0_i32 : i32, i32
  }
  func.func @transform_7(%arg0: i32) -> (i32, i32) {
    %c0_i32 = arith.constant 0 : i32
    %c0_i32_0 = arith.constant 0 : i32
    return %arg0, %c0_i32 : i32, i32
  }
  func.func @transform_8(%arg0: i32) -> (i32, i32) {
    %c0_i32 = arith.constant 0 : i32
    %c0_i32_0 = arith.constant 0 : i32
    return %arg0, %c0_i32 : i32, i32
  }
  func.func @transform_9(%arg0: i32) -> (i32, i32) {
    %c0_i32 = arith.constant 0 : i32
    %c0_i32_0 = arith.constant 0 : i32
    return %arg0, %c0_i32 : i32, i32
  }
  func.func @transform_10(%arg0: i32) -> (i32, i32) {
    %c0_i32 = arith.constant 0 : i32
    %c0_i32_0 = arith.constant 0 : i32
    %c0_i32_1 = arith.constant 0 : i32
    return %c0_i32, %c0_i32_0 : i32, i32
  }
}

</mosaic_0001>

<sc_bundles>
// kernel: kernel.5.cloned.1.call-start
scs
__scs_entry_jumppad:
0x0: {  	(pc) =	sbr.rel $0x88, $3  }
0x1: {  	(tag) =	ssettag $0x0;
	lr =	simm.s32 $0x1  }
0x2: {  	[smem:$0x3F97] =	sst lr;
	_ =	strace $0xD0000000  }
0x3: {  	_ = 	snop  }
0x4: {  	_ = 	snop  }
0x5: {  	_ = 	snop  }
0x6: {  	_ = 	snop  }
0x7: {  	_ = 	snop  }
__scs_overlays_trampoline_lowered:
0x8: {  	[smem:$0x3FA6] =	sst s0  }
0x9: {  	[smem:$0x3FA7] =	sst s1  }
0xa: {  	[smem:$0x3FA8] =	sst s2  }
0xb: {  	[smem:$0x3FA9] =	sst s3  }
0xc: {  	[smem:$0x3FAA] =	sst s4  }
0xd: {  	[smem:$0x3FAB] =	sst s5  }
0xe: {  	[smem:$0x3FAC] =	sst s6  }
0xf: {  	[smem:$0x3FAD] =	sst s7  }
0x10: {  	[smem:$0x3FAE] =	sst s8  }
0x11: {  	[smem:$0x3FAF] =	sst s9;
	s0 =	simm.s32 @!p0 $0x0  }
0x12: {  	s1 =	sld [smem:$0x3F95];
	s0 =	simm.s32 @p0 $0x1  }
0x13: {  	[smem:$0x3FB0] =	sst s0;
	s0 =	simm.s32 @!p1 $0x0  }
0x14: {  	s2 =	sld [smem:$0x3F94];
	s0 =	simm.s32 @p1 $0x1  }
0x15: {  	[smem:$0x3FB1] =	sst s0;
	s0 =	simm.s32 @!p2 $0x0  }
0x16: {  	s3 =	sld [smem:$0x3FDB];
	s0 =	simm.s32 @p2 $0x1  }
0x17: {  	s4 =	simm.s32 $0x1BF5;
	[smem:$0x3FB3] =	sst s0  }
0x18: {  	s0 =	sld [smem:$0x3F96];
	_ =	swait.ge [sflag:s4], $0x0  }
0x19: {  	s7 =	sld [smem:$0x3F97]  }
0x1a: {  	s8 =	sadd.s32 $0xFFFFE003, lr  }
0x1b: {  	s9 =	sadd.s32 $0xFFFFFEF7, lr;
	s5 =	simm.s32 $0xFFFFFFFF;
	p2 =	slt.u32 s8, $0xFFFFF086  }
0x1c: {  	p1 =	slt.u32 s9, $0xF7A;
	s5 =	simm.s32 @!p2 $0x0  }
0x1d: {  	s5 =	simm.s32 @p1 $0x1;
	p0 =	seq.s32 s7, s2  }
0x1e: {  	s7 =	smul.u32 @!p0 $0xF7A, s2;
	p2 =	seq.s32 @!p0 s5, $0x0  }
0x1f: {  	s9 =	smul.u32 $0xF7A, s1;
	s8 =	simm.s32 @!p0 $0x1BF5;
	p2 =	por !p2, p0  }
0x20: {  	[sflag:s8] =	ssyncset.s32 @!p0 $0xFFFFF086;
	s6 =	sadd.s32 @!p0 s3, s7;
	s7 =	simm.s32 @!p0 $0x108  }
0x21: {  	s3 =	sadd.s32 s3, s9;
	s6 =	sadd.s32 @!p0 $0x88, s6;
	s7 =	simm.s32 @p2 $0x1082  }
0x22: {  	[simem:s7], [sflag:s8] =	dma.local @!p0 [hbm:s6], $0xF7A  }
0x23: {  	s9 =	sor.u32 $0xD0000000, s2;
	s6 =	simm.s32 $0x108;
	_ =	swait.ge @!p0 [sflag:s8], $0x0  }
0x24: {  	s3 =	sadd.s32 $0x88, s3;
	s6 =	simm.s32 @!p1 $0x1082;
	[sflag:s4] =	ssyncset.s32 $0xFFFFF086  }
0x25: {  	[simem:s6], [sflag:s4] =	dma.local [hbm:s3], $0xF7A  }
0x26: {  	[smem:$0x3F97] =	sst s1;
	(tag) =	ssettag s2;
	_ =	strace s9  }
0x27: {  	s1 =	sld [smem:$0x3FA7]  }
0x28: {  	s2 =	sld [smem:$0x3FA8]  }
0x29: {  	s4 =	sld [smem:$0x3FAA]  }
0x2a: {  	p0 =	seq.s32 s5, $0x0;
	s5 =	sld [smem:$0x3FAB]  }
0x2b: {  	s6 =	sld [smem:$0x3FAC]  }
0x2c: {  	s7 =	sld [smem:$0x3FAD]  }
0x2d: {  	s3 =	simm.s32 $0x108;
	s8 =	sld [smem:$0x3FAE]  }
0x2e: {  	s3 =	simm.s32 @!p0 $0x1082;
	s9 =	sld [smem:$0x3FAF]  }
0x2f: {  	lr =	sadd.s32 s0, s3;
	s0 =	sld [smem:$0x3FA6]  }
0x30: {  	s3 =	sld [smem:$0x3FA9]  }
0x31: {  	[smem:$0x3FB2] =	sst s10  }
0x32: {  	s10 =	sld [smem:$0x3FB0];
	_ =	sdelay $0x3  }
0x33: {  	p0 =	seq.s32 s10, $0x1;
	s10 =	sld [smem:$0x3FB2];
	_ =	sdelay $0x3  }
0x34: {  	[smem:$0x3FB2] =	sst s10  }
0x35: {  	s10 =	sld [smem:$0x3FB1];
	_ =	sdelay $0x3  }
0x36: {  	p1 =	seq.s32 s10, $0x1;
	s10 =	sld [smem:$0x3FB2];
	_ =	sdelay $0x3  }
0x37: {  	[smem:$0x3FB2] =	sst s10  }
0x38: {  	s10 =	sld [smem:$0x3FB3]  }
0x39: {  	_ = 	snop;
	(pc) =	sbr.ind lr, $3  }
0x3a: {  	_ = 	snop  }
0x3b: {  	_ = 	snop  }
0x3c: {  	p2 =	seq.s32 s10, $0x1;
	s10 =	sld [smem:$0x3FB2]  }
0x3d: {  	_ =	shalt  }
0x3e: {  	_ =	shalt  }
0x3f: {  	_ =	shalt  }
0x40: {  	_ =	shalt  }
0x41: {  	_ =	shalt  }
0x42: {  	_ =	shalt  }
0x43: {  	_ =	shalt  }
0x44: {  	_ =	shalt  }
0x45: {  	_ =	shalt  }
0x46: {  	_ =	shalt  }
0x47: {  	_ =	shalt  }
0x48: {  	_ =	shalt  }
0x49: {  	_ =	shalt  }
0x4a: {  	_ =	shalt  }
0x4b: {  	_ =	shalt  }
0x4c: {  	_ =	shalt  }
0x4d: {  	_ =	shalt  }
0x4e: {  	_ =	shalt  }
0x4f: {  	_ =	shalt  }
0x50: {  	_ =	shalt  }
0x51: {  	_ =	shalt  }
0x52: {  	_ =	shalt  }
0x53: {  	_ =	shalt  }
0x54: {  	_ =	shalt  }
0x55: {  	_ =	shalt  }
0x56: {  	_ =	shalt  }
0x57: {  	_ =	shalt  }
0x58: {  	_ =	shalt  }
0x59: {  	_ =	shalt  }
0x5a: {  	_ =	shalt  }
0x5b: {  	_ =	shalt  }
0x5c: {  	_ =	shalt  }
0x5d: {  	_ =	shalt  }
0x5e: {  	_ =	shalt  }
0x5f: {  	_ =	shalt  }
0x60: {  	_ =	shalt  }
0x61: {  	_ =	shalt  }
0x62: {  	_ =	shalt  }
0x63: {  	_ =	shalt  }
0x64: {  	_ =	shalt  }
0x65: {  	_ =	shalt  }
0x66: {  	_ =	shalt  }
0x67: {  	_ =	shalt  }
0x68: {  	_ =	shalt  }
0x69: {  	_ =	shalt  }
0x6a: {  	_ =	shalt  }
0x6b: {  	_ =	shalt  }
0x6c: {  	_ =	shalt  }
0x6d: {  	_ =	shalt  }
0x6e: {  	_ =	shalt  }
0x6f: {  	_ =	shalt  }
0x70: {  	_ =	shalt  }
0x71: {  	_ =	shalt  }
0x72: {  	_ =	shalt  }
0x73: {  	_ =	shalt  }
0x74: {  	_ =	shalt  }
0x75: {  	_ =	shalt  }
0x76: {  	_ =	shalt  }
0x77: {  	_ =	shalt  }
0x78: {  	_ =	shalt  }
0x79: {  	_ =	shalt  }
0x7a: {  	_ =	shalt  }
0x7b: {  	_ =	shalt  }
0x7c: {  	_ =	shalt  }
0x7d: {  	_ =	shalt  }
0x7e: {  	_ =	shalt  }
0x7f: {  	_ =	shalt  }
0x80: {  	_ =	shalt  }
0x81: {  	_ =	shalt  }
0x82: {  	_ =	shalt  }
0x83: {  	_ =	shalt  }
0x84: {  	_ =	shalt  }
0x85: {  	_ =	shalt  }
0x86: {  	_ =	shalt  }
0x87: {  	_ =	shalt  }
.Lfunc_end0:
.L_simem_size_0:
called_computation_lowered:
.L_overlay_start_0:
0x88: {  	s2 =	sld [smem:$0x3FD9]  }
0x89: {  	s3 =	sld [smem:$0x3FFE];
	_ =	sdelay $0x1  }
0x8a: {  	s1 =	srdreg.scid  }
0x8b: {  	s0 =	sand.u32 $0x1, s1  }
0x8c: {  	s17 =	sshll.u32 s0, $0xA;
	s2 =	sadd.s32 s3, s2  }
0x8d: {  	s2 =	sadd.s32 s2, s17  }
0x8e: {  	[smem:$0x3FBE] =	sst s2  }
0x8f: {  	_ = 	snop  }
0x90: {  	s2 =	sld [smem:$0x3FC9];
	(tm) =	ssettm $0x1  }
0x91: {  	s18 =	sld [smem:$0x3FFB];
	_ =	sdelay $0x3  }
0x92: {  	_ =	strace s18  }
0x93: {  	s3 =	sld [smem:$0x3FFC];
	_ =	sdelay $0x3  }
0x94: {  	_ =	strace s3  }
0x95: {  	s3 =	sld [smem:$0x3FFD];
	_ =	sdelay $0x3  }
0x96: {  	_ =	strace s3  }
0x97: {  	_ =	strace $0x8FFFFFFF  }
0x98: {  	s19 =	sld [smem:$0x3FDB];
	_ =	sdelay $0x1  }
0x99: {  	s4 =	simm.s32 $_scs_section_size  }
0x9a: {  	s5 =	simm.s32 $_size__tile_overlayer_lowered;
	s6 =	simm.s32 $_tile_overlayer_lowered  }
0x9b: {  	s22 =	simm.s32 $0x1BFF;
	s21 =	sshll.u32 s6, $0x1;
	s3 =	sadd.s32 s4, s19  }
0x9c: {  	s7 =	simm.s32 $0x0;
	s20 =	sshll.u32 s5, $0x1;
	s5 =	sadd.s32 s21, s3  }
0x9d: {  	[timem:s7], [sflag:s22] =	dma.local [hbm:s5], s20  }
0x9e: {  	_ =	swait.ge [sflag:s22], s20  }
0x9f: {  	s4 =	ssub.s32 $0x0, s20;
	[sflag:s22] =	ssyncset.done $0x0  }
0xa0: {  	[sflag:s22] =	ssyncadd.s32 s4;
	_ =	sdelay $0x1  }
0xa1: {  	s23 =	simm.s32 $0x1B8B  }
0xa2: {  	_ =	swait.ge [sflag:s23], $0x1  }
0xa3: {  	[sflag:s23] =	ssyncset.done $0x0  }
0xa4: {  	s25 =	simm.s32 $0x1B8E;
	s24 =	sld [smem:$0x3FFE];
	[sflag:s23] =	ssyncadd.s32 $0xFFFFFFFF  }
0xa5: {  	s26 =	simm.s32 $execute0_lowered;
	[smem:$0x3FD2] =	sst s25  }
0xa6: {  	s5 =	sshll.u32 s26, $0x1;
	_ =	strace $0x80000046;
	[dreg:$0x1] =	wrdreg $0xFFFFFFFF  }
0xa7: {  	s28 =	simm.s32 $_size_execute0_lowered;
	s3 =	sadd.s32 s3, s5;
	[dreg:$0x0] =	wrdreg $0x0  }
0xa8: {  	s5 =	sshll.u32 s28, $0x1;
	[dreg:$0x2] =	wrdreg s3  }
0xa9: {  	[dreg:$0x3] =	wrdreg s5  }
0xaa: {  	[dreg:$0x4] =	wrdreg $0xC0  }
0xab: {  	_ =	task [dreg:s7], $0x5FFFF  }
0xac: {  	[dreg:$0x1] =	wrdreg $0xFFFFFFFF  }
0xad: {  	[dreg:$0x0] =	wrdreg $0x60  }
0xae: {  	[dreg:$0x2] =	wrdreg s2  }
0xaf: {  	[dreg:$0x3] =	wrdreg s24  }
0xb0: {  	[dreg:$0x4] =	wrdreg $0x9  }
0xb1: {  	_ =	task.clear_ibuf [dreg:s7], $0x5FFFF;
	_ =	strace $0x90000046  }
0xb2: {  	s29 =	simm.s32 $0x9;
	_ =	strace $0x80000048  }
0xb3: {  	_ =	swait.ge [sflag:s29], $0x1  }
0xb4: {  	[sflag:s29] =	ssyncadd.s32 $0xFFFFFFFF  }
0xb5: {  	_ =	strace $0x90000048  }
0xb6: {  	_ =	sfence  }
0xb7: {  	s30 =	sld [smem:$0x0];
	_ =	sdelay $0x2  }
0xb8: {  	s31 =	sshll.u32 s1, $0xD;
	s1 =	sshrl.u32 s1, $0x2  }
0xb9: {  	s3 =	sand.u32 $0x4000, s31;
	s1 =	sadd.s32 s1, s30  }
0xba: {  	s0 =	sor.u32 s3, s0;
	s1 =	sshll.u32 s1, $0x11  }
0xbb: {  	s0 =	sor.u32 s1, s0  }
0xbc: {  	s0 =	sadd.s32 $0x8F2B, s0  }
0xbd: {  	[sflag:s0] =	ssyncadd.remote.s32 $0x1  }
0xbe: {  	_ =	sfence.sel $0xFFFF  }
0xbf: {  	[dreg:$0x0] =	wrdreg $0xFFFFFFFF;
	(pc) =	sbr.abs _section_cstart, $3  }
0xc0: {  	[dreg:$0x1] =	wrdreg $0xFFFFFFFF  }
0xc1: {  	_ =	task.clear_ibuf [dreg:s7], $0x2FFFF;
	_ =	strace $0x9FFFFFFF  }
0xc2: {  	(tm) =	ssettm $0x7FFFFFFF  }
0xc3: {  	_ =	shalt  }
tec
execute0_lowered:
.L_overlay_start_1:
0x0: {  	(tag) =	ssettag $0x1  }
0x1: {  	s0 =	rddreg [dreg:$0x0]  }
0x2: {  	s3 =	rddreg [dreg:$0x1]  }
0x3: {  	s15 =	rddreg [dreg:$0x2]  }
0x4: {  	s4 =	srdreg.scid;
	s1 =	stileid.u32;
	s2 =	simm.s32 $0x0  }
0x5: {  	s12 =	simm.s32 $0x20;
	s11 =	simm.s32 $0x80;
	p0 =	por $0x0, $0x0  }
0x6: {  	s28 =	simm.s32 $0x220;
	s29 =	simm.s32 $0x4940;
	s30 =	simm.s32 $0x4A0  }
0x7: {  	s31 =	simm.s32 $0x9940;
	s4 =	sand.u32 $0x1, s4;
	s5 =	sshll.u32 s1, $0x1  }
0x8: {  	[smem:$0x7FF] =	sst s2;
	s7 =	sadd.s32 $0x3C00, s3;
	s13 =	sadd.s32 $0x6E00, s3  }
0x9: {  	s10 =	sadd.s32 $0x18A600, s3;
	_ =	strace $0x80000047;
	[dreg:$0x3] =	wrdreg s7  }
0xa: {  	s5 =	sor.u32 s4, s5;
	[dreg:$0x4] =	wrdreg s13;
	s4 =	ssub.s32 $0x2, s4  }
0xb: {  	s13 =	simm.s32 $0x2A0;
	s7 =	simm.s32 $0x540;
	s6 =	smul.u32 $0x50, s5  }
0xc: {  	s14 =	sshll.u32 s5, $0x2;
	s8 =	sshll.u32 s5, $0x7;
	s9 =	smul.u32 $0xA00, s5  }
0xd: {  	s5 =	sshll.u32 s5, $0x6;
	s23 =	sshrl.u32 s4, $0x1;
	s0 =	sadd.s32 s0, s14  }
0xe: {  	s16 =	sadd.s32 s8, s3;
	s5 =	sadd.s32 s5, s3;
	s4 =	ssub.s32 s4, s23  }
0xf: {  	s14 =	simm.s32 $0x520;
	s8 =	simm.s32 $0x940;
	s23 =	simm.s32 $0x1A0  }
0x10: {  	s6 =	sadd.s32 s6, s3;
	[dreg:$0x5] =	wrdreg s0;
	s18 =	sadd.s32 s9, s3  }
0x11: {  	s20 =	sadd.s32 $0xA000, s16;
	s24 =	sadd.s32 $0x33000, s5;
	s25 =	sadd.s32 $0x33800, s5  }
0x12: {  	s26 =	smax.u32 s4, $0x1;
	s3 =	simm.s32 $0x2;
	s5 =	simm.s32 $0xA940  }
0x13: {  	s4 =	simm.s32 $0xAB40;
	s16 =	simm.s32 $0x1940;
	s9 =	simm.s32 $0x1  }
0x14: {  	s17 =	sadd.s32 $0x2800, s6;
	s19 =	sadd.s32 $0x3200, s6;
	[dreg:$0x8] =	wrdreg s20  }
0x15: {  	s21 =	sadd.s32 $0xB000, s18;
	s22 =	sadd.s32 $0x1F000, s18;
	[dreg:$0xb] =	wrdreg s24  }
0x16: {  	[dreg:$0xc] =	wrdreg s25;
	s6 =	simm.s32 $0x5940;
	p1 =	sne.s32 s26, $0x1  }
.Ltmp0:
0x17: {  	s18 =	simm.s32 $0x6940;
	[dreg:$0x6] =	wrdreg s17;
	(pc) =	sbr.rel @!p1 .LBB2_5-.Ltmp0, $4  }
0x18: {  	s20 =	simm.s32 $0x2940;
	s24 =	simm.s32 $0x3940;
	[dreg:$0x7] =	wrdreg s19  }
0x19: {  	s25 =	simm.s32 $0x420;
	s0 =	sadd.s32 $0xFFFFFFFF, s26;
	[dreg:$0x9] =	wrdreg s21  }
0x1a: {  	s26 =	simm.s32 $0x8940;
	[dreg:$0xa] =	wrdreg s22;
	s17 =	simm.s32 $0x320  }
0x1b: {  	s19 =	simm.s32 $0x120;
	s21 =	simm.s32 $0x3A0;
	s22 =	simm.s32 $0x7940  }
0x1c: {  	s1 =	rddreg [dreg:$0x5]  }
0x1d: {  	[tilespmem:s2], [sflag:$0x2] =	stream.linear.gather [hbm4b:s1+s2], $0x20, $0x38;
	[tilespmem:$0xAD40] =	vst v63  }
0x1e: {  	_ =	swait.ge [sflag:s3], $0x20  }
0x1f: {  	[sflag:s3] =	ssyncset.done $0x0  }
0x20: {  	s15 =	rddreg [dreg:$0x6];
	[sflag:s3] =	ssyncadd.s32 $0xFFFFFFE0  }
0x21: {  	[tilespmem:s12], [sflag:$0x2] =	stream.linear.gather [hbm4b:s15+s2], $0x280, $0x38;
	[tilespmem:$0xAD40] =	vst v63  }
0x22: {  	_ =	swait.ge [sflag:s3], $0x280  }
0x23: {  	[sflag:s3] =	ssyncset.done $0x0  }
0x24: {  	s15 =	rddreg [dreg:$0x7];
	[sflag:s3] =	ssyncadd.s32 $0xFFFFFD80  }
0x25: {  	[tilespmem:s13], [sflag:$0x2] =	stream.linear.gather [hbm4b:s15+s2], $0x280, $0x38;
	[tilespmem:$0xAD40] =	vst v63  }
0x26: {  	_ =	swait.ge [sflag:s3], $0x280  }
0x27: {  	[sflag:s3] =	ssyncset.done $0x0  }
0x28: {  	[sflag:s3] =	ssyncadd.s32 $0xFFFFFD80  }
0x29: {  	v0 =	vld [tilespmem:$0x0]  }
0x2a: {  	v1 =	vld [tilespmem:$0x10];
	_ =	sdelay $0x3  }
0x2b: {  	v0 =	vshrl.u32 v0, $0x4  }
0x2c: {  	v63 =	vshrl.u32 v1, $0x4;
	[tilespmem:$0x520] =	vst v0  }
0x2d: {  	[tilespmem:$0x530] =	vst v63  }
0x2e: {  	[tilespmem:s7], [sflag:$0x1] =	stream.indirect.gather [hbm4b:s10+s12], $0x20, s2, s12, $0xb8;
	[tilespmem:$0xAD40] =	vst v63  }
0x2f: {  	s1 =	rddreg [dreg:$0x3]  }
0x30: {  	[tilespmem:s5], [sflag:$0x1] =	stream.indirect.gather [hbm4b:s1+s12], $0x10, s14, s12, $0xb8;
	[tilespmem:$0xAD40] =	vst v63  }
0x31: {  	s15 =	smov.u32 s0;
	s0 =	rddreg [dreg:$0x4]  }
0x32: {  	[tilespmem:s4], [sflag:$0x1] =	stream.indirect.gather [hbm4b:s0+s12], $0x10, s14, s12, $0xb8;
	[tilespmem:$0xAD40] =	vst v63  }
0x33: {  	_ = 	snop  }
0x34: {  	[tilespmem:s8], [sflag:$0x1] =	stream.indirect.gather [hbm4b:s10+s11], $0x20, s12, s11, $0xb8;
	[tilespmem:$0xAD40] =	vst v63  }
0x35: {  	_ = 	snop  }
0x36: {  	[tilespmem:s6], [sflag:$0x1] =	stream.indirect.gather [hbm4b:s10+s11], $0x20, s13, s11, $0xb8;
	[tilespmem:$0xAD40] =	vst v63  }
0x37: {  	s1 =	simm.s32 $0xA0  }
0x38: {  	[tilespmem:s16], [sflag:$0x1] =	stream.indirect.gather [hbm4b:s10+s11], $0x20, s1, s11, $0xb8;
	[tilespmem:$0xAD40] =	vst v63  }
0x39: {  	_ = 	snop  }
0x3a: {  	[tilespmem:s18], [sflag:$0x1] =	stream.indirect.gather [hbm4b:s10+s11], $0x20, s17, s11, $0xb8;
	[tilespmem:$0xAD40] =	vst v63  }
0x3b: {  	_ = 	snop  }
0x3c: {  	[tilespmem:s20], [sflag:$0x1] =	stream.indirect.gather [hbm4b:s10+s11], $0x20, s19, s11, $0xb8;
	[tilespmem:$0xAD40] =	vst v63  }
0x3d: {  	_ = 	snop  }
0x3e: {  	[tilespmem:s22], [sflag:$0x1] =	stream.indirect.gather [hbm4b:s10+s11], $0x20, s21, s11, $0xb8;
	[tilespmem:$0xAD40] =	vst v63  }
0x3f: {  	_ = 	snop  }
0x40: {  	[tilespmem:s24], [sflag:$0x1] =	stream.indirect.gather [hbm4b:s10+s11], $0x20, s23, s11, $0xb8;
	[tilespmem:$0xAD40] =	vst v63  }
0x41: {  	_ = 	snop  }
0x42: {  	[tilespmem:s26], [sflag:$0x1] =	stream.indirect.gather [hbm4b:s10+s11], $0x20, s25, s11, $0xb8;
	[tilespmem:$0xAD40] =	vst v63  }
0x43: {  	_ = 	snop  }
0x44: {  	[tilespmem:s29], [sflag:$0x1] =	stream.indirect.gather [hbm4b:s10+s11], $0x20, s28, s11, $0xb8;
	[tilespmem:$0xAD40] =	vst v63  }
0x45: {  	_ = 	snop  }
0x46: {  	[tilespmem:s31], [sflag:$0x1] =	stream.indirect.gather [hbm4b:s10+s11], $0x20, s30, s11, $0xb8;
	[tilespmem:$0xAD40] =	vst v63  }
0x47: {  	_ =	swait.ge [sflag:s9], $0x400  }
0x48: {  	[sflag:s9] =	ssyncset.done $0x0  }
0x49: {  	[sflag:s9] =	ssyncadd.s32 $0xFFFFFC00  }
0x4a: {  	_ =	swait.ge [sflag:s9], $0x200  }
0x4b: {  	[sflag:s9] =	ssyncset.done $0x0  }
0x4c: {  	[sflag:s9] =	ssyncadd.s32 $0xFFFFFE00  }
0x4d: {  	_ =	swait.ge [sflag:s9], $0x200  }
0x4e: {  	[sflag:s9] =	ssyncset.done $0x0  }
0x4f: {  	[sflag:s9] =	ssyncadd.s32 $0xFFFFFE00  }
0x50: {  	_ =	swait.ge [sflag:s9], $0x1000  }
0x51: {  	[sflag:s9] =	ssyncset.done $0x0  }
0x52: {  	[sflag:s9] =	ssyncadd.s32 $0xFFFFF000  }
0x53: {  	_ =	swait.ge [sflag:s9], $0x1000  }
0x54: {  	[sflag:s9] =	ssyncset.done $0x0  }
0x55: {  	[sflag:s9] =	ssyncadd.s32 $0xFFFFF000  }
0x56: {  	_ =	swait.ge [sflag:s9], $0x1000  }
0x57: {  	[sflag:s9] =	ssyncset.done $0x0  }
0x58: {  	[sflag:s9] =	ssyncadd.s32 $0xFFFFF000  }
0x59: {  	_ =	swait.ge [sflag:s9], $0x1000  }
0x5a: {  	[sflag:s9] =	ssyncset.done $0x0  }
0x5b: {  	[sflag:s9] =	ssyncadd.s32 $0xFFFFF000  }
0x5c: {  	_ =	swait.ge [sflag:s9], $0x1000  }
0x5d: {  	[sflag:s9] =	ssyncset.done $0x0  }
0x5e: {  	[sflag:s9] =	ssyncadd.s32 $0xFFFFF000  }
0x5f: {  	_ =	swait.ge [sflag:s9], $0x1000  }
0x60: {  	[sflag:s9] =	ssyncset.done $0x0  }
0x61: {  	[sflag:s9] =	ssyncadd.s32 $0xFFFFF000  }
0x62: {  	_ =	swait.ge [sflag:s9], $0x1000  }
0x63: {  	[sflag:s9] =	ssyncset.done $0x0  }
0x64: {  	[sflag:s9] =	ssyncadd.s32 $0xFFFFF000  }
0x65: {  	_ =	swait.ge [sflag:s9], $0x1000  }
0x66: {  	[sflag:s9] =	ssyncset.done $0x0  }
0x67: {  	[sflag:s9] =	ssyncadd.s32 $0xFFFFF000  }
0x68: {  	_ =	swait.ge [sflag:s9], $0x1000  }
0x69: {  	[sflag:s9] =	ssyncset.done $0x0  }
0x6a: {  	[sflag:s9] =	ssyncadd.s32 $0xFFFFF000  }
0x6b: {  	_ =	swait.ge [sflag:s9], $0x1000  }
0x6c: {  	[sflag:s9] =	ssyncset.done $0x0  }
0x6d: {  	s1 =	rddreg [dreg:$0x8];
	[sflag:s9] =	ssyncadd.s32 $0xFFFFF000  }
0x6e: {  	[hbm4b:s1+s2] =	stream.linear.scatter [tilespmem:s7], [sflag:$0x2], $0x400, $0x38;
	[tilespmem:$0xAD40] =	vst v63  }
0x6f: {  	_ =	swait.ge [sflag:s3], $0x400  }
0x70: {  	[sflag:s3] =	ssyncset.done $0x0  }
0x71: {  	s1 =	rddreg [dreg:$0x9];
	[sflag:s3] =	ssyncadd.s32 $0xFFFFFC00  }
0x72: {  	[hbm4b:s1+s2] =	stream.linear.scatter [tilespmem:s8], [sflag:$0x2], $0x5000, $0x38;
	[tilespmem:$0xAD40] =	vst v63  }
0x73: {  	_ =	swait.ge [sflag:s3], $0x5000  }
0x74: {  	[sflag:s3] =	ssyncset.done $0x0  }
0x75: {  	s1 =	rddreg [dreg:$0xa];
	[sflag:s3] =	ssyncadd.s32 $0xFFFFB000  }
0x76: {  	[hbm4b:s1+s2] =	stream.linear.scatter [tilespmem:s6], [sflag:$0x2], $0x5000, $0x38;
	[tilespmem:$0xAD40] =	vst v63  }
0x77: {  	_ =	swait.ge [sflag:s3], $0x5000  }
0x78: {  	[sflag:s3] =	ssyncset.done $0x0  }
0x79: {  	p1 =	sne.s32 s15, $0x1;
	s1 =	rddreg [dreg:$0xb];
	[sflag:s3] =	ssyncadd.s32 $0xFFFFB000  }
0x7a: {  	[hbm4b:s1+s2] =	stream.linear.scatter [tilespmem:s5], [sflag:$0x2], $0x200, $0x38;
	[tilespmem:$0xAD40] =	vst v63  }
.Ltmp1:
0x7b: {  	_ =	swait.ge [sflag:s3], $0x200;
	(pc) =	sbr.rel @!p1 .LBB2_2-.Ltmp1, $4  }
0x7c: {  	[sflag:s3] =	ssyncset.done $0x0  }
0x7d: {  	s1 =	rddreg [dreg:$0xc];
	[sflag:s3] =	ssyncadd.s32 $0xFFFFFE00  }
0x7e: {  	[hbm4b:s1+s2] =	stream.linear.scatter [tilespmem:s4], [sflag:$0x2], $0x200, $0x38;
	[tilespmem:$0xAD40] =	vst v63  }
0x7f: {  	p0 =	por $0x1, $0x1;
	s0 =	sadd.s32 $0xFFFFFFFF, s15;
	_ =	swait.ge [sflag:s3], $0x200  }
.LBB2_3:
0x80: {  	[sflag:s3] =	ssyncset.done $0x0  }
0x81: {  	s1 =	rddreg [dreg:$0x5];
	[sflag:s3] =	ssyncadd.s32 $0xFFFFFE00  }
0x82: {  	[tilespmem:s2], [sflag:$0x2] =	stream.linear.gather [hbm4b:s1+s2], $0x20, $0x38;
	[tilespmem:$0xAD40] =	vst v63  }
0x83: {  	_ =	swait.ge [sflag:s3], $0x20  }
0x84: {  	[sflag:s3] =	ssyncset.done $0x0  }
0x85: {  	s15 =	rddreg [dreg:$0x6];
	[sflag:s3] =	ssyncadd.s32 $0xFFFFFFE0  }
0x86: {  	[tilespmem:s12], [sflag:$0x2] =	stream.linear.gather [hbm4b:s15+s2], $0x280, $0x38;
	[tilespmem:$0xAD40] =	vst v63  }
0x87: {  	_ =	swait.ge [sflag:s3], $0x280  }
0x88: {  	[sflag:s3] =	ssyncset.done $0x0  }
0x89: {  	s15 =	rddreg [dreg:$0x7];
	[sflag:s3] =	ssyncadd.s32 $0xFFFFFD80  }
0x8a: {  	[tilespmem:s13], [sflag:$0x2] =	stream.linear.gather [hbm4b:s15+s2], $0x280, $0x38;
	[tilespmem:$0xAD40] =	vst v63  }
0x8b: {  	_ =	swait.ge [sflag:s3], $0x280  }
0x8c: {  	[sflag:s3] =	ssyncset.done $0x0  }
0x8d: {  	[sflag:s3] =	ssyncadd.s32 $0xFFFFFD80  }
0x8e: {  	v0 =	vld [tilespmem:$0x0]  }
0x8f: {  	v1 =	vld [tilespmem:$0x10];
	_ =	sdelay $0x3  }
0x90: {  	v0 =	vshrl.u32 v0, $0x4  }
0x91: {  	v63 =	vshrl.u32 v1, $0x4;
	[tilespmem:$0x520] =	vst v0  }
0x92: {  	[tilespmem:$0x530] =	vst v63  }
0x93: {  	[tilespmem:s7], [sflag:$0x1] =	stream.indirect.gather [hbm4b:s10+s12], $0x20, s2, s12, $0xb8;
	[tilespmem:$0xAD40] =	vst v63  }
0x94: {  	s1 =	rddreg [dreg:$0x3]  }
0x95: {  	[tilespmem:s5], [sflag:$0x1] =	stream.indirect.gather [hbm4b:s1+s12], $0x10, s14, s12, $0xb8;
	[tilespmem:$0xAD40] =	vst v63  }
0x96: {  	s15 =	rddreg [dreg:$0x4]  }
0x97: {  	[tilespmem:s4], [sflag:$0x1] =	stream.indirect.gather [hbm4b:s15+s12], $0x10, s14, s12, $0xb8;
	[tilespmem:$0xAD40] =	vst v63  }
0x98: {  	_ = 	snop  }
0x99: {  	[tilespmem:s8], [sflag:$0x1] =	stream.indirect.gather [hbm4b:s10+s11], $0x20, s12, s11, $0xb8;
	[tilespmem:$0xAD40] =	vst v63  }
0x9a: {  	_ = 	snop  }
0x9b: {  	[tilespmem:s6], [sflag:$0x1] =	stream.indirect.gather [hbm4b:s10+s11], $0x20, s13, s11, $0xb8;
	[tilespmem:$0xAD40] =	vst v63  }
0x9c: {  	s15 =	simm.s32 $0xA0  }
0x9d: {  	[tilespmem:s16], [sflag:$0x1] =	stream.indirect.gather [hbm4b:s10+s11], $0x20, s15, s11, $0xb8;
	[tilespmem:$0xAD40] =	vst v63  }
0x9e: {  	_ = 	snop  }
0x9f: {  	[tilespmem:s18], [sflag:$0x1] =	stream.indirect.gather [hbm4b:s10+s11], $0x20, s17, s11, $0xb8;
	[tilespmem:$0xAD40] =	vst v63  }
0xa0: {  	_ = 	snop  }
0xa1: {  	[tilespmem:s20], [sflag:$0x1] =	stream.indirect.gather [hbm4b:s10+s11], $0x20, s19, s11, $0xb8;
	[tilespmem:$0xAD40] =	vst v63  }
0xa2: {  	_ = 	snop  }
0xa3: {  	[tilespmem:s22], [sflag:$0x1] =	stream.indirect.gather [hbm4b:s10+s11], $0x20, s21, s11, $0xb8;
	[tilespmem:$0xAD40] =	vst v63  }
0xa4: {  	_ = 	snop  }
0xa5: {  	[tilespmem:s24], [sflag:$0x1] =	stream.indirect.gather [hbm4b:s10+s11], $0x20, s23, s11, $0xb8;
	[tilespmem:$0xAD40] =	vst v63  }
0xa6: {  	_ = 	snop  }
0xa7: {  	[tilespmem:s26], [sflag:$0x1] =	stream.indirect.gather [hbm4b:s10+s11], $0x20, s25, s11, $0xb8;
	[tilespmem:$0xAD40] =	vst v63  }
0xa8: {  	_ = 	snop  }
0xa9: {  	[tilespmem:s29], [sflag:$0x1] =	stream.indirect.gather [hbm4b:s10+s11], $0x20, s28, s11, $0xb8;
	[tilespmem:$0xAD40] =	vst v63  }
0xaa: {  	_ = 	snop  }
0xab: {  	[tilespmem:s31], [sflag:$0x1] =	stream.indirect.gather [hbm4b:s10+s11], $0x20, s30, s11, $0xb8;
	[tilespmem:$0xAD40] =	vst v63  }
0xac: {  	_ =	swait.ge [sflag:s9], $0x400  }
0xad: {  	[sflag:s9] =	ssyncset.done $0x0  }
0xae: {  	[sflag:s9] =	ssyncadd.s32 $0xFFFFFC00  }
0xaf: {  	_ =	swait.ge [sflag:s9], $0x200  }
0xb0: {  	[sflag:s9] =	ssyncset.done $0x0  }
0xb1: {  	[sflag:s9] =	ssyncadd.s32 $0xFFFFFE00  }
0xb2: {  	_ =	swait.ge [sflag:s9], $0x200  }
0xb3: {  	[sflag:s9] =	ssyncset.done $0x0  }
0xb4: {  	[sflag:s9] =	ssyncadd.s32 $0xFFFFFE00  }
0xb5: {  	_ =	swait.ge [sflag:s9], $0x1000  }
0xb6: {  	[sflag:s9] =	ssyncset.done $0x0  }
0xb7: {  	[sflag:s9] =	ssyncadd.s32 $0xFFFFF000  }
0xb8: {  	_ =	swait.ge [sflag:s9], $0x1000  }
0xb9: {  	[sflag:s9] =	ssyncset.done $0x0  }
0xba: {  	[sflag:s9] =	ssyncadd.s32 $0xFFFFF000  }
0xbb: {  	_ =	swait.ge [sflag:s9], $0x1000  }
0xbc: {  	[sflag:s9] =	ssyncset.done $0x0  }
0xbd: {  	[sflag:s9] =	ssyncadd.s32 $0xFFFFF000  }
0xbe: {  	_ =	swait.ge [sflag:s9], $0x1000  }
0xbf: {  	[sflag:s9] =	ssyncset.done $0x0  }
0xc0: {  	[sflag:s9] =	ssyncadd.s32 $0xFFFFF000  }
0xc1: {  	_ =	swait.ge [sflag:s9], $0x1000  }
0xc2: {  	[sflag:s9] =	ssyncset.done $0x0  }
0xc3: {  	[sflag:s9] =	ssyncadd.s32 $0xFFFFF000  }
0xc4: {  	_ =	swait.ge [sflag:s9], $0x1000  }
0xc5: {  	[sflag:s9] =	ssyncset.done $0x0  }
0xc6: {  	[sflag:s9] =	ssyncadd.s32 $0xFFFFF000  }
0xc7: {  	_ =	swait.ge [sflag:s9], $0x1000  }
0xc8: {  	[sflag:s9] =	ssyncset.done $0x0  }
0xc9: {  	[sflag:s9] =	ssyncadd.s32 $0xFFFFF000  }
0xca: {  	_ =	swait.ge [sflag:s9], $0x1000  }
0xcb: {  	[sflag:s9] =	ssyncset.done $0x0  }
0xcc: {  	[sflag:s9] =	ssyncadd.s32 $0xFFFFF000  }
0xcd: {  	_ =	swait.ge [sflag:s9], $0x1000  }
0xce: {  	[sflag:s9] =	ssyncset.done $0x0  }
0xcf: {  	[sflag:s9] =	ssyncadd.s32 $0xFFFFF000  }
0xd0: {  	_ =	swait.ge [sflag:s9], $0x1000  }
0xd1: {  	[sflag:s9] =	ssyncset.done $0x0  }
0xd2: {  	s15 =	rddreg [dreg:$0x8];
	[sflag:s9] =	ssyncadd.s32 $0xFFFFF000  }
0xd3: {  	[hbm4b:s15+s2] =	stream.linear.scatter [tilespmem:s7], [sflag:$0x2], $0x400, $0x38;
	[tilespmem:$0xAD40] =	vst v63  }
0xd4: {  	_ =	swait.ge [sflag:s3], $0x400  }
0xd5: {  	[sflag:s3] =	ssyncset.done $0x0  }
0xd6: {  	s15 =	rddreg [dreg:$0x9];
	[sflag:s3] =	ssyncadd.s32 $0xFFFFFC00  }
0xd7: {  	[hbm4b:s15+s2] =	stream.linear.scatter [tilespmem:s8], [sflag:$0x2], $0x5000, $0x38;
	[tilespmem:$0xAD40] =	vst v63  }
0xd8: {  	_ =	swait.ge [sflag:s3], $0x5000  }
0xd9: {  	[sflag:s3] =	ssyncset.done $0x0  }
0xda: {  	s15 =	rddreg [dreg:$0xa];
	[sflag:s3] =	ssyncadd.s32 $0xFFFFB000  }
0xdb: {  	[hbm4b:s15+s2] =	stream.linear.scatter [tilespmem:s6], [sflag:$0x2], $0x5000, $0x38;
	[tilespmem:$0xAD40] =	vst v63  }
0xdc: {  	_ =	swait.ge [sflag:s3], $0x5000  }
0xdd: {  	[sflag:s3] =	ssyncset.done $0x0  }
0xde: {  	p1 =	sne.s32 s0, $0x1;
	s15 =	rddreg [dreg:$0xb];
	[sflag:s3] =	ssyncadd.s32 $0xFFFFB000  }
0xdf: {  	[hbm4b:s15+s2] =	stream.linear.scatter [tilespmem:s5], [sflag:$0x2], $0x200, $0x38;
	[tilespmem:$0xAD40] =	vst v63  }
.Ltmp2:
0xe0: {  	_ =	swait.ge [sflag:s3], $0x200;
	(pc) =	sbr.rel @p1 .LBB2_3-.Ltmp2, $4  }
0xe1: {  	[sflag:s3] =	ssyncset.done $0x0  }
0xe2: {  	s15 =	rddreg [dreg:$0xc];
	[sflag:s3] =	ssyncadd.s32 $0xFFFFFE00  }
0xe3: {  	[hbm4b:s15+s2] =	stream.linear.scatter [tilespmem:s4], [sflag:$0x2], $0x200, $0x38;
	[tilespmem:$0xAD40] =	vst v63  }
0xe4: {  	s0 =	sadd.s32 $0xFFFFFFFF, s0;
	_ =	swait.ge [sflag:s3], $0x200  }
0xe5: {  	s15 =	rddreg [dreg:$0x2]  }
.LBB2_5:
0xe6: {  	[sflag:s3] =	ssyncset.done @p0 $0x0  }
0xe7: {  	s0 =	rddreg [dreg:$0x5];
	[sflag:s3] =	ssyncadd.s32 @p0 $0xFFFFFE00  }
0xe8: {  	[tilespmem:s2], [sflag:$0x2] =	stream.linear.gather [hbm4b:s0+s2], $0x20, $0x38;
	[tilespmem:$0xAD40] =	vst v63  }
0xe9: {  	_ =	swait.ge [sflag:s3], $0x20  }
0xea: {  	[sflag:s3] =	ssyncset.done $0x0  }
0xeb: {  	s1 =	rddreg [dreg:$0x6];
	[sflag:s3] =	ssyncadd.s32 $0xFFFFFFE0  }
0xec: {  	[tilespmem:s12], [sflag:$0x2] =	stream.linear.gather [hbm4b:s1+s2], $0x280, $0x38;
	[tilespmem:$0xAD40] =	vst v63  }
0xed: {  	_ =	swait.ge [sflag:s3], $0x280  }
0xee: {  	[sflag:s3] =	ssyncset.done $0x0  }
0xef: {  	s1 =	rddreg [dreg:$0x7];
	[sflag:s3] =	ssyncadd.s32 $0xFFFFFD80  }
0xf0: {  	[tilespmem:s13], [sflag:$0x2] =	stream.linear.gather [hbm4b:s1+s2], $0x280, $0x38;
	[tilespmem:$0xAD40] =	vst v63  }
0xf1: {  	_ =	swait.ge [sflag:s3], $0x280  }
0xf2: {  	[sflag:s3] =	ssyncset.done $0x0  }
0xf3: {  	[sflag:s3] =	ssyncadd.s32 $0xFFFFFD80  }
0xf4: {  	v0 =	vld [tilespmem:$0x0]  }
0xf5: {  	v1 =	vld [tilespmem:$0x10];
	_ =	sdelay $0x3  }
0xf6: {  	v0 =	vshrl.u32 v0, $0x4  }
0xf7: {  	v63 =	vshrl.u32 v1, $0x4;
	[tilespmem:$0x520] =	vst v0  }
0xf8: {  	[tilespmem:$0x530] =	vst v63  }
0xf9: {  	[tilespmem:s7], [sflag:$0x1] =	stream.indirect.gather [hbm4b:s10+s12], $0x20, s2, s12, $0xb8;
	[tilespmem:$0xAD40] =	vst v63  }
0xfa: {  	s0 =	rddreg [dreg:$0x3]  }
0xfb: {  	[tilespmem:s5], [sflag:$0x1] =	stream.indirect.gather [hbm4b:s0+s12], $0x10, s14, s12, $0xb8;
	[tilespmem:$0xAD40] =	vst v63  }
0xfc: {  	s1 =	rddreg [dreg:$0x4]  }
0xfd: {  	[tilespmem:s4], [sflag:$0x1] =	stream.indirect.gather [hbm4b:s1+s12], $0x10, s14, s12, $0xb8;
	[tilespmem:$0xAD40] =	vst v63  }
0xfe: {  	_ = 	snop  }
0xff: {  	[tilespmem:s8], [sflag:$0x1] =	stream.indirect.gather [hbm4b:s10+s11], $0x20, s12, s11, $0xb8;
	[tilespmem:$0xAD40] =	vst v63  }
0x100: {  	_ = 	snop  }
0x101: {  	[tilespmem:s6], [sflag:$0x1] =	stream.indirect.gather [hbm4b:s10+s11], $0x20, s13, s11, $0xb8;
	[tilespmem:$0xAD40] =	vst v63  }
0x102: {  	s14 =	simm.s32 $0xA0  }
0x103: {  	[tilespmem:s16], [sflag:$0x1] =	stream.indirect.gather [hbm4b:s10+s11], $0x20, s14, s11, $0xb8;
	[tilespmem:$0xAD40] =	vst v63  }
0x104: {  	_ = 	snop  }
0x105: {  	[tilespmem:s18], [sflag:$0x1] =	stream.indirect.gather [hbm4b:s10+s11], $0x20, s17, s11, $0xb8;
	[tilespmem:$0xAD40] =	vst v63  }
0x106: {  	_ = 	snop  }
0x107: {  	[tilespmem:s20], [sflag:$0x1] =	stream.indirect.gather [hbm4b:s10+s11], $0x20, s19, s11, $0xb8;
	[tilespmem:$0xAD40] =	vst v63  }
0x108: {  	_ = 	snop  }
0x109: {  	[tilespmem:s22], [sflag:$0x1] =	stream.indirect.gather [hbm4b:s10+s11], $0x20, s21, s11, $0xb8;
	[tilespmem:$0xAD40] =	vst v63  }
0x10a: {  	_ = 	snop  }
0x10b: {  	[tilespmem:s24], [sflag:$0x1] =	stream.indirect.gather [hbm4b:s10+s11], $0x20, s23, s11, $0xb8;
	[tilespmem:$0xAD40] =	vst v63  }
0x10c: {  	_ = 	snop  }
0x10d: {  	[tilespmem:s26], [sflag:$0x1] =	stream.indirect.gather [hbm4b:s10+s11], $0x20, s25, s11, $0xb8;
	[tilespmem:$0xAD40] =	vst v63  }
0x10e: {  	_ = 	snop  }
0x10f: {  	[tilespmem:s29], [sflag:$0x1] =	stream.indirect.gather [hbm4b:s10+s11], $0x20, s28, s11, $0xb8;
	[tilespmem:$0xAD40] =	vst v63  }
0x110: {  	_ = 	snop  }
0x111: {  	[tilespmem:s31], [sflag:$0x1] =	stream.indirect.gather [hbm4b:s10+s11], $0x20, s30, s11, $0xb8;
	[tilespmem:$0xAD40] =	vst v63  }
0x112: {  	_ =	swait.ge [sflag:s9], $0x400  }
0x113: {  	[sflag:s9] =	ssyncset.done $0x0  }
0x114: {  	[sflag:s9] =	ssyncadd.s32 $0xFFFFFC00  }
0x115: {  	_ =	swait.ge [sflag:s9], $0x200  }
0x116: {  	[sflag:s9] =	ssyncset.done $0x0  }
0x117: {  	[sflag:s9] =	ssyncadd.s32 $0xFFFFFE00  }
0x118: {  	_ =	swait.ge [sflag:s9], $0x200  }
0x119: {  	[sflag:s9] =	ssyncset.done $0x0  }
0x11a: {  	[sflag:s9] =	ssyncadd.s32 $0xFFFFFE00  }
0x11b: {  	_ =	swait.ge [sflag:s9], $0x1000  }
0x11c: {  	[sflag:s9] =	ssyncset.done $0x0  }
0x11d: {  	[sflag:s9] =	ssyncadd.s32 $0xFFFFF000  }
0x11e: {  	_ =	swait.ge [sflag:s9], $0x1000  }
0x11f: {  	[sflag:s9] =	ssyncset.done $0x0  }
0x120: {  	[sflag:s9] =	ssyncadd.s32 $0xFFFFF000  }
0x121: {  	_ =	swait.ge [sflag:s9], $0x1000  }
0x122: {  	[sflag:s9] =	ssyncset.done $0x0  }
0x123: {  	[sflag:s9] =	ssyncadd.s32 $0xFFFFF000  }
0x124: {  	_ =	swait.ge [sflag:s9], $0x1000  }
0x125: {  	[sflag:s9] =	ssyncset.done $0x0  }
0x126: {  	[sflag:s9] =	ssyncadd.s32 $0xFFFFF000  }
0x127: {  	_ =	swait.ge [sflag:s9], $0x1000  }
0x128: {  	[sflag:s9] =	ssyncset.done $0x0  }
0x129: {  	[sflag:s9] =	ssyncadd.s32 $0xFFFFF000  }
0x12a: {  	_ =	swait.ge [sflag:s9], $0x1000  }
0x12b: {  	[sflag:s9] =	ssyncset.done $0x0  }
0x12c: {  	[sflag:s9] =	ssyncadd.s32 $0xFFFFF000  }
0x12d: {  	_ =	swait.ge [sflag:s9], $0x1000  }
0x12e: {  	[sflag:s9] =	ssyncset.done $0x0  }
0x12f: {  	[sflag:s9] =	ssyncadd.s32 $0xFFFFF000  }
0x130: {  	_ =	swait.ge [sflag:s9], $0x1000  }
0x131: {  	[sflag:s9] =	ssyncset.done $0x0  }
0x132: {  	[sflag:s9] =	ssyncadd.s32 $0xFFFFF000  }
0x133: {  	_ =	swait.ge [sflag:s9], $0x1000  }
0x134: {  	[sflag:s9] =	ssyncset.done $0x0  }
0x135: {  	[sflag:s9] =	ssyncadd.s32 $0xFFFFF000  }
0x136: {  	_ =	swait.ge [sflag:s9], $0x1000  }
0x137: {  	[sflag:s9] =	ssyncset.done $0x0  }
0x138: {  	s25 =	rddreg [dreg:$0x8];
	[sflag:s9] =	ssyncadd.s32 $0xFFFFF000  }
0x139: {  	[hbm4b:s25+s2] =	stream.linear.scatter [tilespmem:s7], [sflag:$0x2], $0x400, $0x38;
	[tilespmem:$0xAD40] =	vst v63  }
0x13a: {  	_ =	swait.ge [sflag:s3], $0x400  }
0x13b: {  	[sflag:s3] =	ssyncset.done $0x0  }
0x13c: {  	s26 =	rddreg [dreg:$0x9];
	[sflag:s3] =	ssyncadd.s32 $0xFFFFFC00  }
0x13d: {  	[hbm4b:s26+s2] =	stream.linear.scatter [tilespmem:s8], [sflag:$0x2], $0x5000, $0x38;
	[tilespmem:$0xAD40] =	vst v63  }
0x13e: {  	_ =	swait.ge [sflag:s3], $0x5000  }
0x13f: {  	[sflag:s3] =	ssyncset.done $0x0  }
0x140: {  	s28 =	rddreg [dreg:$0xa];
	[sflag:s3] =	ssyncadd.s32 $0xFFFFB000  }
0x141: {  	[hbm4b:s28+s2] =	stream.linear.scatter [tilespmem:s6], [sflag:$0x2], $0x5000, $0x38;
	[tilespmem:$0xAD40] =	vst v63  }
0x142: {  	_ =	swait.ge [sflag:s3], $0x5000  }
0x143: {  	[sflag:s3] =	ssyncset.done $0x0  }
0x144: {  	s29 =	rddreg [dreg:$0xb];
	[sflag:s3] =	ssyncadd.s32 $0xFFFFB000  }
0x145: {  	[hbm4b:s29+s2] =	stream.linear.scatter [tilespmem:s5], [sflag:$0x2], $0x200, $0x38;
	[tilespmem:$0xAD40] =	vst v63  }
0x146: {  	_ =	swait.ge [sflag:s3], $0x200  }
0x147: {  	[sflag:s3] =	ssyncset.done $0x0  }
0x148: {  	s30 =	rddreg [dreg:$0xc];
	[sflag:s3] =	ssyncadd.s32 $0xFFFFFE00  }
0x149: {  	[hbm4b:s30+s2] =	stream.linear.scatter [tilespmem:s4], [sflag:$0x2], $0x200, $0x38;
	[tilespmem:$0xAD40] =	vst v63  }
0x14a: {  	_ =	swait.ge [sflag:s3], $0x200  }
0x14b: {  	[sflag:s3] =	ssyncset.done $0x0  }
0x14c: {  	[sflag:s3] =	ssyncadd.s32 $0xFFFFFE00  }
0x14d: {  	_ =	sfence.sel $0x180000  }
0x14e: {  	s31 =	stileid.u32;
	[bflag:$0x0] =	sbarrier.arrive $0xFFFF  }
0x14f: {  	p0 =	sne.s32 s31, $0x0;
	_ =	strace $0x90000047  }
0x150: {  	s0 =	sadd.s32 @!p0 $0x100000, s15;
	[bflag:$0x2] =	sbarrier.arrive $0xFFFF  }
0x151: {  	[sflag:s0] =	ssyncadd.tile.s32 @!p0 $0x1;
	_ =	shalt  }
.LBB2_2:
.Ltmp3:
0x152: {  	(pc) =	sbr.rel .LBB2_5-.Ltmp3, $2  }
0x153: {  	_ =	sdelay $0x2  }
0x154: {  	s15 =	rddreg [dreg:$0x2]  }
.Lfunc_end2:
_tile_overlayer_lowered:
.L_overlay_start_2:
0x155: {  	(tag) =	ssettag $0x2  }
0x156: {  	s0 =	rddreg [dreg:$0x0];
	s2 =	stileid.u32  }
0x157: {  	s1 =	rddreg [dreg:$0x1];
	p0 =	sne.s32 s2, $0x0  }
0x158: {  	s3 =	rddreg [dreg:$0x2];
	[bflag:$0x3] =	sbarrier.arrive $0xFFFF;
	s2 =	simm.s32 @!p0 $0x1C02  }
0x159: {  	[timem:s3], [sflag:s2] =	dma.local @!p0 [hbm:s0], s1  }
0x15a: {  	s0 =	simm.s32 @!p0 $0x2  }
0x15b: {  	_ =	swait.ge @!p0 [sflag:s0], s1  }
0x15c: {  	s1 =	ssub.s32 @!p0 $0x0, s1;
	[sflag:s0] =	ssyncset.done @!p0 $0x0  }
0x15d: {  	[sflag:s0] =	ssyncadd.s32 @!p0 s1  }
0x15e: {  	[bflag:$0x3] =	sbarrier.arrive $0xFFFF  }
0x15f: {  	_ =	shalt  }

// kernel: kernel.8.cloned.1.call-start
scs
__scs_entry_jumppad:
0x0: {  	(pc) =	sbr.rel $0x88, $3  }
0x1: {  	(tag) =	ssettag $0x0;
	lr =	simm.s32 $0x1  }
0x2: {  	[smem:$0x3F97] =	sst lr;
	_ =	strace $0xD0000000  }
0x3: {  	_ = 	snop  }
0x4: {  	_ = 	snop  }
0x5: {  	_ = 	snop  }
0x6: {  	_ = 	snop  }
0x7: {  	_ = 	snop  }
__scs_overlays_trampoline_lowered:
0x8: {  	[smem:$0x3FA6] =	sst s0  }
0x9: {  	[smem:$0x3FA7] =	sst s1  }
0xa: {  	[smem:$0x3FA8] =	sst s2  }
0xb: {  	[smem:$0x3FA9] =	sst s3  }
0xc: {  	[smem:$0x3FAA] =	sst s4  }
0xd: {  	[smem:$0x3FAB] =	sst s5  }
0xe: {  	[smem:$0x3FAC] =	sst s6  }
0xf: {  	[smem:$0x3FAD] =	sst s7  }
0x10: {  	[smem:$0x3FAE] =	sst s8  }
0x11: {  	[smem:$0x3FAF] =	sst s9;
	s0 =	simm.s32 @!p0 $0x0  }
0x12: {  	s1 =	sld [smem:$0x3F95];
	s0 =	simm.s32 @p0 $0x1  }
0x13: {  	[smem:$0x3FB0] =	sst s0;
	s0 =	simm.s32 @!p1 $0x0  }
0x14: {  	s2 =	sld [smem:$0x3F94];
	s0 =	simm.s32 @p1 $0x1  }
0x15: {  	[smem:$0x3FB1] =	sst s0;
	s0 =	simm.s32 @!p2 $0x0  }
0x16: {  	s3 =	sld [smem:$0x3FDB];
	s0 =	simm.s32 @p2 $0x1  }
0x17: {  	s4 =	simm.s32 $0x1BF5;
	[smem:$0x3FB3] =	sst s0  }
0x18: {  	s0 =	sld [smem:$0x3F96];
	_ =	swait.ge [sflag:s4], $0x0  }
0x19: {  	s7 =	sld [smem:$0x3F97]  }
0x1a: {  	s8 =	sadd.s32 $0xFFFFE003, lr  }
0x1b: {  	s9 =	sadd.s32 $0xFFFFFEF7, lr;
	s5 =	simm.s32 $0xFFFFFFFF;
	p2 =	slt.u32 s8, $0xFFFFF086  }
0x1c: {  	p1 =	slt.u32 s9, $0xF7A;
	s5 =	simm.s32 @!p2 $0x0  }
0x1d: {  	s5 =	simm.s32 @p1 $0x1;
	p0 =	seq.s32 s7, s2  }
0x1e: {  	s7 =	smul.u32 @!p0 $0xF7A, s2;
	p2 =	seq.s32 @!p0 s5, $0x0  }
0x1f: {  	s9 =	smul.u32 $0xF7A, s1;
	s8 =	simm.s32 @!p0 $0x1BF5;
	p2 =	por !p2, p0  }
0x20: {  	[sflag:s8] =	ssyncset.s32 @!p0 $0xFFFFF086;
	s6 =	sadd.s32 @!p0 s3, s7;
	s7 =	simm.s32 @!p0 $0x108  }
0x21: {  	s3 =	sadd.s32 s3, s9;
	s6 =	sadd.s32 @!p0 $0x88, s6;
	s7 =	simm.s32 @p2 $0x1082  }
0x22: {  	[simem:s7], [sflag:s8] =	dma.local @!p0 [hbm:s6], $0xF7A  }
0x23: {  	s9 =	sor.u32 $0xD0000000, s2;
	s6 =	simm.s32 $0x108;
	_ =	swait.ge @!p0 [sflag:s8], $0x0  }
0x24: {  	s3 =	sadd.s32 $0x88, s3;
	s6 =	simm.s32 @!p1 $0x1082;
	[sflag:s4] =	ssyncset.s32 $0xFFFFF086  }
0x25: {  	[simem:s6], [sflag:s4] =	dma.local [hbm:s3], $0xF7A  }
0x26: {  	[smem:$0x3F97] =	sst s1;
	(tag) =	ssettag s2;
	_ =	strace s9  }
0x27: {  	s1 =	sld [smem:$0x3FA7]  }
0x28: {  	s2 =	sld [smem:$0x3FA8]  }
0x29: {  	s4 =	sld [smem:$0x3FAA]  }
0x2a: {  	p0 =	seq.s32 s5, $0x0;
	s5 =	sld [smem:$0x3FAB]  }
0x2b: {  	s6 =	sld [smem:$0x3FAC]  }
0x2c: {  	s7 =	sld [smem:$0x3FAD]  }
0x2d: {  	s3 =	simm.s32 $0x108;
	s8 =	sld [smem:$0x3FAE]  }
0x2e: {  	s3 =	simm.s32 @!p0 $0x1082;
	s9 =	sld [smem:$0x3FAF]  }
0x2f: {  	lr =	sadd.s32 s0, s3;
	s0 =	sld [smem:$0x3FA6]  }
0x30: {  	s3 =	sld [smem:$0x3FA9]  }
0x31: {  	[smem:$0x3FB2] =	sst s10  }
0x32: {  	s10 =	sld [smem:$0x3FB0];
	_ =	sdelay $0x3  }
0x33: {  	p0 =	seq.s32 s10, $0x1;
	s10 =	sld [smem:$0x3FB2];
	_ =	sdelay $0x3  }
0x34: {  	[smem:$0x3FB2] =	sst s10  }
0x35: {  	s10 =	sld [smem:$0x3FB1];
	_ =	sdelay $0x3  }
0x36: {  	p1 =	seq.s32 s10, $0x1;
	s10 =	sld [smem:$0x3FB2];
	_ =	sdelay $0x3  }
0x37: {  	[smem:$0x3FB2] =	sst s10  }
0x38: {  	s10 =	sld [smem:$0x3FB3]  }
0x39: {  	_ = 	snop;
	(pc) =	sbr.ind lr, $3  }
0x3a: {  	_ = 	snop  }
0x3b: {  	_ = 	snop  }
0x3c: {  	p2 =	seq.s32 s10, $0x1;
	s10 =	sld [smem:$0x3FB2]  }
0x3d: {  	_ =	shalt  }
0x3e: {  	_ =	shalt  }
0x3f: {  	_ =	shalt  }
0x40: {  	_ =	shalt  }
0x41: {  	_ =	shalt  }
0x42: {  	_ =	shalt  }
0x43: {  	_ =	shalt  }
0x44: {  	_ =	shalt  }
0x45: {  	_ =	shalt  }
0x46: {  	_ =	shalt  }
0x47: {  	_ =	shalt  }
0x48: {  	_ =	shalt  }
0x49: {  	_ =	shalt  }
0x4a: {  	_ =	shalt  }
0x4b: {  	_ =	shalt  }
0x4c: {  	_ =	shalt  }
0x4d: {  	_ =	shalt  }
0x4e: {  	_ =	shalt  }
0x4f: {  	_ =	shalt  }
0x50: {  	_ =	shalt  }
0x51: {  	_ =	shalt  }
0x52: {  	_ =	shalt  }
0x53: {  	_ =	shalt  }
0x54: {  	_ =	shalt  }
0x55: {  	_ =	shalt  }
0x56: {  	_ =	shalt  }
0x57: {  	_ =	shalt  }
0x58: {  	_ =	shalt  }
0x59: {  	_ =	shalt  }
0x5a: {  	_ =	shalt  }
0x5b: {  	_ =	shalt  }
0x5c: {  	_ =	shalt  }
0x5d: {  	_ =	shalt  }
0x5e: {  	_ =	shalt  }
0x5f: {  	_ =	shalt  }
0x60: {  	_ =	shalt  }
0x61: {  	_ =	shalt  }
0x62: {  	_ =	shalt  }
0x63: {  	_ =	shalt  }
0x64: {  	_ =	shalt  }
0x65: {  	_ =	shalt  }
0x66: {  	_ =	shalt  }
0x67: {  	_ =	shalt  }
0x68: {  	_ =	shalt  }
0x69: {  	_ =	shalt  }
0x6a: {  	_ =	shalt  }
0x6b: {  	_ =	shalt  }
0x6c: {  	_ =	shalt  }
0x6d: {  	_ =	shalt  }
0x6e: {  	_ =	shalt  }
0x6f: {  	_ =	shalt  }
0x70: {  	_ =	shalt  }
0x71: {  	_ =	shalt  }
0x72: {  	_ =	shalt  }
0x73: {  	_ =	shalt  }
0x74: {  	_ =	shalt  }
0x75: {  	_ =	shalt  }
0x76: {  	_ =	shalt  }
0x77: {  	_ =	shalt  }
0x78: {  	_ =	shalt  }
0x79: {  	_ =	shalt  }
0x7a: {  	_ =	shalt  }
0x7b: {  	_ =	shalt  }
0x7c: {  	_ =	shalt  }
0x7d: {  	_ =	shalt  }
0x7e: {  	_ =	shalt  }
0x7f: {  	_ =	shalt  }
0x80: {  	_ =	shalt  }
0x81: {  	_ =	shalt  }
0x82: {  	_ =	shalt  }
0x83: {  	_ =	shalt  }
0x84: {  	_ =	shalt  }
0x85: {  	_ =	shalt  }
0x86: {  	_ =	shalt  }
0x87: {  	_ =	shalt  }
.Lfunc_end0:
.L_simem_size_0:
called_computation.1_lowered:
.L_overlay_start_0:
0x88: {  	s2 =	sld [smem:$0x3FD9]  }
0x89: {  	s3 =	sld [smem:$0x3FFE];
	_ =	sdelay $0x1  }
0x8a: {  	s1 =	srdreg.scid  }
0x8b: {  	s0 =	sand.u32 $0x1, s1  }
0x8c: {  	s17 =	sshll.u32 s0, $0xA;
	s2 =	sadd.s32 s3, s2  }
0x8d: {  	s2 =	sadd.s32 s2, s17  }
0x8e: {  	[smem:$0x3FBE] =	sst s2  }
0x8f: {  	_ = 	snop  }
0x90: {  	(tm) =	ssettm $0x1  }
0x91: {  	s18 =	sld [smem:$0x3FFB];
	_ =	sdelay $0x3  }
0x92: {  	_ =	strace s18  }
0x93: {  	s2 =	sld [smem:$0x3FFC];
	_ =	sdelay $0x3  }
0x94: {  	_ =	strace s2  }
0x95: {  	s2 =	sld [smem:$0x3FFD];
	_ =	sdelay $0x3  }
0x96: {  	_ =	strace s2  }
0x97: {  	_ =	strace $0x8FFFFFFF  }
0x98: {  	s19 =	sld [smem:$0x3FDB];
	_ =	sdelay $0x1  }
0x99: {  	s20 =	simm.s32 $_scs_section_size  }
0x9a: {  	s4 =	simm.s32 $_size__tile_overlayer_lowered;
	s5 =	simm.s32 $_tile_overlayer_lowered  }
0x9b: {  	s6 =	simm.s32 $0x1BFF;
	s21 =	sshll.u32 s5, $0x1;
	s3 =	sadd.s32 s20, s19  }
0x9c: {  	s22 =	simm.s32 $0x0;
	s4 =	sshll.u32 s4, $0x1;
	s5 =	sadd.s32 s21, s3  }
0x9d: {  	[timem:s22], [sflag:s6] =	dma.local [hbm:s5], s4  }
0x9e: {  	_ =	swait.ge [sflag:s6], s4  }
0x9f: {  	s4 =	ssub.s32 $0x0, s4;
	[sflag:s6] =	ssyncset.done $0x0  }
0xa0: {  	[sflag:s6] =	ssyncadd.s32 s4;
	_ =	sdelay $0x1  }
0xa1: {  	s23 =	simm.s32 $0x1B8B  }
0xa2: {  	_ =	swait.ge [sflag:s23], $0x1  }
0xa3: {  	[sflag:s23] =	ssyncset.done $0x0  }
0xa4: {  	[sflag:s23] =	ssyncadd.s32 $0xFFFFFFFF  }
0xa5: {  	s4 =	sld [smem:$0x0]  }
0xa6: {  	s5 =	sand.u32 $0xFFFFFFFE, s1  }
0xa7: {  	p0 =	sne.s32 s1, s5  }
0xa8: {  	s5 =	sshll.u32 @p0 s5, $0xE  }
0xa9: {  	s5 =	sadd.s32 @p0 $0x11B8D, s5;
	s6 =	sshll.u32 @p0 s4, $0x11  }
0xaa: {  	s5 =	sor.u32 @p0 s6, s5  }
0xab: {  	[sflag:s5] =	ssyncadd.remote.s32 @p0 $0x1;
	_ =	sdelay $0x1  }
0xac: {  	s5 =	simm.s32 @p0 $0x1B8D  }
0xad: {  	_ =	swait.eq @p0 [sflag:s5], $0x1  }
0xae: {  	[sflag:s5] =	ssyncadd.s32 @p0 $0xFFFFFFFF  }
0xaf: {  	s6 =	sshll.u32 @!p0 s1, $0xE  }
0xb0: {  	s6 =	sor.u32 @!p0 $0x4000, s6;
	s5 =	simm.s32 @!p0 $0x1B8D  }
0xb1: {  	s4 =	sshll.u32 @!p0 s4, $0x11;
	s6 =	sadd.s32 @!p0 $0x11B8D, s6;
	_ =	swait.eq @!p0 [sflag:s5], $0x1  }
0xb2: {  	s4 =	sor.u32 @!p0 s4, s6;
	[sflag:s5] =	ssyncadd.s32 @!p0 $0xFFFFFFFF  }
0xb3: {  	s25 =	simm.s32 $0x1B8E;
	s24 =	sld [smem:$0x3FFE];
	[sflag:s4] =	ssyncadd.remote.s32 @!p0 $0x1  }
0xb4: {  	s26 =	simm.s32 $execute0_lowered;
	[smem:$0x3FD2] =	sst s25  }
0xb5: {  	s5 =	sshll.u32 s26, $0x1;
	_ =	strace $0x80000049;
	[dreg:$0x1] =	wrdreg $0xFFFFFFFF  }
0xb6: {  	s28 =	simm.s32 $_size_execute0_lowered;
	s3 =	sadd.s32 s3, s5;
	[dreg:$0x0] =	wrdreg $0x0  }
0xb7: {  	s5 =	sshll.u32 s28, $0x1;
	[dreg:$0x2] =	wrdreg s3  }
0xb8: {  	[dreg:$0x3] =	wrdreg s5  }
0xb9: {  	[dreg:$0x4] =	wrdreg $0xC0  }
0xba: {  	_ =	task [dreg:s22], $0x5FFFF  }
0xbb: {  	[dreg:$0x1] =	wrdreg $0xFFFFFFFF  }
0xbc: {  	[dreg:$0x0] =	wrdreg $0x60  }
0xbd: {  	[dreg:$0x2] =	wrdreg s24  }
0xbe: {  	[dreg:$0x3] =	wrdreg $0xA  }
0xbf: {  	_ =	task.clear_ibuf [dreg:s22], $0x4FFFF;
	_ =	strace $0x90000049  }
0xc0: {  	s29 =	simm.s32 $0xA;
	_ =	strace $0x8000004B  }
0xc1: {  	_ =	swait.ge [sflag:s29], $0x1  }
0xc2: {  	[sflag:s29] =	ssyncadd.s32 $0xFFFFFFFF  }
0xc3: {  	_ =	strace $0x9000004B  }
0xc4: {  	_ =	sfence  }
0xc5: {  	s30 =	sld [smem:$0x0];
	_ =	sdelay $0x2  }
0xc6: {  	s31 =	sshll.u32 s1, $0xD;
	s1 =	sshrl.u32 s1, $0x2  }
0xc7: {  	s4 =	sand.u32 $0x4000, s31;
	s1 =	sadd.s32 s1, s30  }
0xc8: {  	s0 =	sor.u32 s4, s0;
	s1 =	sshll.u32 s1, $0x11  }
0xc9: {  	s0 =	sor.u32 s1, s0  }
0xca: {  	s0 =	sadd.s32 $0x8F2B, s0  }
0xcb: {  	[sflag:s0] =	ssyncadd.remote.s32 $0x1  }
0xcc: {  	_ =	sfence.sel $0xFFFF  }
0xcd: {  	[dreg:$0x0] =	wrdreg $0xFFFFFFFF;
	(pc) =	sbr.abs _section_cstart, $3  }
0xce: {  	[dreg:$0x1] =	wrdreg $0xFFFFFFFF  }
0xcf: {  	_ =	task.clear_ibuf [dreg:s22], $0x2FFFF;
	_ =	strace $0x9FFFFFFF  }
0xd0: {  	(tm) =	ssettm $0x7FFFFFFF  }
0xd1: {  	_ =	shalt  }
tec
execute0_lowered:
.L_overlay_start_1:
0x0: {  	(tag) =	ssettag $0x1  }
0x1: {  	s1 =	srdreg.scid;
	s0 =	stileid.u32  }
0x2: {  	s4 =	rddreg [dreg:$0x0];
	s22 =	simm.s32 $0x500;
	s23 =	simm.s32 $0x1780  }
0x3: {  	s9 =	simm.s32 $0x780;
	s24 =	simm.s32 $0x300;
	s10 =	simm.s32 $0x5780  }
0x4: {  	s25 =	simm.s32 $0x6780;
	s11 =	simm.s32 $0xA780;
	s26 =	simm.s32 $0x580  }
0x5: {  	s14 =	simm.s32 $0x2780;
	s15 =	simm.s32 $0x380;
	s16 =	simm.s32 $0x7780  }
0x6: {  	s17 =	simm.s32 $0x600;
	s1 =	sand.u32 $0x1, s1;
	s2 =	sshll.u32 s0, $0x1  }
0x7: {  	s28 =	simm.s32 $0x480;
	s3 =	sor.u32 s1, s2;
	s2 =	simm.s32 $0x0  }
0x8: {  	s29 =	simm.s32 $0x9780;
	s30 =	simm.s32 $0x700;
	[smem:$0x7FF] =	sst s2  }
0x9: {  	s5 =	smul.u32 $0x50, s3;
	_ =	strace $0x8000004A;
	[dreg:$0x7] =	wrdreg s22  }
0xa: {  	s31 =	simm.s32 $0xC780;
	s6 =	smul.u32 $0xA00, s3;
	[dreg:$0x8] =	wrdreg s23  }
0xb: {  	s1 =	ssub.s32 $0x2, s1;
	s7 =	smul.u32 $0x500, s3;
	[dreg:$0x9] =	wrdreg s24  }
0xc: {  	s3 =	sadd.s32 $0x35400, s4;
	s19 =	sshrl.u32 s1, $0x1;
	[dreg:$0xa] =	wrdreg s25  }
0xd: {  	s1 =	ssub.s32 s1, s19;
	[dreg:$0xb] =	wrdreg s26;
	s19 =	simm.s32 $0x180  }
0xe: {  	s22 =	simm.s32 $0x8780;
	s23 =	simm.s32 $0x680;
	s5 =	sadd.s32 s5, s4  }
0xf: {  	s24 =	simm.s32 $0xBF80;
	s25 =	simm.s32 $0x200;
	s8 =	sadd.s32 $0x34000, s5  }
0x10: {  	s6 =	sadd.s32 s6, s4;
	s5 =	sadd.s32 $0x34A00, s5;
	[dreg:$0x2] =	wrdreg s8  }
0x11: {  	s26 =	simm.s32 $0x4780;
	s18 =	sadd.s32 $0x9A200, s6;
	[dreg:$0x3] =	wrdreg s5  }
0x12: {  	s7 =	sadd.s32 s7, s4;
	s20 =	sadd.s32 $0xAE200, s6;
	[dreg:$0x4] =	wrdreg s18  }
0x13: {  	s4 =	sadd.s32 $0x97000, s4;
	s21 =	sadd.s32 $0xC2200, s7;
	[dreg:$0x5] =	wrdreg s20  }
0x14: {  	s6 =	simm.s32 $0x2;
	s7 =	simm.s32 $0x280;
	[dreg:$0x6] =	wrdreg s21  }
0x15: {  	s5 =	smax.u32 s1, $0x1;
	s8 =	simm.s32 $0x80;
	s18 =	simm.s32 $0xB780  }
0x16: {  	s20 =	simm.s32 $0x3780;
	s21 =	simm.s32 $0x400;
	s1 =	simm.s32 $0x1  }
.LBB2_1:
0x17: {  	s0 =	rddreg [dreg:$0x2]  }
0x18: {  	[tilespmem:s2], [sflag:$0x2] =	stream.linear.gather [hbm4b:s0+s2], $0x280, $0x38;
	[tilespmem:$0xCF80] =	vst v63  }
0x19: {  	_ =	swait.ge [sflag:s6], $0x280  }
0x1a: {  	[sflag:s6] =	ssyncset.done $0x0  }
0x1b: {  	s13 =	rddreg [dreg:$0x3];
	[sflag:s6] =	ssyncadd.s32 $0xFFFFFD80  }
0x1c: {  	[tilespmem:s7], [sflag:$0x2] =	stream.linear.gather [hbm4b:s13+s2], $0x280, $0x38;
	[tilespmem:$0xCF80] =	vst v63  }
0x1d: {  	_ =	swait.ge [sflag:s6], $0x280  }
0x1e: {  	[sflag:s6] =	ssyncset.done $0x0  }
0x1f: {  	[sflag:s6] =	ssyncadd.s32 $0xFFFFFD80  }
0x20: {  	v0 =	vld [tilespmem:$0x0]  }
0x21: {  	v1 =	vld [tilespmem:$0x10]  }
0x22: {  	v2 =	vld [tilespmem:$0x20]  }
0x23: {  	v3 =	vld [tilespmem:$0x30]  }
0x24: {  	v4 =	vld [tilespmem:$0x40]  }
0x25: {  	v5 =	vld [tilespmem:$0x50];
	v0 =	vshrl.u32 v0, $0x4  }
0x26: {  	v48 =	vld [tilespmem:$0x60];
	v47 =	vshrl.u32 v1, $0x4;
	[tilespmem:$0x500] =	vst v0  }
0x27: {  	v50 =	vld [tilespmem:$0x70];
	v49 =	vshrl.u32 v2, $0x4;
	[tilespmem:$0x510] =	vst v47  }
0x28: {  	v52 =	vld [tilespmem:$0x80];
	v51 =	vshrl.u32 v3, $0x4;
	[tilespmem:$0x520] =	vst v49  }
0x29: {  	v54 =	vld [tilespmem:$0x90];
	v53 =	vshrl.u32 v4, $0x4;
	[tilespmem:$0x530] =	vst v51  }
0x2a: {  	v56 =	vld [tilespmem:$0xA0];
	v55 =	vshrl.u32 v5, $0x4;
	[tilespmem:$0x540] =	vst v53  }
0x2b: {  	v58 =	vld [tilespmem:$0xB0];
	v57 =	vshrl.u32 v48, $0x4;
	[tilespmem:$0x550] =	vst v55  }
0x2c: {  	v60 =	vld [tilespmem:$0xC0];
	v59 =	vshrl.u32 v50, $0x4;
	[tilespmem:$0x560] =	vst v57  }
0x2d: {  	v62 =	vld [tilespmem:$0xD0];
	v61 =	vshrl.u32 v52, $0x4;
	[tilespmem:$0x570] =	vst v59  }
0x2e: {  	v8 =	vld [tilespmem:$0xE0];
	v63 =	vshrl.u32 v54, $0x4;
	[tilespmem:$0x580] =	vst v61  }
0x2f: {  	v10 =	vld [tilespmem:$0xF0];
	v9 =	vshrl.u32 v56, $0x4;
	[tilespmem:$0x590] =	vst v63  }
0x30: {  	v12 =	vld [tilespmem:$0x100];
	v11 =	vshrl.u32 v58, $0x4;
	[tilespmem:$0x5A0] =	vst v9  }
0x31: {  	v14 =	vld [tilespmem:$0x110];
	v13 =	vshrl.u32 v60, $0x4;
	[tilespmem:$0x5B0] =	vst v11  }
0x32: {  	v16 =	vld [tilespmem:$0x120];
	v15 =	vshrl.u32 v62, $0x4;
	[tilespmem:$0x5C0] =	vst v13  }
0x33: {  	v18 =	vld [tilespmem:$0x130];
	v17 =	vshrl.u32 v8, $0x4;
	[tilespmem:$0x5D0] =	vst v15  }
0x34: {  	v20 =	vld [tilespmem:$0x140];
	v19 =	vshrl.u32 v10, $0x4;
	[tilespmem:$0x5E0] =	vst v17  }
0x35: {  	v22 =	vld [tilespmem:$0x150];
	v21 =	vshrl.u32 v12, $0x4;
	[tilespmem:$0x5F0] =	vst v19  }
0x36: {  	v24 =	vld [tilespmem:$0x160];
	v23 =	vshrl.u32 v14, $0x4;
	[tilespmem:$0x600] =	vst v21  }
0x37: {  	v26 =	vld [tilespmem:$0x170];
	v25 =	vshrl.u32 v16, $0x4;
	[tilespmem:$0x610] =	vst v23  }
0x38: {  	v28 =	vld [tilespmem:$0x180];
	v27 =	vshrl.u32 v18, $0x4;
	[tilespmem:$0x620] =	vst v25  }
0x39: {  	v30 =	vld [tilespmem:$0x190];
	v29 =	vshrl.u32 v20, $0x4;
	[tilespmem:$0x630] =	vst v27  }
0x3a: {  	v32 =	vld [tilespmem:$0x1A0];
	v31 =	vshrl.u32 v22, $0x4;
	[tilespmem:$0x640] =	vst v29  }
0x3b: {  	v34 =	vld [tilespmem:$0x1B0];
	v33 =	vshrl.u32 v24, $0x4;
	[tilespmem:$0x650] =	vst v31  }
0x3c: {  	v36 =	vld [tilespmem:$0x1C0];
	v35 =	vshrl.u32 v26, $0x4;
	[tilespmem:$0x660] =	vst v33  }
0x3d: {  	v38 =	vld [tilespmem:$0x1D0];
	v37 =	vshrl.u32 v28, $0x4;
	[tilespmem:$0x670] =	vst v35  }
0x3e: {  	v40 =	vld [tilespmem:$0x1E0];
	v39 =	vshrl.u32 v30, $0x4;
	[tilespmem:$0x680] =	vst v37  }
0x3f: {  	v42 =	vld [tilespmem:$0x1F0];
	v41 =	vshrl.u32 v32, $0x4;
	[tilespmem:$0x690] =	vst v39  }
0x40: {  	v44 =	vld [tilespmem:$0x200];
	v43 =	vshrl.u32 v34, $0x4;
	[tilespmem:$0x6A0] =	vst v41  }
0x41: {  	v46 =	vld [tilespmem:$0x210];
	v45 =	vshrl.u32 v36, $0x4;
	[tilespmem:$0x6B0] =	vst v43  }
0x42: {  	v48 =	vld [tilespmem:$0x220];
	[tilespmem:$0x6C0] =	vst v45;
	v47 =	vshrl.u32 v38, $0x4  }
0x43: {  	v50 =	vld [tilespmem:$0x230];
	v49 =	vshrl.u32 v40, $0x4;
	[tilespmem:$0x6D0] =	vst v47  }
0x44: {  	v52 =	vld [tilespmem:$0x240];
	v51 =	vshrl.u32 v42, $0x4;
	[tilespmem:$0x6E0] =	vst v49  }
0x45: {  	v54 =	vld [tilespmem:$0x250];
	v53 =	vshrl.u32 v44, $0x4;
	[tilespmem:$0x6F0] =	vst v51  }
0x46: {  	v56 =	vld [tilespmem:$0x260];
	v55 =	vshrl.u32 v46, $0x4;
	[tilespmem:$0x700] =	vst v53  }
0x47: {  	v58 =	vld [tilespmem:$0x270];
	[tilespmem:$0x710] =	vst v55;
	v57 =	vshrl.u32 v48, $0x4  }
0x48: {  	v59 =	vshrl.u32 v50, $0x4;
	[tilespmem:$0x720] =	vst v57  }
0x49: {  	v60 =	vshrl.u32 v52, $0x4;
	[tilespmem:$0x730] =	vst v59  }
0x4a: {  	v61 =	vshrl.u32 v54, $0x4;
	[tilespmem:$0x740] =	vst v60  }
0x4b: {  	v62 =	vshrl.u32 v56, $0x4;
	[tilespmem:$0x750] =	vst v61  }
0x4c: {  	v63 =	vshrl.u32 v58, $0x4;
	[tilespmem:$0x760] =	vst v62  }
0x4d: {  	[tilespmem:$0x770] =	vst v63  }
0x4e: {  	[tilespmem:s9], [sflag:$0x1] =	stream.indirect.gather [hbm4b:s3+s8], $0x20, s2, s8, $0xb8;
	[tilespmem:$0xCF80] =	vst v63  }
0x4f: {  	s12 =	rddreg [dreg:$0x7]  }
0x50: {  	[tilespmem:s10], [sflag:$0x1] =	stream.indirect.gather [hbm4b:s3+s8], $0x20, s7, s8, $0xb8;
	[tilespmem:$0xCF80] =	vst v63  }
0x51: {  	s0 =	rddreg [dreg:$0x8]  }
0x52: {  	[tilespmem:s11], [sflag:$0x1] =	stream.indirect.gather [hbm4b:s4+s8], $0x10, s12, s8, $0xb8;
	[tilespmem:$0xCF80] =	vst v63  }
0x53: {  	s13 =	rddreg [dreg:$0xa]  }
0x54: {  	[tilespmem:s0], [sflag:$0x1] =	stream.indirect.gather [hbm4b:s3+s8], $0x20, s8, s8, $0xb8;
	[tilespmem:$0xCF80] =	vst v63  }
0x55: {  	s12 =	rddreg [dreg:$0x9]  }
0x56: {  	[tilespmem:s13], [sflag:$0x1] =	stream.indirect.gather [hbm4b:s3+s8], $0x20, s12, s8, $0xb8;
	[tilespmem:$0xCF80] =	vst v63  }
0x57: {  	s0 =	rddreg [dreg:$0xb];
	s13 =	simm.s32 $0xAF80  }
0x58: {  	[tilespmem:s13], [sflag:$0x1] =	stream.indirect.gather [hbm4b:s4+s8], $0x10, s0, s8, $0xb8;
	[tilespmem:$0xCF80] =	vst v63  }
0x59: {  	s12 =	simm.s32 $0x100  }
0x5a: {  	[tilespmem:s14], [sflag:$0x1] =	stream.indirect.gather [hbm4b:s3+s8], $0x20, s12, s8, $0xb8;
	[tilespmem:$0xCF80] =	vst v63  }
0x5b: {  	_ = 	snop  }
0x5c: {  	[tilespmem:s16], [sflag:$0x1] =	stream.indirect.gather [hbm4b:s3+s8], $0x20, s15, s8, $0xb8;
	[tilespmem:$0xCF80] =	vst v63  }
0x5d: {  	_ = 	snop  }
0x5e: {  	[tilespmem:s18], [sflag:$0x1] =	stream.indirect.gather [hbm4b:s4+s8], $0x10, s17, s8, $0xb8;
	[tilespmem:$0xCF80] =	vst v63  }
0x5f: {  	_ = 	snop  }
0x60: {  	[tilespmem:s20], [sflag:$0x1] =	stream.indirect.gather [hbm4b:s3+s8], $0x20, s19, s8, $0xb8;
	[tilespmem:$0xCF80] =	vst v63  }
0x61: {  	_ = 	snop  }
0x62: {  	[tilespmem:s22], [sflag:$0x1] =	stream.indirect.gather [hbm4b:s3+s8], $0x20, s21, s8, $0xb8;
	[tilespmem:$0xCF80] =	vst v63  }
0x63: {  	_ = 	snop  }
0x64: {  	[tilespmem:s24], [sflag:$0x1] =	stream.indirect.gather [hbm4b:s4+s8], $0x10, s23, s8, $0xb8;
	[tilespmem:$0xCF80] =	vst v63  }
0x65: {  	_ = 	snop  }
0x66: {  	[tilespmem:s26], [sflag:$0x1] =	stream.indirect.gather [hbm4b:s3+s8], $0x20, s25, s8, $0xb8;
	[tilespmem:$0xCF80] =	vst v63  }
0x67: {  	_ = 	snop  }
0x68: {  	[tilespmem:s29], [sflag:$0x1] =	stream.indirect.gather [hbm4b:s3+s8], $0x20, s28, s8, $0xb8;
	[tilespmem:$0xCF80] =	vst v63  }
0x69: {  	_ = 	snop  }
0x6a: {  	[tilespmem:s31], [sflag:$0x1] =	stream.indirect.gather [hbm4b:s4+s8], $0x10, s30, s8, $0xb8;
	[tilespmem:$0xCF80] =	vst v63  }
0x6b: {  	_ =	swait.ge [sflag:s1], $0x1000  }
0x6c: {  	[sflag:s1] =	ssyncset.done $0x0  }
0x6d: {  	[sflag:s1] =	ssyncadd.s32 $0xFFFFF000  }
0x6e: {  	_ =	swait.ge [sflag:s1], $0x1000  }
0x6f: {  	[sflag:s1] =	ssyncset.done $0x0  }
0x70: {  	[sflag:s1] =	ssyncadd.s32 $0xFFFFF000  }
0x71: {  	_ =	swait.ge [sflag:s1], $0x800  }
0x72: {  	[sflag:s1] =	ssyncset.done $0x0  }
0x73: {  	[sflag:s1] =	ssyncadd.s32 $0xFFFFF800  }
0x74: {  	_ =	swait.ge [sflag:s1], $0x1000  }
0x75: {  	[sflag:s1] =	ssyncset.done $0x0  }
0x76: {  	[sflag:s1] =	ssyncadd.s32 $0xFFFFF000  }
0x77: {  	_ =	swait.ge [sflag:s1], $0x1000  }
0x78: {  	[sflag:s1] =	ssyncset.done $0x0  }
0x79: {  	[sflag:s1] =	ssyncadd.s32 $0xFFFFF000  }
0x7a: {  	_ =	swait.ge [sflag:s1], $0x800  }
0x7b: {  	[sflag:s1] =	ssyncset.done $0x0  }
0x7c: {  	[sflag:s1] =	ssyncadd.s32 $0xFFFFF800  }
0x7d: {  	_ =	swait.ge [sflag:s1], $0x1000  }
0x7e: {  	[sflag:s1] =	ssyncset.done $0x0  }
0x7f: {  	[sflag:s1] =	ssyncadd.s32 $0xFFFFF000  }
0x80: {  	_ =	swait.ge [sflag:s1], $0x1000  }
0x81: {  	[sflag:s1] =	ssyncset.done $0x0  }
0x82: {  	[sflag:s1] =	ssyncadd.s32 $0xFFFFF000  }
0x83: {  	_ =	swait.ge [sflag:s1], $0x800  }
0x84: {  	[sflag:s1] =	ssyncset.done $0x0  }
0x85: {  	[sflag:s1] =	ssyncadd.s32 $0xFFFFF800  }
0x86: {  	_ =	swait.ge [sflag:s1], $0x1000  }
0x87: {  	[sflag:s1] =	ssyncset.done $0x0  }
0x88: {  	[sflag:s1] =	ssyncadd.s32 $0xFFFFF000  }
0x89: {  	_ =	swait.ge [sflag:s1], $0x1000  }
0x8a: {  	[sflag:s1] =	ssyncset.done $0x0  }
0x8b: {  	[sflag:s1] =	ssyncadd.s32 $0xFFFFF000  }
0x8c: {  	_ =	swait.ge [sflag:s1], $0x800  }
0x8d: {  	[sflag:s1] =	ssyncset.done $0x0  }
0x8e: {  	[sflag:s1] =	ssyncadd.s32 $0xFFFFF800  }
0x8f: {  	_ =	swait.ge [sflag:s1], $0x1000  }
0x90: {  	[sflag:s1] =	ssyncset.done $0x0  }
0x91: {  	[sflag:s1] =	ssyncadd.s32 $0xFFFFF000  }
0x92: {  	_ =	swait.ge [sflag:s1], $0x1000  }
0x93: {  	[sflag:s1] =	ssyncset.done $0x0  }
0x94: {  	[sflag:s1] =	ssyncadd.s32 $0xFFFFF000  }
0x95: {  	_ =	swait.ge [sflag:s1], $0x800  }
0x96: {  	[sflag:s1] =	ssyncset.done $0x0  }
0x97: {  	s13 =	rddreg [dreg:$0x4];
	[sflag:s1] =	ssyncadd.s32 $0xFFFFF800  }
0x98: {  	[hbm4b:s13+s2] =	stream.linear.scatter [tilespmem:s9], [sflag:$0x2], $0x5000, $0x38;
	[tilespmem:$0xCF80] =	vst v63  }
0x99: {  	_ =	swait.ge [sflag:s6], $0x5000  }
0x9a: {  	[sflag:s6] =	ssyncset.done $0x0  }
0x9b: {  	s12 =	rddreg [dreg:$0x5];
	[sflag:s6] =	ssyncadd.s32 $0xFFFFB000  }
0x9c: {  	[hbm4b:s12+s2] =	stream.linear.scatter [tilespmem:s10], [sflag:$0x2], $0x5000, $0x38;
	[tilespmem:$0xCF80] =	vst v63  }
0x9d: {  	_ =	swait.ge [sflag:s6], $0x5000  }
0x9e: {  	p0 =	sne.s32 s5, $0x1;
	[sflag:s6] =	ssyncset.done $0x0  }
.Ltmp0:
0x9f: {  	s13 =	rddreg [dreg:$0x6];
	[sflag:s6] =	ssyncadd.s32 $0xFFFFB000;
	(pc) =	sbr.rel @p0 .LBB2_1-.Ltmp0, $4  }
0xa0: {  	[hbm4b:s13+s2] =	stream.linear.scatter [tilespmem:s11], [sflag:$0x2], $0x2800, $0x38;
	[tilespmem:$0xCF80] =	vst v63  }
0xa1: {  	_ =	swait.ge [sflag:s6], $0x2800  }
0xa2: {  	[sflag:s6] =	ssyncset.done $0x0  }
0xa3: {  	s5 =	sadd.s32 $0xFFFFFFFF, s5;
	[sflag:s6] =	ssyncadd.s32 $0xFFFFD800  }
0xa4: {  	_ =	sfence.sel $0x180000  }
0xa5: {  	[bflag:$0x0] =	sbarrier.arrive $0xFFFF  }
0xa6: {  	_ =	strace $0x9000004A  }
0xa7: {  	s0 =	stileid.u32;
	[bflag:$0x2] =	sbarrier.arrive $0xFFFF  }
0xa8: {  	p0 =	sne.s32 s0, $0x0;
	s0 =	rddreg [dreg:$0x1]  }
0xa9: {  	s0 =	sadd.s32 @!p0 $0x100000, s0  }
0xaa: {  	[sflag:s0] =	ssyncadd.tile.s32 @!p0 $0x1;
	_ =	shalt  }
.Lfunc_end2:
_tile_overlayer_lowered:
.L_overlay_start_2:
0xab: {  	(tag) =	ssettag $0x2  }
0xac: {  	s0 =	rddreg [dreg:$0x0];
	s2 =	stileid.u32  }
0xad: {  	s1 =	rddreg [dreg:$0x1];
	p0 =	sne.s32 s2, $0x0  }
0xae: {  	s3 =	rddreg [dreg:$0x2];
	[bflag:$0x3] =	sbarrier.arrive $0xFFFF;
	s2 =	simm.s32 @!p0 $0x1C02  }
0xaf: {  	[timem:s3], [sflag:s2] =	dma.local @!p0 [hbm:s0], s1  }
0xb0: {  	s0 =	simm.s32 @!p0 $0x2  }
0xb1: {  	_ =	swait.ge @!p0 [sflag:s0], s1  }
0xb2: {  	s1 =	ssub.s32 @!p0 $0x0, s1;
	[sflag:s0] =	ssyncset.done @!p0 $0x0  }
0xb3: {  	[sflag:s0] =	ssyncadd.s32 @!p0 s1  }
0xb4: {  	[bflag:$0x3] =	sbarrier.arrive $0xFFFF  }
0xb5: {  	_ =	shalt  }

</sc_bundles>
